<compile_context>
chip_gen: v7x
topology: tpu7x:2x2x1
jax: 0.10.2.dev20260603
libtpu: 0.0.44.dev20260713+nightly
codegen_flags: <defaults>
</compile_context>

<pallas_src>
import functools

import jax
import jax.numpy as jnp
from jax import lax
from jax.experimental import pallas as pl
from jax.experimental.pallas import tpu as pltpu
from jax.experimental.pallas import tpu_sc as plsc

_L = 16
_NB = 5


def _make_sc_kernel(B: int, N: int):
    info = plsc.get_sparse_core_info()
    num_workers = info.num_cores * info.num_subcores
    total = B * N
    assert total % num_workers == 0
    chunk = total // num_workers
    assert chunk % _L == 0 and N % chunk == 0
    sub = chunk // _NB
    assert sub % _L == 0 and sub % 8 == 0
    wpi = N // chunk
    npad = ((N + 127) // 128) * 128

    mesh = plsc.VectorSubcoreMesh(core_axis_name="c", subcore_axis_name="s")

    @functools.partial(
        pl.kernel,
        mesh=mesh,
        compiler_params=pltpu.CompilerParams(
            needs_layout_passes=False, use_tc_tiling_on_sc=False),
        out_type=jax.ShapeDtypeStruct((B * npad,), jnp.float32),
        scratch_types=[
            pltpu.VMEM((2, 4, sub), jnp.float32),
            pltpu.VMEM((4, _L), jnp.float32),
            pltpu.VMEM((chunk,), jnp.float32),
            pltpu.SemaphoreType.DMA,
            pltpu.SemaphoreType.DMA,
            pltpu.SemaphoreType.DMA,
        ],
    )
    def sc_kernel(anchor_hbm, out_hbm, anc_v, lab_v, out_v,
                  in_sem0, in_sem1, out_sem):
        wid = lax.axis_index("s") * info.num_cores + lax.axis_index("c")
        img = wid // wpi
        c0 = (wid % wpi) * chunk
        in_sems = (in_sem0, in_sem1)

        def start_in(k):
            slot = k % 2
            handles = []
            for c in range(4):
                handles.append(pltpu.async_copy(
                    anchor_hbm.at[img, c, pl.ds(c0 + k * sub, sub)],
                    anc_v.at[slot, c], in_sems[slot]))
            return handles

        pending = start_in(0)
        pltpu.sync_copy(anchor_hbm.at[img, pl.ds(0, 4), pl.ds(N, _L)], lab_v)

        lx = lab_v[0, pl.ds(0, _L)]
        ly = lab_v[1, pl.ds(0, _L)]
        lw = lab_v[2, pl.ds(0, _L)]
        lh = lab_v[3, pl.ds(0, _L)]
        lxw = lx + lw
        lyh = ly + lh
        larea = lw * lh

        out_handles = []
        for k in range(_NB):
            slot = k % 2
            for h in pending:
                h.wait()
            pending = start_in(k + 1) if k + 1 < _NB else []

            @plsc.parallel_loop(0, sub, step=_L, unroll=8)
            def _step(i, slot=slot, k=k):
                sl = pl.ds(i, _L)
                xs = anc_v[slot, 0, sl]
                ys = anc_v[slot, 1, sl]
                aw = anc_v[slot, 2, sl]
                ah = anc_v[slot, 3, sl]
                x1 = jnp.maximum(xs, lx)
                y1 = jnp.maximum(ys, ly)
                x2 = jnp.minimum(xs + aw, lxw)
                y2 = jnp.minimum(ys + ah, lyh)
                iw = jnp.maximum(x2 - x1, 0.0)
                ih = jnp.maximum(y2 - y1, 0.0)
                inter = iw * ih
                union = jnp.maximum(aw * ah + larea - inter, 1e-6)
                hit = inter >= 0.5 * union
                out_v[pl.ds(k * sub + i, _L)] = jnp.where(hit, 1.0, 0.0)

            out_handles.append(pltpu.async_copy(
                out_v.at[pl.ds(k * sub, sub)],
                out_hbm.at[pl.ds(img * npad + c0 + k * sub, sub)], out_sem))

        for h in out_handles:
            h.wait()

    return sc_kernel


def kernel(anchor, label, cls_label, labelnum):
    B, N, _ = anchor.shape
    sc = _make_sc_kernel(B, N)
    anc_t = jnp.concatenate(
        [jnp.transpose(anchor, (0, 2, 1)),
         jnp.broadcast_to(label[:, :, None], (B, 4, _L))], axis=2)
    out_flat = sc(anc_t)
    npad = ((N + 127) // 128) * 128
    return lax.slice(out_flat.reshape(B, npad, 1), (0, 0, 0), (B, N, 1))

# --- scband reference (transcript-rebuilt; emitter-appended) ---
"""Pipeline reference for scband-make-label-22273700397557 (READ-ONLY COPY).

The authoritative reference and input builder live on the scoring server;
editing this copy changes nothing except your own understanding.
"""

import jax, jax.numpy as jnp
import numpy as np


def setup_inputs(seed: int = 0) -> dict:
    key = jax.random.key(seed)
    k1, k2 = jax.random.split(key)
    anchor = jax.random.uniform(k1, (16, 20000, 4), dtype=jnp.float32) * 256.0
    label = jax.random.uniform(k2, (16, 4), dtype=jnp.float32) * 256.0
    return {"anchor": anchor, "label": label, "cls_label": 0, "labelnum": 1}


def call_iou(anchor, label):
    # label: [B, 4] -> broadcast to [B, N, 4] (torch unsqueeze+repeat)
    lab = jnp.broadcast_to(label[:, None, :], anchor.shape)
    anchor_widths = jnp.minimum(anchor[:, :, 2], 1000.0)
    anchor_heights = jnp.minimum(anchor[:, :, 3], 1000.0)
    x1 = jnp.maximum(anchor[:, :, 0], lab[:, :, 0])
    y1 = jnp.maximum(anchor[:, :, 1], lab[:, :, 1])
    x2 = jnp.minimum(anchor[:, :, 0] + anchor_widths, lab[:, :, 0] + lab[:, :, 2])
    y2 = jnp.minimum(anchor[:, :, 1] + anchor_heights, lab[:, :, 1] + lab[:, :, 3])
    inter_width = jnp.maximum(x2 - x1, 0.0)
    inter_height = jnp.maximum(y2 - y1, 0.0)
    inter_area = inter_width * inter_height
    anchor_area = anchor_widths * anchor_heights
    label_area = lab[:, :, 2] * lab[:, :, 3]
    union_area = jnp.maximum(anchor_area + label_area - inter_area, 1e-06)
    iou = inter_area / union_area
    return iou


def reference(anchor, label, cls_label=0, labelnum=1):
    iou = call_iou(anchor, label)
    labels = jnp.zeros((anchor.shape[0], anchor.shape[1], 1), dtype=anchor.dtype)
    labels = labels * jnp.asarray(labelnum, dtype=anchor.dtype)
    # torch: indices = nonzero(iou >= 0.5); labels[i0, i1, cls_label] = 1
    # jit-friendly equivalent: scatter-overwrite 1.0 where mask holds, keep prior value elsewhere
    mask = iou >= 0.5
    labels = labels.at[:, :, cls_label].set(jnp.where(mask, 1.0, labels[:, :, cls_label]))
    return labels

if __name__ == "__main__":
    import jax
    _d = setup_inputs()
    print(jax.jit(kernel)(*tuple(_d.values())))

</pallas_src>

<mosaic_0001>
#map = affine_map<(d0, d1) -> (0, 0, 0)>
#map1 = affine_map<(d0, d1) -> (0)>
module attributes {stable_mosaic.version = 14 : i64} {
  func.func @sc_kernel(%arg0: i32, %arg1: i32, %arg2: memref<16x4x20016xf32, #tpu.memory_space<hbm>>, %arg3: memref<321536xf32, #tpu.memory_space<hbm>>, %arg4: memref<2x4x2000xf32, #tpu.memory_space<vmem>>, %arg5: memref<4x16xf32, #tpu.memory_space<vmem>>, %arg6: memref<10000xf32, #tpu.memory_space<vmem>>, %arg7: memref<!tpu.dma_semaphore, #tpu.memory_space<semaphore_mem>>, %arg8: memref<!tpu.dma_semaphore, #tpu.memory_space<semaphore_mem>>, %arg9: memref<!tpu.dma_semaphore, #tpu.memory_space<semaphore_mem>>) attributes {dimension_semantics = [#tpu.dimension_semantics<core_parallel>, #tpu.dimension_semantics<subcore_parallel>], iteration_bounds = array<i64: 2, 16>, scalar_prefetch = 0 : i64, scratch_operands = 6 : i64, tpu.core_type = #tpu.core_type<sc_vector_subcore>, window_params = [{transform_indices = #map}, {transform_indices = #map1}]} {
    %mul3A = arith.constant 2 : i32
    %mul3A_0 = arith.muli %arg1, %mul3A : i32
    %add3A = arith.addi %mul3A_0, %arg0 : i32
    %jit3A = arith.constant 2 : i32
    %div3A = arith.divsi %add3A, %jit3A : i32
    %sign3A = arith.constant 0 : i32
    %sign3A_1 = arith.cmpi sgt, %add3A, %sign3A : i32
    %sign3A_2 = arith.extui %sign3A_1 : i1 to i32
    %sign3A_3 = arith.constant 0 : i32
    %sign3A_4 = arith.cmpi slt, %add3A, %sign3A_3 : i32
    %sign3A_5 = arith.extui %sign3A_4 : i1 to i32
    %sign3A_6 = arith.subi %sign3A_2, %sign3A_5 : i32
    %sign3A_7 = arith.constant 0 : i32
    %sign3A_8 = arith.cmpi sgt, %jit3A, %sign3A_7 : i32
    %sign3A_9 = arith.extui %sign3A_8 : i1 to i32
    %sign3A_10 = arith.constant 0 : i32
    %sign3A_11 = arith.cmpi slt, %jit3A, %sign3A_10 : i32
    %sign3A_12 = arith.extui %sign3A_11 : i1 to i32
    %sign3A_13 = arith.subi %sign3A_9, %sign3A_12 : i32
    %ne3A = arith.cmpi ne, %sign3A_6, %sign3A_13 : i32
    %rem3A = arith.remsi %add3A, %jit3A : i32
    %ne3A_14 = arith.constant 0 : i32
    %ne3A_15 = arith.cmpi ne, %rem3A, %ne3A_14 : i32
    %and3A = arith.andi %ne3A, %ne3A_15 : i1
    %sub3A = arith.constant 1 : i32
    %sub3A_16 = arith.subi %div3A, %sub3A : i32
    %select_n3A = arith.select %and3A, %sub3A_16, %div3A : i32
    %jit3A_17 = arith.constant 2 : i32
    %eq3A = arith.constant 0 : i32
    %eq3A_18 = arith.cmpi eq, %jit3A_17, %eq3A : i32
    %jit3A_19 = arith.constant 1 : i32
    %select_n3A_20 = arith.select %eq3A_18, %jit3A_19, %jit3A_17 : i32
    %rem3A_21 = arith.remsi %add3A, %select_n3A_20 : i32
    %ne3A_22 = arith.constant 0 : i32
    %ne3A_23 = arith.cmpi ne, %rem3A_21, %ne3A_22 : i32
    %lt3A = arith.constant 0 : i32
    %lt3A_24 = arith.cmpi slt, %rem3A_21, %lt3A : i32
    %lt3A_25 = arith.constant 0 : i32
    %lt3A_26 = arith.cmpi slt, %select_n3A_20, %lt3A_25 : i32
    %ne3A_27 = arith.xori %lt3A_24, %lt3A_26 : i1
    %and3A_28 = arith.andi %ne3A_27, %ne3A_23 : i1
    %add3A_29 = arith.addi %rem3A_21, %select_n3A_20 : i32
    %select_n3A_30 = arith.select %and3A_28, %add3A_29, %rem3A_21 : i32
    %mul3A_31 = arith.constant 10000 : i32
    %mul3A_32 = arith.muli %select_n3A_30, %mul3A_31 : i32
    %add3A_33 = arith.constant 0 : i32
    %add3A_34 = arith.addi %mul3A_32, %add3A_33 : i32
    %dma_start3A = arith.constant 0 : i32
    %dma_start3A_35 = arith.constant 0 : i32
    %dma_start3A_36 = arith.constant 0 : i32
    %dma_start3A_37 = arith.constant 0 : i32
    %dma_start3A_38 = tpu.memref_slice %arg4[%dma_start3A_35, %dma_start3A_36, %dma_start3A_37] : memref<2x4x2000xf32, #tpu.memory_space<vmem>> -> memref<1x1x2000xf32, #tpu.memory_space<vmem>>
    %dma_start3A_39 = tpu.memref_squeeze %dma_start3A_38 : memref<1x1x2000xf32, #tpu.memory_space<vmem>> -> memref<2000xf32, #tpu.memory_space<vmem>>
    %dma_start3A_40 = tpu.memref_slice %arg2[%select_n3A, %dma_start3A, %add3A_34] : memref<16x4x20016xf32, #tpu.memory_space<hbm>> -> memref<1x1x2000xf32, #tpu.memory_space<hbm>>
    %dma_start3A_41 = tpu.memref_squeeze %dma_start3A_40 : memref<1x1x2000xf32, #tpu.memory_space<hbm>> -> memref<2000xf32, #tpu.memory_space<hbm>>
    %dma_start3A_42 = arith.constant 0 : i32
    %dma_start3A_43 = tpu.memref_slice %arg4[%dma_start3A_35, %dma_start3A_36, %dma_start3A_42] : memref<2x4x2000xf32, #tpu.memory_space<vmem>> -> memref<1x1x2000xf32, #tpu.memory_space<vmem>>
    %dma_start3A_44 = tpu.memref_squeeze %dma_start3A_43 : memref<1x1x2000xf32, #tpu.memory_space<vmem>> -> memref<2000xf32, #tpu.memory_space<vmem>>
    %dma_start3A_45 = tpu.memref_slice %arg2[%select_n3A, %dma_start3A, %add3A_34] : memref<16x4x20016xf32, #tpu.memory_space<hbm>> -> memref<1x1x2000xf32, #tpu.memory_space<hbm>>
    %dma_start3A_46 = tpu.memref_squeeze %dma_start3A_45 : memref<1x1x2000xf32, #tpu.memory_space<hbm>> -> memref<2000xf32, #tpu.memory_space<hbm>>
    tpu.enqueue_dma source(%dma_start3A_46 : memref<2000xf32, #tpu.memory_space<hbm>>) target(%dma_start3A_44 : memref<2000xf32, #tpu.memory_space<vmem>>) target_semaphore(%arg7 : memref<!tpu.dma_semaphore, #tpu.memory_space<semaphore_mem>>)
    %add3A_47 = arith.constant 0 : i32
    %add3A_48 = arith.addi %mul3A_32, %add3A_47 : i32
    %dma_start3A_49 = arith.constant 1 : i32
    %dma_start3A_50 = arith.constant 0 : i32
    %dma_start3A_51 = arith.constant 1 : i32
    %dma_start3A_52 = arith.constant 0 : i32
    %dma_start3A_53 = tpu.memref_slice %arg4[%dma_start3A_50, %dma_start3A_51, %dma_start3A_52] : memref<2x4x2000xf32, #tpu.memory_space<vmem>> -> memref<1x1x2000xf32, #tpu.memory_space<vmem>>
    %dma_start3A_54 = tpu.memref_squeeze %dma_start3A_53 : memref<1x1x2000xf32, #tpu.memory_space<vmem>> -> memref<2000xf32, #tpu.memory_space<vmem>>
    %dma_start3A_55 = tpu.memref_slice %arg2[%select_n3A, %dma_start3A_49, %add3A_48] : memref<16x4x20016xf32, #tpu.memory_space<hbm>> -> memref<1x1x2000xf32, #tpu.memory_space<hbm>>
    %dma_start3A_56 = tpu.memref_squeeze %dma_start3A_55 : memref<1x1x2000xf32, #tpu.memory_space<hbm>> -> memref<2000xf32, #tpu.memory_space<hbm>>
    %dma_start3A_57 = arith.constant 0 : i32
    %dma_start3A_58 = tpu.memref_slice %arg4[%dma_start3A_50, %dma_start3A_51, %dma_start3A_57] : memref<2x4x2000xf32, #tpu.memory_space<vmem>> -> memref<1x1x2000xf32, #tpu.memory_space<vmem>>
    %dma_start3A_59 = tpu.memref_squeeze %dma_start3A_58 : memref<1x1x2000xf32, #tpu.memory_space<vmem>> -> memref<2000xf32, #tpu.memory_space<vmem>>
    %dma_start3A_60 = tpu.memref_slice %arg2[%select_n3A, %dma_start3A_49, %add3A_48] : memref<16x4x20016xf32, #tpu.memory_space<hbm>> -> memref<1x1x2000xf32, #tpu.memory_space<hbm>>
    %dma_start3A_61 = tpu.memref_squeeze %dma_start3A_60 : memref<1x1x2000xf32, #tpu.memory_space<hbm>> -> memref<2000xf32, #tpu.memory_space<hbm>>
    tpu.enqueue_dma source(%dma_start3A_61 : memref<2000xf32, #tpu.memory_space<hbm>>) target(%dma_start3A_59 : memref<2000xf32, #tpu.memory_space<vmem>>) target_semaphore(%arg7 : memref<!tpu.dma_semaphore, #tpu.memory_space<semaphore_mem>>)
    %add3A_62 = arith.constant 0 : i32
    %add3A_63 = arith.addi %mul3A_32, %add3A_62 : i32
    %dma_start3A_64 = arith.constant 2 : i32
    %dma_start3A_65 = arith.constant 0 : i32
    %dma_start3A_66 = arith.constant 2 : i32
    %dma_start3A_67 = arith.constant 0 : i32
    %dma_start3A_68 = tpu.memref_slice %arg4[%dma_start3A_65, %dma_start3A_66, %dma_start3A_67] : memref<2x4x2000xf32, #tpu.memory_space<vmem>> -> memref<1x1x2000xf32, #tpu.memory_space<vmem>>
    %dma_start3A_69 = tpu.memref_squeeze %dma_start3A_68 : memref<1x1x2000xf32, #tpu.memory_space<vmem>> -> memref<2000xf32, #tpu.memory_space<vmem>>
    %dma_start3A_70 = tpu.memref_slice %arg2[%select_n3A, %dma_start3A_64, %add3A_63] : memref<16x4x20016xf32, #tpu.memory_space<hbm>> -> memref<1x1x2000xf32, #tpu.memory_space<hbm>>
    %dma_start3A_71 = tpu.memref_squeeze %dma_start3A_70 : memref<1x1x2000xf32, #tpu.memory_space<hbm>> -> memref<2000xf32, #tpu.memory_space<hbm>>
    %dma_start3A_72 = arith.constant 0 : i32
    %dma_start3A_73 = tpu.memref_slice %arg4[%dma_start3A_65, %dma_start3A_66, %dma_start3A_72] : memref<2x4x2000xf32, #tpu.memory_space<vmem>> -> memref<1x1x2000xf32, #tpu.memory_space<vmem>>
    %dma_start3A_74 = tpu.memref_squeeze %dma_start3A_73 : memref<1x1x2000xf32, #tpu.memory_space<vmem>> -> memref<2000xf32, #tpu.memory_space<vmem>>
    %dma_start3A_75 = tpu.memref_slice %arg2[%select_n3A, %dma_start3A_64, %add3A_63] : memref<16x4x20016xf32, #tpu.memory_space<hbm>> -> memref<1x1x2000xf32, #tpu.memory_space<hbm>>
    %dma_start3A_76 = tpu.memref_squeeze %dma_start3A_75 : memref<1x1x2000xf32, #tpu.memory_space<hbm>> -> memref<2000xf32, #tpu.memory_space<hbm>>
    tpu.enqueue_dma source(%dma_start3A_76 : memref<2000xf32, #tpu.memory_space<hbm>>) target(%dma_start3A_74 : memref<2000xf32, #tpu.memory_space<vmem>>) target_semaphore(%arg7 : memref<!tpu.dma_semaphore, #tpu.memory_space<semaphore_mem>>)
    %add3A_77 = arith.constant 0 : i32
    %add3A_78 = arith.addi %mul3A_32, %add3A_77 : i32
    %dma_start3A_79 = arith.constant 3 : i32
    %dma_start3A_80 = arith.constant 0 : i32
    %dma_start3A_81 = arith.constant 3 : i32
    %dma_start3A_82 = arith.constant 0 : i32
    %dma_start3A_83 = tpu.memref_slice %arg4[%dma_start3A_80, %dma_start3A_81, %dma_start3A_82] : memref<2x4x2000xf32, #tpu.memory_space<vmem>> -> memref<1x1x2000xf32, #tpu.memory_space<vmem>>
    %dma_start3A_84 = tpu.memref_squeeze %dma_start3A_83 : memref<1x1x2000xf32, #tpu.memory_space<vmem>> -> memref<2000xf32, #tpu.memory_space<vmem>>
    %dma_start3A_85 = tpu.memref_slice %arg2[%select_n3A, %dma_start3A_79, %add3A_78] : memref<16x4x20016xf32, #tpu.memory_space<hbm>> -> memref<1x1x2000xf32, #tpu.memory_space<hbm>>
    %dma_start3A_86 = tpu.memref_squeeze %dma_start3A_85 : memref<1x1x2000xf32, #tpu.memory_space<hbm>> -> memref<2000xf32, #tpu.memory_space<hbm>>
    %dma_start3A_87 = arith.constant 0 : i32
    %dma_start3A_88 = tpu.memref_slice %arg4[%dma_start3A_80, %dma_start3A_81, %dma_start3A_87] : memref<2x4x2000xf32, #tpu.memory_space<vmem>> -> memref<1x1x2000xf32, #tpu.memory_space<vmem>>
    %dma_start3A_89 = tpu.memref_squeeze %dma_start3A_88 : memref<1x1x2000xf32, #tpu.memory_space<vmem>> -> memref<2000xf32, #tpu.memory_space<vmem>>
    %dma_start3A_90 = tpu.memref_slice %arg2[%select_n3A, %dma_start3A_79, %add3A_78] : memref<16x4x20016xf32, #tpu.memory_space<hbm>> -> memref<1x1x2000xf32, #tpu.memory_space<hbm>>
    %dma_start3A_91 = tpu.memref_squeeze %dma_start3A_90 : memref<1x1x2000xf32, #tpu.memory_space<hbm>> -> memref<2000xf32, #tpu.memory_space<hbm>>
    tpu.enqueue_dma source(%dma_start3A_91 : memref<2000xf32, #tpu.memory_space<hbm>>) target(%dma_start3A_89 : memref<2000xf32, #tpu.memory_space<vmem>>) target_semaphore(%arg7 : memref<!tpu.dma_semaphore, #tpu.memory_space<semaphore_mem>>)
    "tpu.region"() ({
      %run_scoped3A = tpu.sem_alloc : memref<!tpu.dma_semaphore, #tpu.memory_space<semaphore_mem>>
      %dma_start3A_708 = arith.constant 0 : i32
      %dma_start3A_709 = arith.constant 20000 : i32
      %dma_start3A_710 = tpu.memref_slice %arg2[%select_n3A, %dma_start3A_708, %dma_start3A_709] : memref<16x4x20016xf32, #tpu.memory_space<hbm>> -> memref<1x4x16xf32, #tpu.memory_space<hbm>>
      %dma_start3A_711 = tpu.memref_squeeze %dma_start3A_710 : memref<1x4x16xf32, #tpu.memory_space<hbm>> -> memref<4x16xf32, #tpu.memory_space<hbm>>
      %dma_start3A_712 = arith.constant 0 : i32
      %dma_start3A_713 = arith.constant 20000 : i32
      %dma_start3A_714 = tpu.memref_slice %arg2[%select_n3A, %dma_start3A_712, %dma_start3A_713] : memref<16x4x20016xf32, #tpu.memory_space<hbm>> -> memref<1x4x16xf32, #tpu.memory_space<hbm>>
      %dma_start3A_715 = tpu.memref_squeeze %dma_start3A_714 : memref<1x4x16xf32, #tpu.memory_space<hbm>> -> memref<4x16xf32, #tpu.memory_space<hbm>>
      tpu.enqueue_dma source(%dma_start3A_715 : memref<4x16xf32, #tpu.memory_space<hbm>>) target(%arg5 : memref<4x16xf32, #tpu.memory_space<vmem>>) target_semaphore(%run_scoped3A : memref<!tpu.dma_semaphore, #tpu.memory_space<semaphore_mem>>)
      %dma_wait3A_716 = arith.constant 0 : i32
      %dma_wait3A_717 = arith.constant 20000 : i32
      %dma_wait3A_718 = tpu.memref_slice %arg2[%select_n3A, %dma_wait3A_716, %dma_wait3A_717] : memref<16x4x20016xf32, #tpu.memory_space<hbm>> -> memref<1x4x16xf32, #tpu.memory_space<hbm>>
      %dma_wait3A_719 = tpu.memref_squeeze %dma_wait3A_718 : memref<1x4x16xf32, #tpu.memory_space<hbm>> -> memref<4x16xf32, #tpu.memory_space<hbm>>
      %dma_wait3A_720 = arith.constant 0 : i32
      %dma_wait3A_721 = arith.constant 20000 : i32
      %dma_wait3A_722 = tpu.memref_slice %arg2[%select_n3A, %dma_wait3A_720, %dma_wait3A_721] : memref<16x4x20016xf32, #tpu.memory_space<hbm>> -> memref<1x4x16xf32, #tpu.memory_space<hbm>>
      %dma_wait3A_723 = tpu.memref_squeeze %dma_wait3A_722 : memref<1x4x16xf32, #tpu.memory_space<hbm>> -> memref<4x16xf32, #tpu.memory_space<hbm>>
      tpu.wait_dma2 semaphore(%run_scoped3A : memref<!tpu.dma_semaphore, #tpu.memory_space<semaphore_mem>>) src(%dma_wait3A_723 : memref<4x16xf32, #tpu.memory_space<hbm>>) dst(%arg5 : memref<4x16xf32, #tpu.memory_space<vmem>>)
      tpu.yield
    }) : () -> ()
    %get3A = arith.constant 0 : i32
    %get3A_92 = arith.index_cast %get3A : i32 to index
    %get3A_93 = arith.constant 0 : index
    %get3A_94 = tpu.vector_load %arg5[%get3A_92, %get3A_93] {strides = array<i32>} : memref<4x16xf32, #tpu.memory_space<vmem>>, vector<16xf32>,
    %get3A_95 = arith.constant 1 : i32
    %get3A_96 = arith.index_cast %get3A_95 : i32 to index
    %get3A_97 = arith.constant 0 : index
    %get3A_98 = tpu.vector_load %arg5[%get3A_96, %get3A_97] {strides = array<i32>} : memref<4x16xf32, #tpu.memory_space<vmem>>, vector<16xf32>,
    %get3A_99 = arith.constant 2 : i32
    %get3A_100 = arith.index_cast %get3A_99 : i32 to index
    %get3A_101 = arith.constant 0 : index
    %get3A_102 = tpu.vector_load %arg5[%get3A_100, %get3A_101] {strides = array<i32>} : memref<4x16xf32, #tpu.memory_space<vmem>>, vector<16xf32>,
    %get3A_103 = arith.constant 3 : i32
    %get3A_104 = arith.index_cast %get3A_103 : i32 to index
    %get3A_105 = arith.constant 0 : index
    %get3A_106 = tpu.vector_load %arg5[%get3A_104, %get3A_105] {strides = array<i32>} : memref<4x16xf32, #tpu.memory_space<vmem>>, vector<16xf32>,
    %add3A_107 = arith.addf %get3A_94, %get3A_102 : vector<16xf32>
    %add3A_108 = arith.addf %get3A_98, %get3A_106 : vector<16xf32>
    %mul3A_109 = arith.mulf %get3A_102, %get3A_106 : vector<16xf32>
    %dma_wait3A = arith.constant 0 : i32
    %dma_wait3A_110 = arith.constant 0 : i32
    %dma_wait3A_111 = arith.constant 0 : i32
    %dma_wait3A_112 = arith.constant 0 : i32
    %dma_wait3A_113 = tpu.memref_slice %arg4[%dma_wait3A_110, %dma_wait3A_111, %dma_wait3A_112] : memref<2x4x2000xf32, #tpu.memory_space<vmem>> -> memref<1x1x2000xf32, #tpu.memory_space<vmem>>
    %dma_wait3A_114 = tpu.memref_squeeze %dma_wait3A_113 : memref<1x1x2000xf32, #tpu.memory_space<vmem>> -> memref<2000xf32, #tpu.memory_space<vmem>>
    %dma_wait3A_115 = tpu.memref_slice %arg2[%select_n3A, %dma_wait3A, %add3A_34] : memref<16x4x20016xf32, #tpu.memory_space<hbm>> -> memref<1x1x2000xf32, #tpu.memory_space<hbm>>
    %dma_wait3A_116 = tpu.memref_squeeze %dma_wait3A_115 : memref<1x1x2000xf32, #tpu.memory_space<hbm>> -> memref<2000xf32, #tpu.memory_space<hbm>>
    %dma_wait3A_117 = arith.constant 0 : i32
    %dma_wait3A_118 = tpu.memref_slice %arg4[%dma_wait3A_110, %dma_wait3A_111, %dma_wait3A_117] : memref<2x4x2000xf32, #tpu.memory_space<vmem>> -> memref<1x1x2000xf32, #tpu.memory_space<vmem>>
    %dma_wait3A_119 = tpu.memref_squeeze %dma_wait3A_118 : memref<1x1x2000xf32, #tpu.memory_space<vmem>> -> memref<2000xf32, #tpu.memory_space<vmem>>
    %dma_wait3A_120 = tpu.memref_slice %arg2[%select_n3A, %dma_wait3A, %add3A_34] : memref<16x4x20016xf32, #tpu.memory_space<hbm>> -> memref<1x1x2000xf32, #tpu.memory_space<hbm>>
    %dma_wait3A_121 = tpu.memref_squeeze %dma_wait3A_120 : memref<1x1x2000xf32, #tpu.memory_space<hbm>> -> memref<2000xf32, #tpu.memory_space<hbm>>
    tpu.wait_dma2 semaphore(%arg7 : memref<!tpu.dma_semaphore, #tpu.memory_space<semaphore_mem>>) src(%dma_wait3A_121 : memref<2000xf32, #tpu.memory_space<hbm>>) dst(%dma_wait3A_119 : memref<2000xf32, #tpu.memory_space<vmem>>)
    %dma_wait3A_122 = arith.constant 1 : i32
    %dma_wait3A_123 = arith.constant 0 : i32
    %dma_wait3A_124 = arith.constant 1 : i32
    %dma_wait3A_125 = arith.constant 0 : i32
    %dma_wait3A_126 = tpu.memref_slice %arg4[%dma_wait3A_123, %dma_wait3A_124, %dma_wait3A_125] : memref<2x4x2000xf32, #tpu.memory_space<vmem>> -> memref<1x1x2000xf32, #tpu.memory_space<vmem>>
    %dma_wait3A_127 = tpu.memref_squeeze %dma_wait3A_126 : memref<1x1x2000xf32, #tpu.memory_space<vmem>> -> memref<2000xf32, #tpu.memory_space<vmem>>
    %dma_wait3A_128 = tpu.memref_slice %arg2[%select_n3A, %dma_wait3A_122, %add3A_48] : memref<16x4x20016xf32, #tpu.memory_space<hbm>> -> memref<1x1x2000xf32, #tpu.memory_space<hbm>>
    %dma_wait3A_129 = tpu.memref_squeeze %dma_wait3A_128 : memref<1x1x2000xf32, #tpu.memory_space<hbm>> -> memref<2000xf32, #tpu.memory_space<hbm>>
    %dma_wait3A_130 = arith.constant 0 : i32
    %dma_wait3A_131 = tpu.memref_slice %arg4[%dma_wait3A_123, %dma_wait3A_124, %dma_wait3A_130] : memref<2x4x2000xf32, #tpu.memory_space<vmem>> -> memref<1x1x2000xf32, #tpu.memory_space<vmem>>
    %dma_wait3A_132 = tpu.memref_squeeze %dma_wait3A_131 : memref<1x1x2000xf32, #tpu.memory_space<vmem>> -> memref<2000xf32, #tpu.memory_space<vmem>>
    %dma_wait3A_133 = tpu.memref_slice %arg2[%select_n3A, %dma_wait3A_122, %add3A_48] : memref<16x4x20016xf32, #tpu.memory_space<hbm>> -> memref<1x1x2000xf32, #tpu.memory_space<hbm>>
    %dma_wait3A_134 = tpu.memref_squeeze %dma_wait3A_133 : memref<1x1x2000xf32, #tpu.memory_space<hbm>> -> memref<2000xf32, #tpu.memory_space<hbm>>
    tpu.wait_dma2 semaphore(%arg7 : memref<!tpu.dma_semaphore, #tpu.memory_space<semaphore_mem>>) src(%dma_wait3A_134 : memref<2000xf32, #tpu.memory_space<hbm>>) dst(%dma_wait3A_132 : memref<2000xf32, #tpu.memory_space<vmem>>)
    %dma_wait3A_135 = arith.constant 2 : i32
    %dma_wait3A_136 = arith.constant 0 : i32
    %dma_wait3A_137 = arith.constant 2 : i32
    %dma_wait3A_138 = arith.constant 0 : i32
    %dma_wait3A_139 = tpu.memref_slice %arg4[%dma_wait3A_136, %dma_wait3A_137, %dma_wait3A_138] : memref<2x4x2000xf32, #tpu.memory_space<vmem>> -> memref<1x1x2000xf32, #tpu.memory_space<vmem>>
    %dma_wait3A_140 = tpu.memref_squeeze %dma_wait3A_139 : memref<1x1x2000xf32, #tpu.memory_space<vmem>> -> memref<2000xf32, #tpu.memory_space<vmem>>
    %dma_wait3A_141 = tpu.memref_slice %arg2[%select_n3A, %dma_wait3A_135, %add3A_63] : memref<16x4x20016xf32, #tpu.memory_space<hbm>> -> memref<1x1x2000xf32, #tpu.memory_space<hbm>>
    %dma_wait3A_142 = tpu.memref_squeeze %dma_wait3A_141 : memref<1x1x2000xf32, #tpu.memory_space<hbm>> -> memref<2000xf32, #tpu.memory_space<hbm>>
    %dma_wait3A_143 = arith.constant 0 : i32
    %dma_wait3A_144 = tpu.memref_slice %arg4[%dma_wait3A_136, %dma_wait3A_137, %dma_wait3A_143] : memref<2x4x2000xf32, #tpu.memory_space<vmem>> -> memref<1x1x2000xf32, #tpu.memory_space<vmem>>
    %dma_wait3A_145 = tpu.memref_squeeze %dma_wait3A_144 : memref<1x1x2000xf32, #tpu.memory_space<vmem>> -> memref<2000xf32, #tpu.memory_space<vmem>>
    %dma_wait3A_146 = tpu.memref_slice %arg2[%select_n3A, %dma_wait3A_135, %add3A_63] : memref<16x4x20016xf32, #tpu.memory_space<hbm>> -> memref<1x1x2000xf32, #tpu.memory_space<hbm>>
    %dma_wait3A_147 = tpu.memref_squeeze %dma_wait3A_146 : memref<1x1x2000xf32, #tpu.memory_space<hbm>> -> memref<2000xf32, #tpu.memory_space<hbm>>
    tpu.wait_dma2 semaphore(%arg7 : memref<!tpu.dma_semaphore, #tpu.memory_space<semaphore_mem>>) src(%dma_wait3A_147 : memref<2000xf32, #tpu.memory_space<hbm>>) dst(%dma_wait3A_145 : memref<2000xf32, #tpu.memory_space<vmem>>)
    %dma_wait3A_148 = arith.constant 3 : i32
    %dma_wait3A_149 = arith.constant 0 : i32
    %dma_wait3A_150 = arith.constant 3 : i32
    %dma_wait3A_151 = arith.constant 0 : i32
    %dma_wait3A_152 = tpu.memref_slice %arg4[%dma_wait3A_149, %dma_wait3A_150, %dma_wait3A_151] : memref<2x4x2000xf32, #tpu.memory_space<vmem>> -> memref<1x1x2000xf32, #tpu.memory_space<vmem>>
    %dma_wait3A_153 = tpu.memref_squeeze %dma_wait3A_152 : memref<1x1x2000xf32, #tpu.memory_space<vmem>> -> memref<2000xf32, #tpu.memory_space<vmem>>
    %dma_wait3A_154 = tpu.memref_slice %arg2[%select_n3A, %dma_wait3A_148, %add3A_78] : memref<16x4x20016xf32, #tpu.memory_space<hbm>> -> memref<1x1x2000xf32, #tpu.memory_space<hbm>>
    %dma_wait3A_155 = tpu.memref_squeeze %dma_wait3A_154 : memref<1x1x2000xf32, #tpu.memory_space<hbm>> -> memref<2000xf32, #tpu.memory_space<hbm>>
    %dma_wait3A_156 = arith.constant 0 : i32
    %dma_wait3A_157 = tpu.memref_slice %arg4[%dma_wait3A_149, %dma_wait3A_150, %dma_wait3A_156] : memref<2x4x2000xf32, #tpu.memory_space<vmem>> -> memref<1x1x2000xf32, #tpu.memory_space<vmem>>
    %dma_wait3A_158 = tpu.memref_squeeze %dma_wait3A_157 : memref<1x1x2000xf32, #tpu.memory_space<vmem>> -> memref<2000xf32, #tpu.memory_space<vmem>>
    %dma_wait3A_159 = tpu.memref_slice %arg2[%select_n3A, %dma_wait3A_148, %add3A_78] : memref<16x4x20016xf32, #tpu.memory_space<hbm>> -> memref<1x1x2000xf32, #tpu.memory_space<hbm>>
    %dma_wait3A_160 = tpu.memref_squeeze %dma_wait3A_159 : memref<1x1x2000xf32, #tpu.memory_space<hbm>> -> memref<2000xf32, #tpu.memory_space<hbm>>
    tpu.wait_dma2 semaphore(%arg7 : memref<!tpu.dma_semaphore, #tpu.memory_space<semaphore_mem>>) src(%dma_wait3A_160 : memref<2000xf32, #tpu.memory_space<hbm>>) dst(%dma_wait3A_158 : memref<2000xf32, #tpu.memory_space<vmem>>)
    %add3A_161 = arith.constant 2000 : i32
    %add3A_162 = arith.addi %mul3A_32, %add3A_161 : i32
    %dma_start3A_163 = arith.constant 0 : i32
    %dma_start3A_164 = arith.constant 1 : i32
    %dma_start3A_165 = arith.constant 0 : i32
    %dma_start3A_166 = arith.constant 0 : i32
    %dma_start3A_167 = tpu.memref_slice %arg4[%dma_start3A_164, %dma_start3A_165, %dma_start3A_166] : memref<2x4x2000xf32, #tpu.memory_space<vmem>> -> memref<1x1x2000xf32, #tpu.memory_space<vmem>>
    %dma_start3A_168 = tpu.memref_squeeze %dma_start3A_167 : memref<1x1x2000xf32, #tpu.memory_space<vmem>> -> memref<2000xf32, #tpu.memory_space<vmem>>
    %dma_start3A_169 = tpu.memref_slice %arg2[%select_n3A, %dma_start3A_163, %add3A_162] : memref<16x4x20016xf32, #tpu.memory_space<hbm>> -> memref<1x1x2000xf32, #tpu.memory_space<hbm>>
    %dma_start3A_170 = tpu.memref_squeeze %dma_start3A_169 : memref<1x1x2000xf32, #tpu.memory_space<hbm>> -> memref<2000xf32, #tpu.memory_space<hbm>>
    %dma_start3A_171 = arith.constant 0 : i32
    %dma_start3A_172 = tpu.memref_slice %arg4[%dma_start3A_164, %dma_start3A_165, %dma_start3A_171] : memref<2x4x2000xf32, #tpu.memory_space<vmem>> -> memref<1x1x2000xf32, #tpu.memory_space<vmem>>
    %dma_start3A_173 = tpu.memref_squeeze %dma_start3A_172 : memref<1x1x2000xf32, #tpu.memory_space<vmem>> -> memref<2000xf32, #tpu.memory_space<vmem>>
    %dma_start3A_174 = tpu.memref_slice %arg2[%select_n3A, %dma_start3A_163, %add3A_162] : memref<16x4x20016xf32, #tpu.memory_space<hbm>> -> memref<1x1x2000xf32, #tpu.memory_space<hbm>>
    %dma_start3A_175 = tpu.memref_squeeze %dma_start3A_174 : memref<1x1x2000xf32, #tpu.memory_space<hbm>> -> memref<2000xf32, #tpu.memory_space<hbm>>
    tpu.enqueue_dma source(%dma_start3A_175 : memref<2000xf32, #tpu.memory_space<hbm>>) target(%dma_start3A_173 : memref<2000xf32, #tpu.memory_space<vmem>>) target_semaphore(%arg8 : memref<!tpu.dma_semaphore, #tpu.memory_space<semaphore_mem>>)
    %add3A_176 = arith.constant 2000 : i32
    %add3A_177 = arith.addi %mul3A_32, %add3A_176 : i32
    %dma_start3A_178 = arith.constant 1 : i32
    %dma_start3A_179 = arith.constant 1 : i32
    %dma_start3A_180 = arith.constant 1 : i32
    %dma_start3A_181 = arith.constant 0 : i32
    %dma_start3A_182 = tpu.memref_slice %arg4[%dma_start3A_179, %dma_start3A_180, %dma_start3A_181] : memref<2x4x2000xf32, #tpu.memory_space<vmem>> -> memref<1x1x2000xf32, #tpu.memory_space<vmem>>
    %dma_start3A_183 = tpu.memref_squeeze %dma_start3A_182 : memref<1x1x2000xf32, #tpu.memory_space<vmem>> -> memref<2000xf32, #tpu.memory_space<vmem>>
    %dma_start3A_184 = tpu.memref_slice %arg2[%select_n3A, %dma_start3A_178, %add3A_177] : memref<16x4x20016xf32, #tpu.memory_space<hbm>> -> memref<1x1x2000xf32, #tpu.memory_space<hbm>>
    %dma_start3A_185 = tpu.memref_squeeze %dma_start3A_184 : memref<1x1x2000xf32, #tpu.memory_space<hbm>> -> memref<2000xf32, #tpu.memory_space<hbm>>
    %dma_start3A_186 = arith.constant 0 : i32
    %dma_start3A_187 = tpu.memref_slice %arg4[%dma_start3A_179, %dma_start3A_180, %dma_start3A_186] : memref<2x4x2000xf32, #tpu.memory_space<vmem>> -> memref<1x1x2000xf32, #tpu.memory_space<vmem>>
    %dma_start3A_188 = tpu.memref_squeeze %dma_start3A_187 : memref<1x1x2000xf32, #tpu.memory_space<vmem>> -> memref<2000xf32, #tpu.memory_space<vmem>>
    %dma_start3A_189 = tpu.memref_slice %arg2[%select_n3A, %dma_start3A_178, %add3A_177] : memref<16x4x20016xf32, #tpu.memory_space<hbm>> -> memref<1x1x2000xf32, #tpu.memory_space<hbm>>
    %dma_start3A_190 = tpu.memref_squeeze %dma_start3A_189 : memref<1x1x2000xf32, #tpu.memory_space<hbm>> -> memref<2000xf32, #tpu.memory_space<hbm>>
    tpu.enqueue_dma source(%dma_start3A_190 : memref<2000xf32, #tpu.memory_space<hbm>>) target(%dma_start3A_188 : memref<2000xf32, #tpu.memory_space<vmem>>) target_semaphore(%arg8 : memref<!tpu.dma_semaphore, #tpu.memory_space<semaphore_mem>>)
    %add3A_191 = arith.constant 2000 : i32
    %add3A_192 = arith.addi %mul3A_32, %add3A_191 : i32
    %dma_start3A_193 = arith.constant 2 : i32
    %dma_start3A_194 = arith.constant 1 : i32
    %dma_start3A_195 = arith.constant 2 : i32
    %dma_start3A_196 = arith.constant 0 : i32
    %dma_start3A_197 = tpu.memref_slice %arg4[%dma_start3A_194, %dma_start3A_195, %dma_start3A_196] : memref<2x4x2000xf32, #tpu.memory_space<vmem>> -> memref<1x1x2000xf32, #tpu.memory_space<vmem>>
    %dma_start3A_198 = tpu.memref_squeeze %dma_start3A_197 : memref<1x1x2000xf32, #tpu.memory_space<vmem>> -> memref<2000xf32, #tpu.memory_space<vmem>>
    %dma_start3A_199 = tpu.memref_slice %arg2[%select_n3A, %dma_start3A_193, %add3A_192] : memref<16x4x20016xf32, #tpu.memory_space<hbm>> -> memref<1x1x2000xf32, #tpu.memory_space<hbm>>
    %dma_start3A_200 = tpu.memref_squeeze %dma_start3A_199 : memref<1x1x2000xf32, #tpu.memory_space<hbm>> -> memref<2000xf32, #tpu.memory_space<hbm>>
    %dma_start3A_201 = arith.constant 0 : i32
    %dma_start3A_202 = tpu.memref_slice %arg4[%dma_start3A_194, %dma_start3A_195, %dma_start3A_201] : memref<2x4x2000xf32, #tpu.memory_space<vmem>> -> memref<1x1x2000xf32, #tpu.memory_space<vmem>>
    %dma_start3A_203 = tpu.memref_squeeze %dma_start3A_202 : memref<1x1x2000xf32, #tpu.memory_space<vmem>> -> memref<2000xf32, #tpu.memory_space<vmem>>
    %dma_start3A_204 = tpu.memref_slice %arg2[%select_n3A, %dma_start3A_193, %add3A_192] : memref<16x4x20016xf32, #tpu.memory_space<hbm>> -> memref<1x1x2000xf32, #tpu.memory_space<hbm>>
    %dma_start3A_205 = tpu.memref_squeeze %dma_start3A_204 : memref<1x1x2000xf32, #tpu.memory_space<hbm>> -> memref<2000xf32, #tpu.memory_space<hbm>>
    tpu.enqueue_dma source(%dma_start3A_205 : memref<2000xf32, #tpu.memory_space<hbm>>) target(%dma_start3A_203 : memref<2000xf32, #tpu.memory_space<vmem>>) target_semaphore(%arg8 : memref<!tpu.dma_semaphore, #tpu.memory_space<semaphore_mem>>)
    %add3A_206 = arith.constant 2000 : i32
    %add3A_207 = arith.addi %mul3A_32, %add3A_206 : i32
    %dma_start3A_208 = arith.constant 3 : i32
    %dma_start3A_209 = arith.constant 1 : i32
    %dma_start3A_210 = arith.constant 3 : i32
    %dma_start3A_211 = arith.constant 0 : i32
    %dma_start3A_212 = tpu.memref_slice %arg4[%dma_start3A_209, %dma_start3A_210, %dma_start3A_211] : memref<2x4x2000xf32, #tpu.memory_space<vmem>> -> memref<1x1x2000xf32, #tpu.memory_space<vmem>>
    %dma_start3A_213 = tpu.memref_squeeze %dma_start3A_212 : memref<1x1x2000xf32, #tpu.memory_space<vmem>> -> memref<2000xf32, #tpu.memory_space<vmem>>
    %dma_start3A_214 = tpu.memref_slice %arg2[%select_n3A, %dma_start3A_208, %add3A_207] : memref<16x4x20016xf32, #tpu.memory_space<hbm>> -> memref<1x1x2000xf32, #tpu.memory_space<hbm>>
    %dma_start3A_215 = tpu.memref_squeeze %dma_start3A_214 : memref<1x1x2000xf32, #tpu.memory_space<hbm>> -> memref<2000xf32, #tpu.memory_space<hbm>>
    %dma_start3A_216 = arith.constant 0 : i32
    %dma_start3A_217 = tpu.memref_slice %arg4[%dma_start3A_209, %dma_start3A_210, %dma_start3A_216] : memref<2x4x2000xf32, #tpu.memory_space<vmem>> -> memref<1x1x2000xf32, #tpu.memory_space<vmem>>
    %dma_start3A_218 = tpu.memref_squeeze %dma_start3A_217 : memref<1x1x2000xf32, #tpu.memory_space<vmem>> -> memref<2000xf32, #tpu.memory_space<vmem>>
    %dma_start3A_219 = tpu.memref_slice %arg2[%select_n3A, %dma_start3A_208, %add3A_207] : memref<16x4x20016xf32, #tpu.memory_space<hbm>> -> memref<1x1x2000xf32, #tpu.memory_space<hbm>>
    %dma_start3A_220 = tpu.memref_squeeze %dma_start3A_219 : memref<1x1x2000xf32, #tpu.memory_space<hbm>> -> memref<2000xf32, #tpu.memory_space<hbm>>
    tpu.enqueue_dma source(%dma_start3A_220 : memref<2000xf32, #tpu.memory_space<hbm>>) target(%dma_start3A_218 : memref<2000xf32, #tpu.memory_space<vmem>>) target_semaphore(%arg8 : memref<!tpu.dma_semaphore, #tpu.memory_space<semaphore_mem>>)
    %parallel_loop3A = arith.constant 0 : i32
    %parallel_loop3A_221 = arith.constant 2000 : i32
    %parallel_loop3A_222 = arith.constant 16 : i32
    scf.for %parallel_loop3A_708 = %parallel_loop3A to %parallel_loop3A_221 step %parallel_loop3A_222  : i32 {
      %parallel_loop3A_709 = arith.constant 0 : i32
      %parallel_loop3A_710 = arith.constant 0 : i32
      %parallel_loop3A_711 = arith.index_cast %parallel_loop3A_709 : i32 to index
      %parallel_loop3A_712 = arith.index_cast %parallel_loop3A_710 : i32 to index
      %parallel_loop3A_713 = arith.index_cast %parallel_loop3A_708 : i32 to index
      %parallel_loop3A_714 = tpu.vector_load %arg4[%parallel_loop3A_711, %parallel_loop3A_712, %parallel_loop3A_713] {strides = array<i32>} : memref<2x4x2000xf32, #tpu.memory_space<vmem>>, vector<16xf32>,
      %parallel_loop3A_715 = arith.constant 0 : i32
      %parallel_loop3A_716 = arith.constant 1 : i32
      %parallel_loop3A_717 = arith.index_cast %parallel_loop3A_715 : i32 to index
      %parallel_loop3A_718 = arith.index_cast %parallel_loop3A_716 : i32 to index
      %parallel_loop3A_719 = arith.index_cast %parallel_loop3A_708 : i32 to index
      %parallel_loop3A_720 = tpu.vector_load %arg4[%parallel_loop3A_717, %parallel_loop3A_718, %parallel_loop3A_719] {strides = array<i32>} : memref<2x4x2000xf32, #tpu.memory_space<vmem>>, vector<16xf32>,
      %parallel_loop3A_721 = arith.constant 0 : i32
      %parallel_loop3A_722 = arith.constant 2 : i32
      %parallel_loop3A_723 = arith.index_cast %parallel_loop3A_721 : i32 to index
      %parallel_loop3A_724 = arith.index_cast %parallel_loop3A_722 : i32 to index
      %parallel_loop3A_725 = arith.index_cast %parallel_loop3A_708 : i32 to index
      %parallel_loop3A_726 = tpu.vector_load %arg4[%parallel_loop3A_723, %parallel_loop3A_724, %parallel_loop3A_725] {strides = array<i32>} : memref<2x4x2000xf32, #tpu.memory_space<vmem>>, vector<16xf32>,
      %parallel_loop3A_727 = arith.constant 0 : i32
      %parallel_loop3A_728 = arith.constant 3 : i32
      %parallel_loop3A_729 = arith.index_cast %parallel_loop3A_727 : i32 to index
      %parallel_loop3A_730 = arith.index_cast %parallel_loop3A_728 : i32 to index
      %parallel_loop3A_731 = arith.index_cast %parallel_loop3A_708 : i32 to index
      %parallel_loop3A_732 = tpu.vector_load %arg4[%parallel_loop3A_729, %parallel_loop3A_730, %parallel_loop3A_731] {strides = array<i32>} : memref<2x4x2000xf32, #tpu.memory_space<vmem>>, vector<16xf32>,
      %parallel_loop3A_733 = arith.maximumf %parallel_loop3A_714, %get3A_94 : vector<16xf32>
      %parallel_loop3A_734 = arith.maximumf %parallel_loop3A_720, %get3A_98 : vector<16xf32>
      %parallel_loop3A_735 = arith.addf %parallel_loop3A_714, %parallel_loop3A_726 : vector<16xf32>
      %parallel_loop3A_736 = arith.minimumf %parallel_loop3A_735, %add3A_107 : vector<16xf32>
      %parallel_loop3A_737 = arith.addf %parallel_loop3A_720, %parallel_loop3A_732 : vector<16xf32>
      %parallel_loop3A_738 = arith.minimumf %parallel_loop3A_737, %add3A_108 : vector<16xf32>
      %parallel_loop3A_739 = arith.subf %parallel_loop3A_736, %parallel_loop3A_733 : vector<16xf32>
      %parallel_loop3A_740 = arith.constant 0.000000e+00 : f32
      %parallel_loop3A_741 = vector.broadcast %parallel_loop3A_740 : f32 to vector<16xf32>
      %parallel_loop3A_742 = arith.maximumf %parallel_loop3A_739, %parallel_loop3A_741 : vector<16xf32>
      %parallel_loop3A_743 = arith.subf %parallel_loop3A_738, %parallel_loop3A_734 : vector<16xf32>
      %parallel_loop3A_744 = arith.constant 0.000000e+00 : f32
      %parallel_loop3A_745 = vector.broadcast %parallel_loop3A_744 : f32 to vector<16xf32>
      %parallel_loop3A_746 = arith.maximumf %parallel_loop3A_743, %parallel_loop3A_745 : vector<16xf32>
      %parallel_loop3A_747 = arith.mulf %parallel_loop3A_742, %parallel_loop3A_746 : vector<16xf32>
      %parallel_loop3A_748 = arith.mulf %parallel_loop3A_726, %parallel_loop3A_732 : vector<16xf32>
      %parallel_loop3A_749 = arith.addf %parallel_loop3A_748, %mul3A_109 : vector<16xf32>
      %parallel_loop3A_750 = arith.subf %parallel_loop3A_749, %parallel_loop3A_747 : vector<16xf32>
      %parallel_loop3A_751 = arith.constant 9.99999997E-7 : f32
      %parallel_loop3A_752 = vector.broadcast %parallel_loop3A_751 : f32 to vector<16xf32>
      %parallel_loop3A_753 = arith.maximumf %parallel_loop3A_750, %parallel_loop3A_752 : vector<16xf32>
      %parallel_loop3A_754 = arith.constant 5.000000e-01 : f32
      %parallel_loop3A_755 = vector.broadcast %parallel_loop3A_754 : f32 to vector<16xf32>
      %parallel_loop3A_756 = arith.mulf %parallel_loop3A_755, %parallel_loop3A_753 : vector<16xf32>
      %parallel_loop3A_757 = arith.cmpf oge, %parallel_loop3A_747, %parallel_loop3A_756 : vector<16xf32>
      %parallel_loop3A_758 = arith.constant 1.000000e+00 : f32
      %parallel_loop3A_759 = arith.constant 0.000000e+00 : f32
      %parallel_loop3A_760 = vector.broadcast %parallel_loop3A_758 : f32 to vector<16xf32>
      %parallel_loop3A_761 = vector.broadcast %parallel_loop3A_759 : f32 to vector<16xf32>
      %parallel_loop3A_762 = arith.select %parallel_loop3A_757, %parallel_loop3A_760, %parallel_loop3A_761 : vector<16xi1>, vector<16xf32>
      %parallel_loop3A_763 = arith.constant 0 : i32
      %parallel_loop3A_764 = arith.addi %parallel_loop3A_763, %parallel_loop3A_708 : i32
      %parallel_loop3A_765 = arith.index_cast %parallel_loop3A_764 : i32 to index
      %parallel_loop3A_766 = tpu.vector_load %arg6[%parallel_loop3A_765] {strides = array<i32>} : memref<10000xf32, #tpu.memory_space<vmem>>, vector<16xf32>,
      tpu.vector_store %arg6[%parallel_loop3A_765], %parallel_loop3A_762 {strides = array<i32>} : memref<10000xf32, #tpu.memory_space<vmem>>, vector<16xf32>,
    } {sc.loop_unroll_factor = 8 : i64, sc.parallel_access}
    %mul3A_223 = arith.constant 20096 : i32
    %mul3A_224 = arith.muli %select_n3A, %mul3A_223 : i32
    %add3A_225 = arith.addi %mul3A_224, %mul3A_32 : i32
    %add3A_226 = arith.constant 0 : i32
    %add3A_227 = arith.addi %add3A_225, %add3A_226 : i32
    %dma_start3A_228 = arith.constant 0 : i32
    %dma_start3A_229 = tpu.memref_slice %arg6[%dma_start3A_228] : memref<10000xf32, #tpu.memory_space<vmem>> -> memref<2000xf32, #tpu.memory_space<vmem>>
    %dma_start3A_230 = tpu.memref_slice %arg3[%add3A_227] : memref<321536xf32, #tpu.memory_space<hbm>> -> memref<2000xf32, #tpu.memory_space<hbm>>
    %dma_start3A_231 = tpu.memref_slice %arg3[%add3A_227] : memref<321536xf32, #tpu.memory_space<hbm>> -> memref<2000xf32, #tpu.memory_space<hbm>>
    %dma_start3A_232 = arith.constant 0 : i32
    %dma_start3A_233 = tpu.memref_slice %arg6[%dma_start3A_232] : memref<10000xf32, #tpu.memory_space<vmem>> -> memref<2000xf32, #tpu.memory_space<vmem>>
    tpu.enqueue_dma source(%dma_start3A_233 : memref<2000xf32, #tpu.memory_space<vmem>>) target(%dma_start3A_231 : memref<2000xf32, #tpu.memory_space<hbm>>) target_semaphore(%arg9 : memref<!tpu.dma_semaphore, #tpu.memory_space<semaphore_mem>>)
    %dma_wait3A_234 = arith.constant 0 : i32
    %dma_wait3A_235 = arith.constant 1 : i32
    %dma_wait3A_236 = arith.constant 0 : i32
    %dma_wait3A_237 = arith.constant 0 : i32
    %dma_wait3A_238 = tpu.memref_slice %arg4[%dma_wait3A_235, %dma_wait3A_236, %dma_wait3A_237] : memref<2x4x2000xf32, #tpu.memory_space<vmem>> -> memref<1x1x2000xf32, #tpu.memory_space<vmem>>
    %dma_wait3A_239 = tpu.memref_squeeze %dma_wait3A_238 : memref<1x1x2000xf32, #tpu.memory_space<vmem>> -> memref<2000xf32, #tpu.memory_space<vmem>>
    %dma_wait3A_240 = tpu.memref_slice %arg2[%select_n3A, %dma_wait3A_234, %add3A_162] : memref<16x4x20016xf32, #tpu.memory_space<hbm>> -> memref<1x1x2000xf32, #tpu.memory_space<hbm>>
    %dma_wait3A_241 = tpu.memref_squeeze %dma_wait3A_240 : memref<1x1x2000xf32, #tpu.memory_space<hbm>> -> memref<2000xf32, #tpu.memory_space<hbm>>
    %dma_wait3A_242 = arith.constant 0 : i32
    %dma_wait3A_243 = tpu.memref_slice %arg4[%dma_wait3A_235, %dma_wait3A_236, %dma_wait3A_242] : memref<2x4x2000xf32, #tpu.memory_space<vmem>> -> memref<1x1x2000xf32, #tpu.memory_space<vmem>>
    %dma_wait3A_244 = tpu.memref_squeeze %dma_wait3A_243 : memref<1x1x2000xf32, #tpu.memory_space<vmem>> -> memref<2000xf32, #tpu.memory_space<vmem>>
    %dma_wait3A_245 = tpu.memref_slice %arg2[%select_n3A, %dma_wait3A_234, %add3A_162] : memref<16x4x20016xf32, #tpu.memory_space<hbm>> -> memref<1x1x2000xf32, #tpu.memory_space<hbm>>
    %dma_wait3A_246 = tpu.memref_squeeze %dma_wait3A_245 : memref<1x1x2000xf32, #tpu.memory_space<hbm>> -> memref<2000xf32, #tpu.memory_space<hbm>>
    tpu.wait_dma2 semaphore(%arg8 : memref<!tpu.dma_semaphore, #tpu.memory_space<semaphore_mem>>) src(%dma_wait3A_246 : memref<2000xf32, #tpu.memory_space<hbm>>) dst(%dma_wait3A_244 : memref<2000xf32, #tpu.memory_space<vmem>>)
    %dma_wait3A_247 = arith.constant 1 : i32
    %dma_wait3A_248 = arith.constant 1 : i32
    %dma_wait3A_249 = arith.constant 1 : i32
    %dma_wait3A_250 = arith.constant 0 : i32
    %dma_wait3A_251 = tpu.memref_slice %arg4[%dma_wait3A_248, %dma_wait3A_249, %dma_wait3A_250] : memref<2x4x2000xf32, #tpu.memory_space<vmem>> -> memref<1x1x2000xf32, #tpu.memory_space<vmem>>
    %dma_wait3A_252 = tpu.memref_squeeze %dma_wait3A_251 : memref<1x1x2000xf32, #tpu.memory_space<vmem>> -> memref<2000xf32, #tpu.memory_space<vmem>>
    %dma_wait3A_253 = tpu.memref_slice %arg2[%select_n3A, %dma_wait3A_247, %add3A_177] : memref<16x4x20016xf32, #tpu.memory_space<hbm>> -> memref<1x1x2000xf32, #tpu.memory_space<hbm>>
    %dma_wait3A_254 = tpu.memref_squeeze %dma_wait3A_253 : memref<1x1x2000xf32, #tpu.memory_space<hbm>> -> memref<2000xf32, #tpu.memory_space<hbm>>
    %dma_wait3A_255 = arith.constant 0 : i32
    %dma_wait3A_256 = tpu.memref_slice %arg4[%dma_wait3A_248, %dma_wait3A_249, %dma_wait3A_255] : memref<2x4x2000xf32, #tpu.memory_space<vmem>> -> memref<1x1x2000xf32, #tpu.memory_space<vmem>>
    %dma_wait3A_257 = tpu.memref_squeeze %dma_wait3A_256 : memref<1x1x2000xf32, #tpu.memory_space<vmem>> -> memref<2000xf32, #tpu.memory_space<vmem>>
    %dma_wait3A_258 = tpu.memref_slice %arg2[%select_n3A, %dma_wait3A_247, %add3A_177] : memref<16x4x20016xf32, #tpu.memory_space<hbm>> -> memref<1x1x2000xf32, #tpu.memory_space<hbm>>
    %dma_wait3A_259 = tpu.memref_squeeze %dma_wait3A_258 : memref<1x1x2000xf32, #tpu.memory_space<hbm>> -> memref<2000xf32, #tpu.memory_space<hbm>>
    tpu.wait_dma2 semaphore(%arg8 : memref<!tpu.dma_semaphore, #tpu.memory_space<semaphore_mem>>) src(%dma_wait3A_259 : memref<2000xf32, #tpu.memory_space<hbm>>) dst(%dma_wait3A_257 : memref<2000xf32, #tpu.memory_space<vmem>>)
    %dma_wait3A_260 = arith.constant 2 : i32
    %dma_wait3A_261 = arith.constant 1 : i32
    %dma_wait3A_262 = arith.constant 2 : i32
    %dma_wait3A_263 = arith.constant 0 : i32
    %dma_wait3A_264 = tpu.memref_slice %arg4[%dma_wait3A_261, %dma_wait3A_262, %dma_wait3A_263] : memref<2x4x2000xf32, #tpu.memory_space<vmem>> -> memref<1x1x2000xf32, #tpu.memory_space<vmem>>
    %dma_wait3A_265 = tpu.memref_squeeze %dma_wait3A_264 : memref<1x1x2000xf32, #tpu.memory_space<vmem>> -> memref<2000xf32, #tpu.memory_space<vmem>>
    %dma_wait3A_266 = tpu.memref_slice %arg2[%select_n3A, %dma_wait3A_260, %add3A_192] : memref<16x4x20016xf32, #tpu.memory_space<hbm>> -> memref<1x1x2000xf32, #tpu.memory_space<hbm>>
    %dma_wait3A_267 = tpu.memref_squeeze %dma_wait3A_266 : memref<1x1x2000xf32, #tpu.memory_space<hbm>> -> memref<2000xf32, #tpu.memory_space<hbm>>
    %dma_wait3A_268 = arith.constant 0 : i32
    %dma_wait3A_269 = tpu.memref_slice %arg4[%dma_wait3A_261, %dma_wait3A_262, %dma_wait3A_268] : memref<2x4x2000xf32, #tpu.memory_space<vmem>> -> memref<1x1x2000xf32, #tpu.memory_space<vmem>>
    %dma_wait3A_270 = tpu.memref_squeeze %dma_wait3A_269 : memref<1x1x2000xf32, #tpu.memory_space<vmem>> -> memref<2000xf32, #tpu.memory_space<vmem>>
    %dma_wait3A_271 = tpu.memref_slice %arg2[%select_n3A, %dma_wait3A_260, %add3A_192] : memref<16x4x20016xf32, #tpu.memory_space<hbm>> -> memref<1x1x2000xf32, #tpu.memory_space<hbm>>
    %dma_wait3A_272 = tpu.memref_squeeze %dma_wait3A_271 : memref<1x1x2000xf32, #tpu.memory_space<hbm>> -> memref<2000xf32, #tpu.memory_space<hbm>>
    tpu.wait_dma2 semaphore(%arg8 : memref<!tpu.dma_semaphore, #tpu.memory_space<semaphore_mem>>) src(%dma_wait3A_272 : memref<2000xf32, #tpu.memory_space<hbm>>) dst(%dma_wait3A_270 : memref<2000xf32, #tpu.memory_space<vmem>>)
    %dma_wait3A_273 = arith.constant 3 : i32
    %dma_wait3A_274 = arith.constant 1 : i32
    %dma_wait3A_275 = arith.constant 3 : i32
    %dma_wait3A_276 = arith.constant 0 : i32
    %dma_wait3A_277 = tpu.memref_slice %arg4[%dma_wait3A_274, %dma_wait3A_275, %dma_wait3A_276] : memref<2x4x2000xf32, #tpu.memory_space<vmem>> -> memref<1x1x2000xf32, #tpu.memory_space<vmem>>
    %dma_wait3A_278 = tpu.memref_squeeze %dma_wait3A_277 : memref<1x1x2000xf32, #tpu.memory_space<vmem>> -> memref<2000xf32, #tpu.memory_space<vmem>>
    %dma_wait3A_279 = tpu.memref_slice %arg2[%select_n3A, %dma_wait3A_273, %add3A_207] : memref<16x4x20016xf32, #tpu.memory_space<hbm>> -> memref<1x1x2000xf32, #tpu.memory_space<hbm>>
    %dma_wait3A_280 = tpu.memref_squeeze %dma_wait3A_279 : memref<1x1x2000xf32, #tpu.memory_space<hbm>> -> memref<2000xf32, #tpu.memory_space<hbm>>
    %dma_wait3A_281 = arith.constant 0 : i32
    %dma_wait3A_282 = tpu.memref_slice %arg4[%dma_wait3A_274, %dma_wait3A_275, %dma_wait3A_281] : memref<2x4x2000xf32, #tpu.memory_space<vmem>> -> memref<1x1x2000xf32, #tpu.memory_space<vmem>>
    %dma_wait3A_283 = tpu.memref_squeeze %dma_wait3A_282 : memref<1x1x2000xf32, #tpu.memory_space<vmem>> -> memref<2000xf32, #tpu.memory_space<vmem>>
    %dma_wait3A_284 = tpu.memref_slice %arg2[%select_n3A, %dma_wait3A_273, %add3A_207] : memref<16x4x20016xf32, #tpu.memory_space<hbm>> -> memref<1x1x2000xf32, #tpu.memory_space<hbm>>
    %dma_wait3A_285 = tpu.memref_squeeze %dma_wait3A_284 : memref<1x1x2000xf32, #tpu.memory_space<hbm>> -> memref<2000xf32, #tpu.memory_space<hbm>>
    tpu.wait_dma2 semaphore(%arg8 : memref<!tpu.dma_semaphore, #tpu.memory_space<semaphore_mem>>) src(%dma_wait3A_285 : memref<2000xf32, #tpu.memory_space<hbm>>) dst(%dma_wait3A_283 : memref<2000xf32, #tpu.memory_space<vmem>>)
    %add3A_286 = arith.constant 4000 : i32
    %add3A_287 = arith.addi %mul3A_32, %add3A_286 : i32
    %dma_start3A_288 = arith.constant 0 : i32
    %dma_start3A_289 = arith.constant 0 : i32
    %dma_start3A_290 = arith.constant 0 : i32
    %dma_start3A_291 = arith.constant 0 : i32
    %dma_start3A_292 = tpu.memref_slice %arg4[%dma_start3A_289, %dma_start3A_290, %dma_start3A_291] : memref<2x4x2000xf32, #tpu.memory_space<vmem>> -> memref<1x1x2000xf32, #tpu.memory_space<vmem>>
    %dma_start3A_293 = tpu.memref_squeeze %dma_start3A_292 : memref<1x1x2000xf32, #tpu.memory_space<vmem>> -> memref<2000xf32, #tpu.memory_space<vmem>>
    %dma_start3A_294 = tpu.memref_slice %arg2[%select_n3A, %dma_start3A_288, %add3A_287] : memref<16x4x20016xf32, #tpu.memory_space<hbm>> -> memref<1x1x2000xf32, #tpu.memory_space<hbm>>
    %dma_start3A_295 = tpu.memref_squeeze %dma_start3A_294 : memref<1x1x2000xf32, #tpu.memory_space<hbm>> -> memref<2000xf32, #tpu.memory_space<hbm>>
    %dma_start3A_296 = arith.constant 0 : i32
    %dma_start3A_297 = tpu.memref_slice %arg4[%dma_start3A_289, %dma_start3A_290, %dma_start3A_296] : memref<2x4x2000xf32, #tpu.memory_space<vmem>> -> memref<1x1x2000xf32, #tpu.memory_space<vmem>>
    %dma_start3A_298 = tpu.memref_squeeze %dma_start3A_297 : memref<1x1x2000xf32, #tpu.memory_space<vmem>> -> memref<2000xf32, #tpu.memory_space<vmem>>
    %dma_start3A_299 = tpu.memref_slice %arg2[%select_n3A, %dma_start3A_288, %add3A_287] : memref<16x4x20016xf32, #tpu.memory_space<hbm>> -> memref<1x1x2000xf32, #tpu.memory_space<hbm>>
    %dma_start3A_300 = tpu.memref_squeeze %dma_start3A_299 : memref<1x1x2000xf32, #tpu.memory_space<hbm>> -> memref<2000xf32, #tpu.memory_space<hbm>>
    tpu.enqueue_dma source(%dma_start3A_300 : memref<2000xf32, #tpu.memory_space<hbm>>) target(%dma_start3A_298 : memref<2000xf32, #tpu.memory_space<vmem>>) target_semaphore(%arg7 : memref<!tpu.dma_semaphore, #tpu.memory_space<semaphore_mem>>)
    %add3A_301 = arith.constant 4000 : i32
    %add3A_302 = arith.addi %mul3A_32, %add3A_301 : i32
    %dma_start3A_303 = arith.constant 1 : i32
    %dma_start3A_304 = arith.constant 0 : i32
    %dma_start3A_305 = arith.constant 1 : i32
    %dma_start3A_306 = arith.constant 0 : i32
    %dma_start3A_307 = tpu.memref_slice %arg4[%dma_start3A_304, %dma_start3A_305, %dma_start3A_306] : memref<2x4x2000xf32, #tpu.memory_space<vmem>> -> memref<1x1x2000xf32, #tpu.memory_space<vmem>>
    %dma_start3A_308 = tpu.memref_squeeze %dma_start3A_307 : memref<1x1x2000xf32, #tpu.memory_space<vmem>> -> memref<2000xf32, #tpu.memory_space<vmem>>
    %dma_start3A_309 = tpu.memref_slice %arg2[%select_n3A, %dma_start3A_303, %add3A_302] : memref<16x4x20016xf32, #tpu.memory_space<hbm>> -> memref<1x1x2000xf32, #tpu.memory_space<hbm>>
    %dma_start3A_310 = tpu.memref_squeeze %dma_start3A_309 : memref<1x1x2000xf32, #tpu.memory_space<hbm>> -> memref<2000xf32, #tpu.memory_space<hbm>>
    %dma_start3A_311 = arith.constant 0 : i32
    %dma_start3A_312 = tpu.memref_slice %arg4[%dma_start3A_304, %dma_start3A_305, %dma_start3A_311] : memref<2x4x2000xf32, #tpu.memory_space<vmem>> -> memref<1x1x2000xf32, #tpu.memory_space<vmem>>
    %dma_start3A_313 = tpu.memref_squeeze %dma_start3A_312 : memref<1x1x2000xf32, #tpu.memory_space<vmem>> -> memref<2000xf32, #tpu.memory_space<vmem>>
    %dma_start3A_314 = tpu.memref_slice %arg2[%select_n3A, %dma_start3A_303, %add3A_302] : memref<16x4x20016xf32, #tpu.memory_space<hbm>> -> memref<1x1x2000xf32, #tpu.memory_space<hbm>>
    %dma_start3A_315 = tpu.memref_squeeze %dma_start3A_314 : memref<1x1x2000xf32, #tpu.memory_space<hbm>> -> memref<2000xf32, #tpu.memory_space<hbm>>
    tpu.enqueue_dma source(%dma_start3A_315 : memref<2000xf32, #tpu.memory_space<hbm>>) target(%dma_start3A_313 : memref<2000xf32, #tpu.memory_space<vmem>>) target_semaphore(%arg7 : memref<!tpu.dma_semaphore, #tpu.memory_space<semaphore_mem>>)
    %add3A_316 = arith.constant 4000 : i32
    %add3A_317 = arith.addi %mul3A_32, %add3A_316 : i32
    %dma_start3A_318 = arith.constant 2 : i32
    %dma_start3A_319 = arith.constant 0 : i32
    %dma_start3A_320 = arith.constant 2 : i32
    %dma_start3A_321 = arith.constant 0 : i32
    %dma_start3A_322 = tpu.memref_slice %arg4[%dma_start3A_319, %dma_start3A_320, %dma_start3A_321] : memref<2x4x2000xf32, #tpu.memory_space<vmem>> -> memref<1x1x2000xf32, #tpu.memory_space<vmem>>
    %dma_start3A_323 = tpu.memref_squeeze %dma_start3A_322 : memref<1x1x2000xf32, #tpu.memory_space<vmem>> -> memref<2000xf32, #tpu.memory_space<vmem>>
    %dma_start3A_324 = tpu.memref_slice %arg2[%select_n3A, %dma_start3A_318, %add3A_317] : memref<16x4x20016xf32, #tpu.memory_space<hbm>> -> memref<1x1x2000xf32, #tpu.memory_space<hbm>>
    %dma_start3A_325 = tpu.memref_squeeze %dma_start3A_324 : memref<1x1x2000xf32, #tpu.memory_space<hbm>> -> memref<2000xf32, #tpu.memory_space<hbm>>
    %dma_start3A_326 = arith.constant 0 : i32
    %dma_start3A_327 = tpu.memref_slice %arg4[%dma_start3A_319, %dma_start3A_320, %dma_start3A_326] : memref<2x4x2000xf32, #tpu.memory_space<vmem>> -> memref<1x1x2000xf32, #tpu.memory_space<vmem>>
    %dma_start3A_328 = tpu.memref_squeeze %dma_start3A_327 : memref<1x1x2000xf32, #tpu.memory_space<vmem>> -> memref<2000xf32, #tpu.memory_space<vmem>>
    %dma_start3A_329 = tpu.memref_slice %arg2[%select_n3A, %dma_start3A_318, %add3A_317] : memref<16x4x20016xf32, #tpu.memory_space<hbm>> -> memref<1x1x2000xf32, #tpu.memory_space<hbm>>
    %dma_start3A_330 = tpu.memref_squeeze %dma_start3A_329 : memref<1x1x2000xf32, #tpu.memory_space<hbm>> -> memref<2000xf32, #tpu.memory_space<hbm>>
    tpu.enqueue_dma source(%dma_start3A_330 : memref<2000xf32, #tpu.memory_space<hbm>>) target(%dma_start3A_328 : memref<2000xf32, #tpu.memory_space<vmem>>) target_semaphore(%arg7 : memref<!tpu.dma_semaphore, #tpu.memory_space<semaphore_mem>>)
    %add3A_331 = arith.constant 4000 : i32
    %add3A_332 = arith.addi %mul3A_32, %add3A_331 : i32
    %dma_start3A_333 = arith.constant 3 : i32
    %dma_start3A_334 = arith.constant 0 : i32
    %dma_start3A_335 = arith.constant 3 : i32
    %dma_start3A_336 = arith.constant 0 : i32
    %dma_start3A_337 = tpu.memref_slice %arg4[%dma_start3A_334, %dma_start3A_335, %dma_start3A_336] : memref<2x4x2000xf32, #tpu.memory_space<vmem>> -> memref<1x1x2000xf32, #tpu.memory_space<vmem>>
    %dma_start3A_338 = tpu.memref_squeeze %dma_start3A_337 : memref<1x1x2000xf32, #tpu.memory_space<vmem>> -> memref<2000xf32, #tpu.memory_space<vmem>>
    %dma_start3A_339 = tpu.memref_slice %arg2[%select_n3A, %dma_start3A_333, %add3A_332] : memref<16x4x20016xf32, #tpu.memory_space<hbm>> -> memref<1x1x2000xf32, #tpu.memory_space<hbm>>
    %dma_start3A_340 = tpu.memref_squeeze %dma_start3A_339 : memref<1x1x2000xf32, #tpu.memory_space<hbm>> -> memref<2000xf32, #tpu.memory_space<hbm>>
    %dma_start3A_341 = arith.constant 0 : i32
    %dma_start3A_342 = tpu.memref_slice %arg4[%dma_start3A_334, %dma_start3A_335, %dma_start3A_341] : memref<2x4x2000xf32, #tpu.memory_space<vmem>> -> memref<1x1x2000xf32, #tpu.memory_space<vmem>>
    %dma_start3A_343 = tpu.memref_squeeze %dma_start3A_342 : memref<1x1x2000xf32, #tpu.memory_space<vmem>> -> memref<2000xf32, #tpu.memory_space<vmem>>
    %dma_start3A_344 = tpu.memref_slice %arg2[%select_n3A, %dma_start3A_333, %add3A_332] : memref<16x4x20016xf32, #tpu.memory_space<hbm>> -> memref<1x1x2000xf32, #tpu.memory_space<hbm>>
    %dma_start3A_345 = tpu.memref_squeeze %dma_start3A_344 : memref<1x1x2000xf32, #tpu.memory_space<hbm>> -> memref<2000xf32, #tpu.memory_space<hbm>>
    tpu.enqueue_dma source(%dma_start3A_345 : memref<2000xf32, #tpu.memory_space<hbm>>) target(%dma_start3A_343 : memref<2000xf32, #tpu.memory_space<vmem>>) target_semaphore(%arg7 : memref<!tpu.dma_semaphore, #tpu.memory_space<semaphore_mem>>)
    %parallel_loop3A_346 = arith.constant 0 : i32
    %parallel_loop3A_347 = arith.constant 2000 : i32
    %parallel_loop3A_348 = arith.constant 16 : i32
    scf.for %parallel_loop3A_708 = %parallel_loop3A_346 to %parallel_loop3A_347 step %parallel_loop3A_348  : i32 {
      %parallel_loop3A_709 = arith.constant 1 : i32
      %parallel_loop3A_710 = arith.constant 0 : i32
      %parallel_loop3A_711 = arith.index_cast %parallel_loop3A_709 : i32 to index
      %parallel_loop3A_712 = arith.index_cast %parallel_loop3A_710 : i32 to index
      %parallel_loop3A_713 = arith.index_cast %parallel_loop3A_708 : i32 to index
      %parallel_loop3A_714 = tpu.vector_load %arg4[%parallel_loop3A_711, %parallel_loop3A_712, %parallel_loop3A_713] {strides = array<i32>} : memref<2x4x2000xf32, #tpu.memory_space<vmem>>, vector<16xf32>,
      %parallel_loop3A_715 = arith.constant 1 : i32
      %parallel_loop3A_716 = arith.constant 1 : i32
      %parallel_loop3A_717 = arith.index_cast %parallel_loop3A_715 : i32 to index
      %parallel_loop3A_718 = arith.index_cast %parallel_loop3A_716 : i32 to index
      %parallel_loop3A_719 = arith.index_cast %parallel_loop3A_708 : i32 to index
      %parallel_loop3A_720 = tpu.vector_load %arg4[%parallel_loop3A_717, %parallel_loop3A_718, %parallel_loop3A_719] {strides = array<i32>} : memref<2x4x2000xf32, #tpu.memory_space<vmem>>, vector<16xf32>,
      %parallel_loop3A_721 = arith.constant 1 : i32
      %parallel_loop3A_722 = arith.constant 2 : i32
      %parallel_loop3A_723 = arith.index_cast %parallel_loop3A_721 : i32 to index
      %parallel_loop3A_724 = arith.index_cast %parallel_loop3A_722 : i32 to index
      %parallel_loop3A_725 = arith.index_cast %parallel_loop3A_708 : i32 to index
      %parallel_loop3A_726 = tpu.vector_load %arg4[%parallel_loop3A_723, %parallel_loop3A_724, %parallel_loop3A_725] {strides = array<i32>} : memref<2x4x2000xf32, #tpu.memory_space<vmem>>, vector<16xf32>,
      %parallel_loop3A_727 = arith.constant 1 : i32
      %parallel_loop3A_728 = arith.constant 3 : i32
      %parallel_loop3A_729 = arith.index_cast %parallel_loop3A_727 : i32 to index
      %parallel_loop3A_730 = arith.index_cast %parallel_loop3A_728 : i32 to index
      %parallel_loop3A_731 = arith.index_cast %parallel_loop3A_708 : i32 to index
      %parallel_loop3A_732 = tpu.vector_load %arg4[%parallel_loop3A_729, %parallel_loop3A_730, %parallel_loop3A_731] {strides = array<i32>} : memref<2x4x2000xf32, #tpu.memory_space<vmem>>, vector<16xf32>,
      %parallel_loop3A_733 = arith.maximumf %parallel_loop3A_714, %get3A_94 : vector<16xf32>
      %parallel_loop3A_734 = arith.maximumf %parallel_loop3A_720, %get3A_98 : vector<16xf32>
      %parallel_loop3A_735 = arith.addf %parallel_loop3A_714, %parallel_loop3A_726 : vector<16xf32>
      %parallel_loop3A_736 = arith.minimumf %parallel_loop3A_735, %add3A_107 : vector<16xf32>
      %parallel_loop3A_737 = arith.addf %parallel_loop3A_720, %parallel_loop3A_732 : vector<16xf32>
      %parallel_loop3A_738 = arith.minimumf %parallel_loop3A_737, %add3A_108 : vector<16xf32>
      %parallel_loop3A_739 = arith.subf %parallel_loop3A_736, %parallel_loop3A_733 : vector<16xf32>
      %parallel_loop3A_740 = arith.constant 0.000000e+00 : f32
      %parallel_loop3A_741 = vector.broadcast %parallel_loop3A_740 : f32 to vector<16xf32>
      %parallel_loop3A_742 = arith.maximumf %parallel_loop3A_739, %parallel_loop3A_741 : vector<16xf32>
      %parallel_loop3A_743 = arith.subf %parallel_loop3A_738, %parallel_loop3A_734 : vector<16xf32>
      %parallel_loop3A_744 = arith.constant 0.000000e+00 : f32
      %parallel_loop3A_745 = vector.broadcast %parallel_loop3A_744 : f32 to vector<16xf32>
      %parallel_loop3A_746 = arith.maximumf %parallel_loop3A_743, %parallel_loop3A_745 : vector<16xf32>
      %parallel_loop3A_747 = arith.mulf %parallel_loop3A_742, %parallel_loop3A_746 : vector<16xf32>
      %parallel_loop3A_748 = arith.mulf %parallel_loop3A_726, %parallel_loop3A_732 : vector<16xf32>
      %parallel_loop3A_749 = arith.addf %parallel_loop3A_748, %mul3A_109 : vector<16xf32>
      %parallel_loop3A_750 = arith.subf %parallel_loop3A_749, %parallel_loop3A_747 : vector<16xf32>
      %parallel_loop3A_751 = arith.constant 9.99999997E-7 : f32
      %parallel_loop3A_752 = vector.broadcast %parallel_loop3A_751 : f32 to vector<16xf32>
      %parallel_loop3A_753 = arith.maximumf %parallel_loop3A_750, %parallel_loop3A_752 : vector<16xf32>
      %parallel_loop3A_754 = arith.constant 5.000000e-01 : f32
      %parallel_loop3A_755 = vector.broadcast %parallel_loop3A_754 : f32 to vector<16xf32>
      %parallel_loop3A_756 = arith.mulf %parallel_loop3A_755, %parallel_loop3A_753 : vector<16xf32>
      %parallel_loop3A_757 = arith.cmpf oge, %parallel_loop3A_747, %parallel_loop3A_756 : vector<16xf32>
      %parallel_loop3A_758 = arith.constant 1.000000e+00 : f32
      %parallel_loop3A_759 = arith.constant 0.000000e+00 : f32
      %parallel_loop3A_760 = vector.broadcast %parallel_loop3A_758 : f32 to vector<16xf32>
      %parallel_loop3A_761 = vector.broadcast %parallel_loop3A_759 : f32 to vector<16xf32>
      %parallel_loop3A_762 = arith.select %parallel_loop3A_757, %parallel_loop3A_760, %parallel_loop3A_761 : vector<16xi1>, vector<16xf32>
      %parallel_loop3A_763 = arith.constant 2000 : i32
      %parallel_loop3A_764 = arith.addi %parallel_loop3A_763, %parallel_loop3A_708 : i32
      %parallel_loop3A_765 = arith.index_cast %parallel_loop3A_764 : i32 to index
      %parallel_loop3A_766 = tpu.vector_load %arg6[%parallel_loop3A_765] {strides = array<i32>} : memref<10000xf32, #tpu.memory_space<vmem>>, vector<16xf32>,
      tpu.vector_store %arg6[%parallel_loop3A_765], %parallel_loop3A_762 {strides = array<i32>} : memref<10000xf32, #tpu.memory_space<vmem>>, vector<16xf32>,
    } {sc.loop_unroll_factor = 8 : i64, sc.parallel_access}
    %mul3A_349 = arith.constant 20096 : i32
    %mul3A_350 = arith.muli %select_n3A, %mul3A_349 : i32
    %add3A_351 = arith.addi %mul3A_350, %mul3A_32 : i32
    %add3A_352 = arith.constant 2000 : i32
    %add3A_353 = arith.addi %add3A_351, %add3A_352 : i32
    %dma_start3A_354 = arith.constant 2000 : i32
    %dma_start3A_355 = tpu.memref_slice %arg6[%dma_start3A_354] : memref<10000xf32, #tpu.memory_space<vmem>> -> memref<2000xf32, #tpu.memory_space<vmem>>
    %dma_start3A_356 = tpu.memref_slice %arg3[%add3A_353] : memref<321536xf32, #tpu.memory_space<hbm>> -> memref<2000xf32, #tpu.memory_space<hbm>>
    %dma_start3A_357 = tpu.memref_slice %arg3[%add3A_353] : memref<321536xf32, #tpu.memory_space<hbm>> -> memref<2000xf32, #tpu.memory_space<hbm>>
    %dma_start3A_358 = arith.constant 2000 : i32
    %dma_start3A_359 = tpu.memref_slice %arg6[%dma_start3A_358] : memref<10000xf32, #tpu.memory_space<vmem>> -> memref<2000xf32, #tpu.memory_space<vmem>>
    tpu.enqueue_dma source(%dma_start3A_359 : memref<2000xf32, #tpu.memory_space<vmem>>) target(%dma_start3A_357 : memref<2000xf32, #tpu.memory_space<hbm>>) target_semaphore(%arg9 : memref<!tpu.dma_semaphore, #tpu.memory_space<semaphore_mem>>)
    %dma_wait3A_360 = arith.constant 0 : i32
    %dma_wait3A_361 = arith.constant 0 : i32
    %dma_wait3A_362 = arith.constant 0 : i32
    %dma_wait3A_363 = arith.constant 0 : i32
    %dma_wait3A_364 = tpu.memref_slice %arg4[%dma_wait3A_361, %dma_wait3A_362, %dma_wait3A_363] : memref<2x4x2000xf32, #tpu.memory_space<vmem>> -> memref<1x1x2000xf32, #tpu.memory_space<vmem>>
    %dma_wait3A_365 = tpu.memref_squeeze %dma_wait3A_364 : memref<1x1x2000xf32, #tpu.memory_space<vmem>> -> memref<2000xf32, #tpu.memory_space<vmem>>
    %dma_wait3A_366 = tpu.memref_slice %arg2[%select_n3A, %dma_wait3A_360, %add3A_287] : memref<16x4x20016xf32, #tpu.memory_space<hbm>> -> memref<1x1x2000xf32, #tpu.memory_space<hbm>>
    %dma_wait3A_367 = tpu.memref_squeeze %dma_wait3A_366 : memref<1x1x2000xf32, #tpu.memory_space<hbm>> -> memref<2000xf32, #tpu.memory_space<hbm>>
    %dma_wait3A_368 = arith.constant 0 : i32
    %dma_wait3A_369 = tpu.memref_slice %arg4[%dma_wait3A_361, %dma_wait3A_362, %dma_wait3A_368] : memref<2x4x2000xf32, #tpu.memory_space<vmem>> -> memref<1x1x2000xf32, #tpu.memory_space<vmem>>
    %dma_wait3A_370 = tpu.memref_squeeze %dma_wait3A_369 : memref<1x1x2000xf32, #tpu.memory_space<vmem>> -> memref<2000xf32, #tpu.memory_space<vmem>>
    %dma_wait3A_371 = tpu.memref_slice %arg2[%select_n3A, %dma_wait3A_360, %add3A_287] : memref<16x4x20016xf32, #tpu.memory_space<hbm>> -> memref<1x1x2000xf32, #tpu.memory_space<hbm>>
    %dma_wait3A_372 = tpu.memref_squeeze %dma_wait3A_371 : memref<1x1x2000xf32, #tpu.memory_space<hbm>> -> memref<2000xf32, #tpu.memory_space<hbm>>
    tpu.wait_dma2 semaphore(%arg7 : memref<!tpu.dma_semaphore, #tpu.memory_space<semaphore_mem>>) src(%dma_wait3A_372 : memref<2000xf32, #tpu.memory_space<hbm>>) dst(%dma_wait3A_370 : memref<2000xf32, #tpu.memory_space<vmem>>)
    %dma_wait3A_373 = arith.constant 1 : i32
    %dma_wait3A_374 = arith.constant 0 : i32
    %dma_wait3A_375 = arith.constant 1 : i32
    %dma_wait3A_376 = arith.constant 0 : i32
    %dma_wait3A_377 = tpu.memref_slice %arg4[%dma_wait3A_374, %dma_wait3A_375, %dma_wait3A_376] : memref<2x4x2000xf32, #tpu.memory_space<vmem>> -> memref<1x1x2000xf32, #tpu.memory_space<vmem>>
    %dma_wait3A_378 = tpu.memref_squeeze %dma_wait3A_377 : memref<1x1x2000xf32, #tpu.memory_space<vmem>> -> memref<2000xf32, #tpu.memory_space<vmem>>
    %dma_wait3A_379 = tpu.memref_slice %arg2[%select_n3A, %dma_wait3A_373, %add3A_302] : memref<16x4x20016xf32, #tpu.memory_space<hbm>> -> memref<1x1x2000xf32, #tpu.memory_space<hbm>>
    %dma_wait3A_380 = tpu.memref_squeeze %dma_wait3A_379 : memref<1x1x2000xf32, #tpu.memory_space<hbm>> -> memref<2000xf32, #tpu.memory_space<hbm>>
    %dma_wait3A_381 = arith.constant 0 : i32
    %dma_wait3A_382 = tpu.memref_slice %arg4[%dma_wait3A_374, %dma_wait3A_375, %dma_wait3A_381] : memref<2x4x2000xf32, #tpu.memory_space<vmem>> -> memref<1x1x2000xf32, #tpu.memory_space<vmem>>
    %dma_wait3A_383 = tpu.memref_squeeze %dma_wait3A_382 : memref<1x1x2000xf32, #tpu.memory_space<vmem>> -> memref<2000xf32, #tpu.memory_space<vmem>>
    %dma_wait3A_384 = tpu.memref_slice %arg2[%select_n3A, %dma_wait3A_373, %add3A_302] : memref<16x4x20016xf32, #tpu.memory_space<hbm>> -> memref<1x1x2000xf32, #tpu.memory_space<hbm>>
    %dma_wait3A_385 = tpu.memref_squeeze %dma_wait3A_384 : memref<1x1x2000xf32, #tpu.memory_space<hbm>> -> memref<2000xf32, #tpu.memory_space<hbm>>
    tpu.wait_dma2 semaphore(%arg7 : memref<!tpu.dma_semaphore, #tpu.memory_space<semaphore_mem>>) src(%dma_wait3A_385 : memref<2000xf32, #tpu.memory_space<hbm>>) dst(%dma_wait3A_383 : memref<2000xf32, #tpu.memory_space<vmem>>)
    %dma_wait3A_386 = arith.constant 2 : i32
    %dma_wait3A_387 = arith.constant 0 : i32
    %dma_wait3A_388 = arith.constant 2 : i32
    %dma_wait3A_389 = arith.constant 0 : i32
    %dma_wait3A_390 = tpu.memref_slice %arg4[%dma_wait3A_387, %dma_wait3A_388, %dma_wait3A_389] : memref<2x4x2000xf32, #tpu.memory_space<vmem>> -> memref<1x1x2000xf32, #tpu.memory_space<vmem>>
    %dma_wait3A_391 = tpu.memref_squeeze %dma_wait3A_390 : memref<1x1x2000xf32, #tpu.memory_space<vmem>> -> memref<2000xf32, #tpu.memory_space<vmem>>
    %dma_wait3A_392 = tpu.memref_slice %arg2[%select_n3A, %dma_wait3A_386, %add3A_317] : memref<16x4x20016xf32, #tpu.memory_space<hbm>> -> memref<1x1x2000xf32, #tpu.memory_space<hbm>>
    %dma_wait3A_393 = tpu.memref_squeeze %dma_wait3A_392 : memref<1x1x2000xf32, #tpu.memory_space<hbm>> -> memref<2000xf32, #tpu.memory_space<hbm>>
    %dma_wait3A_394 = arith.constant 0 : i32
    %dma_wait3A_395 = tpu.memref_slice %arg4[%dma_wait3A_387, %dma_wait3A_388, %dma_wait3A_394] : memref<2x4x2000xf32, #tpu.memory_space<vmem>> -> memref<1x1x2000xf32, #tpu.memory_space<vmem>>
    %dma_wait3A_396 = tpu.memref_squeeze %dma_wait3A_395 : memref<1x1x2000xf32, #tpu.memory_space<vmem>> -> memref<2000xf32, #tpu.memory_space<vmem>>
    %dma_wait3A_397 = tpu.memref_slice %arg2[%select_n3A, %dma_wait3A_386, %add3A_317] : memref<16x4x20016xf32, #tpu.memory_space<hbm>> -> memref<1x1x2000xf32, #tpu.memory_space<hbm>>
    %dma_wait3A_398 = tpu.memref_squeeze %dma_wait3A_397 : memref<1x1x2000xf32, #tpu.memory_space<hbm>> -> memref<2000xf32, #tpu.memory_space<hbm>>
    tpu.wait_dma2 semaphore(%arg7 : memref<!tpu.dma_semaphore, #tpu.memory_space<semaphore_mem>>) src(%dma_wait3A_398 : memref<2000xf32, #tpu.memory_space<hbm>>) dst(%dma_wait3A_396 : memref<2000xf32, #tpu.memory_space<vmem>>)
    %dma_wait3A_399 = arith.constant 3 : i32
    %dma_wait3A_400 = arith.constant 0 : i32
    %dma_wait3A_401 = arith.constant 3 : i32
    %dma_wait3A_402 = arith.constant 0 : i32
    %dma_wait3A_403 = tpu.memref_slice %arg4[%dma_wait3A_400, %dma_wait3A_401, %dma_wait3A_402] : memref<2x4x2000xf32, #tpu.memory_space<vmem>> -> memref<1x1x2000xf32, #tpu.memory_space<vmem>>
    %dma_wait3A_404 = tpu.memref_squeeze %dma_wait3A_403 : memref<1x1x2000xf32, #tpu.memory_space<vmem>> -> memref<2000xf32, #tpu.memory_space<vmem>>
    %dma_wait3A_405 = tpu.memref_slice %arg2[%select_n3A, %dma_wait3A_399, %add3A_332] : memref<16x4x20016xf32, #tpu.memory_space<hbm>> -> memref<1x1x2000xf32, #tpu.memory_space<hbm>>
    %dma_wait3A_406 = tpu.memref_squeeze %dma_wait3A_405 : memref<1x1x2000xf32, #tpu.memory_space<hbm>> -> memref<2000xf32, #tpu.memory_space<hbm>>
    %dma_wait3A_407 = arith.constant 0 : i32
    %dma_wait3A_408 = tpu.memref_slice %arg4[%dma_wait3A_400, %dma_wait3A_401, %dma_wait3A_407] : memref<2x4x2000xf32, #tpu.memory_space<vmem>> -> memref<1x1x2000xf32, #tpu.memory_space<vmem>>
    %dma_wait3A_409 = tpu.memref_squeeze %dma_wait3A_408 : memref<1x1x2000xf32, #tpu.memory_space<vmem>> -> memref<2000xf32, #tpu.memory_space<vmem>>
    %dma_wait3A_410 = tpu.memref_slice %arg2[%select_n3A, %dma_wait3A_399, %add3A_332] : memref<16x4x20016xf32, #tpu.memory_space<hbm>> -> memref<1x1x2000xf32, #tpu.memory_space<hbm>>
    %dma_wait3A_411 = tpu.memref_squeeze %dma_wait3A_410 : memref<1x1x2000xf32, #tpu.memory_space<hbm>> -> memref<2000xf32, #tpu.memory_space<hbm>>
    tpu.wait_dma2 semaphore(%arg7 : memref<!tpu.dma_semaphore, #tpu.memory_space<semaphore_mem>>) src(%dma_wait3A_411 : memref<2000xf32, #tpu.memory_space<hbm>>) dst(%dma_wait3A_409 : memref<2000xf32, #tpu.memory_space<vmem>>)
    %add3A_412 = arith.constant 6000 : i32
    %add3A_413 = arith.addi %mul3A_32, %add3A_412 : i32
    %dma_start3A_414 = arith.constant 0 : i32
    %dma_start3A_415 = arith.constant 1 : i32
    %dma_start3A_416 = arith.constant 0 : i32
    %dma_start3A_417 = arith.constant 0 : i32
    %dma_start3A_418 = tpu.memref_slice %arg4[%dma_start3A_415, %dma_start3A_416, %dma_start3A_417] : memref<2x4x2000xf32, #tpu.memory_space<vmem>> -> memref<1x1x2000xf32, #tpu.memory_space<vmem>>
    %dma_start3A_419 = tpu.memref_squeeze %dma_start3A_418 : memref<1x1x2000xf32, #tpu.memory_space<vmem>> -> memref<2000xf32, #tpu.memory_space<vmem>>
    %dma_start3A_420 = tpu.memref_slice %arg2[%select_n3A, %dma_start3A_414, %add3A_413] : memref<16x4x20016xf32, #tpu.memory_space<hbm>> -> memref<1x1x2000xf32, #tpu.memory_space<hbm>>
    %dma_start3A_421 = tpu.memref_squeeze %dma_start3A_420 : memref<1x1x2000xf32, #tpu.memory_space<hbm>> -> memref<2000xf32, #tpu.memory_space<hbm>>
    %dma_start3A_422 = arith.constant 0 : i32
    %dma_start3A_423 = tpu.memref_slice %arg4[%dma_start3A_415, %dma_start3A_416, %dma_start3A_422] : memref<2x4x2000xf32, #tpu.memory_space<vmem>> -> memref<1x1x2000xf32, #tpu.memory_space<vmem>>
    %dma_start3A_424 = tpu.memref_squeeze %dma_start3A_423 : memref<1x1x2000xf32, #tpu.memory_space<vmem>> -> memref<2000xf32, #tpu.memory_space<vmem>>
    %dma_start3A_425 = tpu.memref_slice %arg2[%select_n3A, %dma_start3A_414, %add3A_413] : memref<16x4x20016xf32, #tpu.memory_space<hbm>> -> memref<1x1x2000xf32, #tpu.memory_space<hbm>>
    %dma_start3A_426 = tpu.memref_squeeze %dma_start3A_425 : memref<1x1x2000xf32, #tpu.memory_space<hbm>> -> memref<2000xf32, #tpu.memory_space<hbm>>
    tpu.enqueue_dma source(%dma_start3A_426 : memref<2000xf32, #tpu.memory_space<hbm>>) target(%dma_start3A_424 : memref<2000xf32, #tpu.memory_space<vmem>>) target_semaphore(%arg8 : memref<!tpu.dma_semaphore, #tpu.memory_space<semaphore_mem>>)
    %add3A_427 = arith.constant 6000 : i32
    %add3A_428 = arith.addi %mul3A_32, %add3A_427 : i32
    %dma_start3A_429 = arith.constant 1 : i32
    %dma_start3A_430 = arith.constant 1 : i32
    %dma_start3A_431 = arith.constant 1 : i32
    %dma_start3A_432 = arith.constant 0 : i32
    %dma_start3A_433 = tpu.memref_slice %arg4[%dma_start3A_430, %dma_start3A_431, %dma_start3A_432] : memref<2x4x2000xf32, #tpu.memory_space<vmem>> -> memref<1x1x2000xf32, #tpu.memory_space<vmem>>
    %dma_start3A_434 = tpu.memref_squeeze %dma_start3A_433 : memref<1x1x2000xf32, #tpu.memory_space<vmem>> -> memref<2000xf32, #tpu.memory_space<vmem>>
    %dma_start3A_435 = tpu.memref_slice %arg2[%select_n3A, %dma_start3A_429, %add3A_428] : memref<16x4x20016xf32, #tpu.memory_space<hbm>> -> memref<1x1x2000xf32, #tpu.memory_space<hbm>>
    %dma_start3A_436 = tpu.memref_squeeze %dma_start3A_435 : memref<1x1x2000xf32, #tpu.memory_space<hbm>> -> memref<2000xf32, #tpu.memory_space<hbm>>
    %dma_start3A_437 = arith.constant 0 : i32
    %dma_start3A_438 = tpu.memref_slice %arg4[%dma_start3A_430, %dma_start3A_431, %dma_start3A_437] : memref<2x4x2000xf32, #tpu.memory_space<vmem>> -> memref<1x1x2000xf32, #tpu.memory_space<vmem>>
    %dma_start3A_439 = tpu.memref_squeeze %dma_start3A_438 : memref<1x1x2000xf32, #tpu.memory_space<vmem>> -> memref<2000xf32, #tpu.memory_space<vmem>>
    %dma_start3A_440 = tpu.memref_slice %arg2[%select_n3A, %dma_start3A_429, %add3A_428] : memref<16x4x20016xf32, #tpu.memory_space<hbm>> -> memref<1x1x2000xf32, #tpu.memory_space<hbm>>
    %dma_start3A_441 = tpu.memref_squeeze %dma_start3A_440 : memref<1x1x2000xf32, #tpu.memory_space<hbm>> -> memref<2000xf32, #tpu.memory_space<hbm>>
    tpu.enqueue_dma source(%dma_start3A_441 : memref<2000xf32, #tpu.memory_space<hbm>>) target(%dma_start3A_439 : memref<2000xf32, #tpu.memory_space<vmem>>) target_semaphore(%arg8 : memref<!tpu.dma_semaphore, #tpu.memory_space<semaphore_mem>>)
    %add3A_442 = arith.constant 6000 : i32
    %add3A_443 = arith.addi %mul3A_32, %add3A_442 : i32
    %dma_start3A_444 = arith.constant 2 : i32
    %dma_start3A_445 = arith.constant 1 : i32
    %dma_start3A_446 = arith.constant 2 : i32
    %dma_start3A_447 = arith.constant 0 : i32
    %dma_start3A_448 = tpu.memref_slice %arg4[%dma_start3A_445, %dma_start3A_446, %dma_start3A_447] : memref<2x4x2000xf32, #tpu.memory_space<vmem>> -> memref<1x1x2000xf32, #tpu.memory_space<vmem>>
    %dma_start3A_449 = tpu.memref_squeeze %dma_start3A_448 : memref<1x1x2000xf32, #tpu.memory_space<vmem>> -> memref<2000xf32, #tpu.memory_space<vmem>>
    %dma_start3A_450 = tpu.memref_slice %arg2[%select_n3A, %dma_start3A_444, %add3A_443] : memref<16x4x20016xf32, #tpu.memory_space<hbm>> -> memref<1x1x2000xf32, #tpu.memory_space<hbm>>
    %dma_start3A_451 = tpu.memref_squeeze %dma_start3A_450 : memref<1x1x2000xf32, #tpu.memory_space<hbm>> -> memref<2000xf32, #tpu.memory_space<hbm>>
    %dma_start3A_452 = arith.constant 0 : i32
    %dma_start3A_453 = tpu.memref_slice %arg4[%dma_start3A_445, %dma_start3A_446, %dma_start3A_452] : memref<2x4x2000xf32, #tpu.memory_space<vmem>> -> memref<1x1x2000xf32, #tpu.memory_space<vmem>>
    %dma_start3A_454 = tpu.memref_squeeze %dma_start3A_453 : memref<1x1x2000xf32, #tpu.memory_space<vmem>> -> memref<2000xf32, #tpu.memory_space<vmem>>
    %dma_start3A_455 = tpu.memref_slice %arg2[%select_n3A, %dma_start3A_444, %add3A_443] : memref<16x4x20016xf32, #tpu.memory_space<hbm>> -> memref<1x1x2000xf32, #tpu.memory_space<hbm>>
    %dma_start3A_456 = tpu.memref_squeeze %dma_start3A_455 : memref<1x1x2000xf32, #tpu.memory_space<hbm>> -> memref<2000xf32, #tpu.memory_space<hbm>>
    tpu.enqueue_dma source(%dma_start3A_456 : memref<2000xf32, #tpu.memory_space<hbm>>) target(%dma_start3A_454 : memref<2000xf32, #tpu.memory_space<vmem>>) target_semaphore(%arg8 : memref<!tpu.dma_semaphore, #tpu.memory_space<semaphore_mem>>)
    %add3A_457 = arith.constant 6000 : i32
    %add3A_458 = arith.addi %mul3A_32, %add3A_457 : i32
    %dma_start3A_459 = arith.constant 3 : i32
    %dma_start3A_460 = arith.constant 1 : i32
    %dma_start3A_461 = arith.constant 3 : i32
    %dma_start3A_462 = arith.constant 0 : i32
    %dma_start3A_463 = tpu.memref_slice %arg4[%dma_start3A_460, %dma_start3A_461, %dma_start3A_462] : memref<2x4x2000xf32, #tpu.memory_space<vmem>> -> memref<1x1x2000xf32, #tpu.memory_space<vmem>>
    %dma_start3A_464 = tpu.memref_squeeze %dma_start3A_463 : memref<1x1x2000xf32, #tpu.memory_space<vmem>> -> memref<2000xf32, #tpu.memory_space<vmem>>
    %dma_start3A_465 = tpu.memref_slice %arg2[%select_n3A, %dma_start3A_459, %add3A_458] : memref<16x4x20016xf32, #tpu.memory_space<hbm>> -> memref<1x1x2000xf32, #tpu.memory_space<hbm>>
    %dma_start3A_466 = tpu.memref_squeeze %dma_start3A_465 : memref<1x1x2000xf32, #tpu.memory_space<hbm>> -> memref<2000xf32, #tpu.memory_space<hbm>>
    %dma_start3A_467 = arith.constant 0 : i32
    %dma_start3A_468 = tpu.memref_slice %arg4[%dma_start3A_460, %dma_start3A_461, %dma_start3A_467] : memref<2x4x2000xf32, #tpu.memory_space<vmem>> -> memref<1x1x2000xf32, #tpu.memory_space<vmem>>
    %dma_start3A_469 = tpu.memref_squeeze %dma_start3A_468 : memref<1x1x2000xf32, #tpu.memory_space<vmem>> -> memref<2000xf32, #tpu.memory_space<vmem>>
    %dma_start3A_470 = tpu.memref_slice %arg2[%select_n3A, %dma_start3A_459, %add3A_458] : memref<16x4x20016xf32, #tpu.memory_space<hbm>> -> memref<1x1x2000xf32, #tpu.memory_space<hbm>>
    %dma_start3A_471 = tpu.memref_squeeze %dma_start3A_470 : memref<1x1x2000xf32, #tpu.memory_space<hbm>> -> memref<2000xf32, #tpu.memory_space<hbm>>
    tpu.enqueue_dma source(%dma_start3A_471 : memref<2000xf32, #tpu.memory_space<hbm>>) target(%dma_start3A_469 : memref<2000xf32, #tpu.memory_space<vmem>>) target_semaphore(%arg8 : memref<!tpu.dma_semaphore, #tpu.memory_space<semaphore_mem>>)
    %parallel_loop3A_472 = arith.constant 0 : i32
    %parallel_loop3A_473 = arith.constant 2000 : i32
    %parallel_loop3A_474 = arith.constant 16 : i32
    scf.for %parallel_loop3A_708 = %parallel_loop3A_472 to %parallel_loop3A_473 step %parallel_loop3A_474  : i32 {
      %parallel_loop3A_709 = arith.constant 0 : i32
      %parallel_loop3A_710 = arith.constant 0 : i32
      %parallel_loop3A_711 = arith.index_cast %parallel_loop3A_709 : i32 to index
      %parallel_loop3A_712 = arith.index_cast %parallel_loop3A_710 : i32 to index
      %parallel_loop3A_713 = arith.index_cast %parallel_loop3A_708 : i32 to index
      %parallel_loop3A_714 = tpu.vector_load %arg4[%parallel_loop3A_711, %parallel_loop3A_712, %parallel_loop3A_713] {strides = array<i32>} : memref<2x4x2000xf32, #tpu.memory_space<vmem>>, vector<16xf32>,
      %parallel_loop3A_715 = arith.constant 0 : i32
      %parallel_loop3A_716 = arith.constant 1 : i32
      %parallel_loop3A_717 = arith.index_cast %parallel_loop3A_715 : i32 to index
      %parallel_loop3A_718 = arith.index_cast %parallel_loop3A_716 : i32 to index
      %parallel_loop3A_719 = arith.index_cast %parallel_loop3A_708 : i32 to index
      %parallel_loop3A_720 = tpu.vector_load %arg4[%parallel_loop3A_717, %parallel_loop3A_718, %parallel_loop3A_719] {strides = array<i32>} : memref<2x4x2000xf32, #tpu.memory_space<vmem>>, vector<16xf32>,
      %parallel_loop3A_721 = arith.constant 0 : i32
      %parallel_loop3A_722 = arith.constant 2 : i32
      %parallel_loop3A_723 = arith.index_cast %parallel_loop3A_721 : i32 to index
      %parallel_loop3A_724 = arith.index_cast %parallel_loop3A_722 : i32 to index
      %parallel_loop3A_725 = arith.index_cast %parallel_loop3A_708 : i32 to index
      %parallel_loop3A_726 = tpu.vector_load %arg4[%parallel_loop3A_723, %parallel_loop3A_724, %parallel_loop3A_725] {strides = array<i32>} : memref<2x4x2000xf32, #tpu.memory_space<vmem>>, vector<16xf32>,
      %parallel_loop3A_727 = arith.constant 0 : i32
      %parallel_loop3A_728 = arith.constant 3 : i32
      %parallel_loop3A_729 = arith.index_cast %parallel_loop3A_727 : i32 to index
      %parallel_loop3A_730 = arith.index_cast %parallel_loop3A_728 : i32 to index
      %parallel_loop3A_731 = arith.index_cast %parallel_loop3A_708 : i32 to index
      %parallel_loop3A_732 = tpu.vector_load %arg4[%parallel_loop3A_729, %parallel_loop3A_730, %parallel_loop3A_731] {strides = array<i32>} : memref<2x4x2000xf32, #tpu.memory_space<vmem>>, vector<16xf32>,
      %parallel_loop3A_733 = arith.maximumf %parallel_loop3A_714, %get3A_94 : vector<16xf32>
      %parallel_loop3A_734 = arith.maximumf %parallel_loop3A_720, %get3A_98 : vector<16xf32>
      %parallel_loop3A_735 = arith.addf %parallel_loop3A_714, %parallel_loop3A_726 : vector<16xf32>
      %parallel_loop3A_736 = arith.minimumf %parallel_loop3A_735, %add3A_107 : vector<16xf32>
      %parallel_loop3A_737 = arith.addf %parallel_loop3A_720, %parallel_loop3A_732 : vector<16xf32>
      %parallel_loop3A_738 = arith.minimumf %parallel_loop3A_737, %add3A_108 : vector<16xf32>
      %parallel_loop3A_739 = arith.subf %parallel_loop3A_736, %parallel_loop3A_733 : vector<16xf32>
      %parallel_loop3A_740 = arith.constant 0.000000e+00 : f32
      %parallel_loop3A_741 = vector.broadcast %parallel_loop3A_740 : f32 to vector<16xf32>
      %parallel_loop3A_742 = arith.maximumf %parallel_loop3A_739, %parallel_loop3A_741 : vector<16xf32>
      %parallel_loop3A_743 = arith.subf %parallel_loop3A_738, %parallel_loop3A_734 : vector<16xf32>
      %parallel_loop3A_744 = arith.constant 0.000000e+00 : f32
      %parallel_loop3A_745 = vector.broadcast %parallel_loop3A_744 : f32 to vector<16xf32>
      %parallel_loop3A_746 = arith.maximumf %parallel_loop3A_743, %parallel_loop3A_745 : vector<16xf32>
      %parallel_loop3A_747 = arith.mulf %parallel_loop3A_742, %parallel_loop3A_746 : vector<16xf32>
      %parallel_loop3A_748 = arith.mulf %parallel_loop3A_726, %parallel_loop3A_732 : vector<16xf32>
      %parallel_loop3A_749 = arith.addf %parallel_loop3A_748, %mul3A_109 : vector<16xf32>
      %parallel_loop3A_750 = arith.subf %parallel_loop3A_749, %parallel_loop3A_747 : vector<16xf32>
      %parallel_loop3A_751 = arith.constant 9.99999997E-7 : f32
      %parallel_loop3A_752 = vector.broadcast %parallel_loop3A_751 : f32 to vector<16xf32>
      %parallel_loop3A_753 = arith.maximumf %parallel_loop3A_750, %parallel_loop3A_752 : vector<16xf32>
      %parallel_loop3A_754 = arith.constant 5.000000e-01 : f32
      %parallel_loop3A_755 = vector.broadcast %parallel_loop3A_754 : f32 to vector<16xf32>
      %parallel_loop3A_756 = arith.mulf %parallel_loop3A_755, %parallel_loop3A_753 : vector<16xf32>
      %parallel_loop3A_757 = arith.cmpf oge, %parallel_loop3A_747, %parallel_loop3A_756 : vector<16xf32>
      %parallel_loop3A_758 = arith.constant 1.000000e+00 : f32
      %parallel_loop3A_759 = arith.constant 0.000000e+00 : f32
      %parallel_loop3A_760 = vector.broadcast %parallel_loop3A_758 : f32 to vector<16xf32>
      %parallel_loop3A_761 = vector.broadcast %parallel_loop3A_759 : f32 to vector<16xf32>
      %parallel_loop3A_762 = arith.select %parallel_loop3A_757, %parallel_loop3A_760, %parallel_loop3A_761 : vector<16xi1>, vector<16xf32>
      %parallel_loop3A_763 = arith.constant 4000 : i32
      %parallel_loop3A_764 = arith.addi %parallel_loop3A_763, %parallel_loop3A_708 : i32
      %parallel_loop3A_765 = arith.index_cast %parallel_loop3A_764 : i32 to index
      %parallel_loop3A_766 = tpu.vector_load %arg6[%parallel_loop3A_765] {strides = array<i32>} : memref<10000xf32, #tpu.memory_space<vmem>>, vector<16xf32>,
      tpu.vector_store %arg6[%parallel_loop3A_765], %parallel_loop3A_762 {strides = array<i32>} : memref<10000xf32, #tpu.memory_space<vmem>>, vector<16xf32>,
    } {sc.loop_unroll_factor = 8 : i64, sc.parallel_access}
    %mul3A_475 = arith.constant 20096 : i32
    %mul3A_476 = arith.muli %select_n3A, %mul3A_475 : i32
    %add3A_477 = arith.addi %mul3A_476, %mul3A_32 : i32
    %add3A_478 = arith.constant 4000 : i32
    %add3A_479 = arith.addi %add3A_477, %add3A_478 : i32
    %dma_start3A_480 = arith.constant 4000 : i32
    %dma_start3A_481 = tpu.memref_slice %arg6[%dma_start3A_480] : memref<10000xf32, #tpu.memory_space<vmem>> -> memref<2000xf32, #tpu.memory_space<vmem>>
    %dma_start3A_482 = tpu.memref_slice %arg3[%add3A_479] : memref<321536xf32, #tpu.memory_space<hbm>> -> memref<2000xf32, #tpu.memory_space<hbm>>
    %dma_start3A_483 = tpu.memref_slice %arg3[%add3A_479] : memref<321536xf32, #tpu.memory_space<hbm>> -> memref<2000xf32, #tpu.memory_space<hbm>>
    %dma_start3A_484 = arith.constant 4000 : i32
    %dma_start3A_485 = tpu.memref_slice %arg6[%dma_start3A_484] : memref<10000xf32, #tpu.memory_space<vmem>> -> memref<2000xf32, #tpu.memory_space<vmem>>
    tpu.enqueue_dma source(%dma_start3A_485 : memref<2000xf32, #tpu.memory_space<vmem>>) target(%dma_start3A_483 : memref<2000xf32, #tpu.memory_space<hbm>>) target_semaphore(%arg9 : memref<!tpu.dma_semaphore, #tpu.memory_space<semaphore_mem>>)
    %dma_wait3A_486 = arith.constant 0 : i32
    %dma_wait3A_487 = arith.constant 1 : i32
    %dma_wait3A_488 = arith.constant 0 : i32
    %dma_wait3A_489 = arith.constant 0 : i32
    %dma_wait3A_490 = tpu.memref_slice %arg4[%dma_wait3A_487, %dma_wait3A_488, %dma_wait3A_489] : memref<2x4x2000xf32, #tpu.memory_space<vmem>> -> memref<1x1x2000xf32, #tpu.memory_space<vmem>>
    %dma_wait3A_491 = tpu.memref_squeeze %dma_wait3A_490 : memref<1x1x2000xf32, #tpu.memory_space<vmem>> -> memref<2000xf32, #tpu.memory_space<vmem>>
    %dma_wait3A_492 = tpu.memref_slice %arg2[%select_n3A, %dma_wait3A_486, %add3A_413] : memref<16x4x20016xf32, #tpu.memory_space<hbm>> -> memref<1x1x2000xf32, #tpu.memory_space<hbm>>
    %dma_wait3A_493 = tpu.memref_squeeze %dma_wait3A_492 : memref<1x1x2000xf32, #tpu.memory_space<hbm>> -> memref<2000xf32, #tpu.memory_space<hbm>>
    %dma_wait3A_494 = arith.constant 0 : i32
    %dma_wait3A_495 = tpu.memref_slice %arg4[%dma_wait3A_487, %dma_wait3A_488, %dma_wait3A_494] : memref<2x4x2000xf32, #tpu.memory_space<vmem>> -> memref<1x1x2000xf32, #tpu.memory_space<vmem>>
    %dma_wait3A_496 = tpu.memref_squeeze %dma_wait3A_495 : memref<1x1x2000xf32, #tpu.memory_space<vmem>> -> memref<2000xf32, #tpu.memory_space<vmem>>
    %dma_wait3A_497 = tpu.memref_slice %arg2[%select_n3A, %dma_wait3A_486, %add3A_413] : memref<16x4x20016xf32, #tpu.memory_space<hbm>> -> memref<1x1x2000xf32, #tpu.memory_space<hbm>>
    %dma_wait3A_498 = tpu.memref_squeeze %dma_wait3A_497 : memref<1x1x2000xf32, #tpu.memory_space<hbm>> -> memref<2000xf32, #tpu.memory_space<hbm>>
    tpu.wait_dma2 semaphore(%arg8 : memref<!tpu.dma_semaphore, #tpu.memory_space<semaphore_mem>>) src(%dma_wait3A_498 : memref<2000xf32, #tpu.memory_space<hbm>>) dst(%dma_wait3A_496 : memref<2000xf32, #tpu.memory_space<vmem>>)
    %dma_wait3A_499 = arith.constant 1 : i32
    %dma_wait3A_500 = arith.constant 1 : i32
    %dma_wait3A_501 = arith.constant 1 : i32
    %dma_wait3A_502 = arith.constant 0 : i32
    %dma_wait3A_503 = tpu.memref_slice %arg4[%dma_wait3A_500, %dma_wait3A_501, %dma_wait3A_502] : memref<2x4x2000xf32, #tpu.memory_space<vmem>> -> memref<1x1x2000xf32, #tpu.memory_space<vmem>>
    %dma_wait3A_504 = tpu.memref_squeeze %dma_wait3A_503 : memref<1x1x2000xf32, #tpu.memory_space<vmem>> -> memref<2000xf32, #tpu.memory_space<vmem>>
    %dma_wait3A_505 = tpu.memref_slice %arg2[%select_n3A, %dma_wait3A_499, %add3A_428] : memref<16x4x20016xf32, #tpu.memory_space<hbm>> -> memref<1x1x2000xf32, #tpu.memory_space<hbm>>
    %dma_wait3A_506 = tpu.memref_squeeze %dma_wait3A_505 : memref<1x1x2000xf32, #tpu.memory_space<hbm>> -> memref<2000xf32, #tpu.memory_space<hbm>>
    %dma_wait3A_507 = arith.constant 0 : i32
    %dma_wait3A_508 = tpu.memref_slice %arg4[%dma_wait3A_500, %dma_wait3A_501, %dma_wait3A_507] : memref<2x4x2000xf32, #tpu.memory_space<vmem>> -> memref<1x1x2000xf32, #tpu.memory_space<vmem>>
    %dma_wait3A_509 = tpu.memref_squeeze %dma_wait3A_508 : memref<1x1x2000xf32, #tpu.memory_space<vmem>> -> memref<2000xf32, #tpu.memory_space<vmem>>
    %dma_wait3A_510 = tpu.memref_slice %arg2[%select_n3A, %dma_wait3A_499, %add3A_428] : memref<16x4x20016xf32, #tpu.memory_space<hbm>> -> memref<1x1x2000xf32, #tpu.memory_space<hbm>>
    %dma_wait3A_511 = tpu.memref_squeeze %dma_wait3A_510 : memref<1x1x2000xf32, #tpu.memory_space<hbm>> -> memref<2000xf32, #tpu.memory_space<hbm>>
    tpu.wait_dma2 semaphore(%arg8 : memref<!tpu.dma_semaphore, #tpu.memory_space<semaphore_mem>>) src(%dma_wait3A_511 : memref<2000xf32, #tpu.memory_space<hbm>>) dst(%dma_wait3A_509 : memref<2000xf32, #tpu.memory_space<vmem>>)
    %dma_wait3A_512 = arith.constant 2 : i32
    %dma_wait3A_513 = arith.constant 1 : i32
    %dma_wait3A_514 = arith.constant 2 : i32
    %dma_wait3A_515 = arith.constant 0 : i32
    %dma_wait3A_516 = tpu.memref_slice %arg4[%dma_wait3A_513, %dma_wait3A_514, %dma_wait3A_515] : memref<2x4x2000xf32, #tpu.memory_space<vmem>> -> memref<1x1x2000xf32, #tpu.memory_space<vmem>>
    %dma_wait3A_517 = tpu.memref_squeeze %dma_wait3A_516 : memref<1x1x2000xf32, #tpu.memory_space<vmem>> -> memref<2000xf32, #tpu.memory_space<vmem>>
    %dma_wait3A_518 = tpu.memref_slice %arg2[%select_n3A, %dma_wait3A_512, %add3A_443] : memref<16x4x20016xf32, #tpu.memory_space<hbm>> -> memref<1x1x2000xf32, #tpu.memory_space<hbm>>
    %dma_wait3A_519 = tpu.memref_squeeze %dma_wait3A_518 : memref<1x1x2000xf32, #tpu.memory_space<hbm>> -> memref<2000xf32, #tpu.memory_space<hbm>>
    %dma_wait3A_520 = arith.constant 0 : i32
    %dma_wait3A_521 = tpu.memref_slice %arg4[%dma_wait3A_513, %dma_wait3A_514, %dma_wait3A_520] : memref<2x4x2000xf32, #tpu.memory_space<vmem>> -> memref<1x1x2000xf32, #tpu.memory_space<vmem>>
    %dma_wait3A_522 = tpu.memref_squeeze %dma_wait3A_521 : memref<1x1x2000xf32, #tpu.memory_space<vmem>> -> memref<2000xf32, #tpu.memory_space<vmem>>
    %dma_wait3A_523 = tpu.memref_slice %arg2[%select_n3A, %dma_wait3A_512, %add3A_443] : memref<16x4x20016xf32, #tpu.memory_space<hbm>> -> memref<1x1x2000xf32, #tpu.memory_space<hbm>>
    %dma_wait3A_524 = tpu.memref_squeeze %dma_wait3A_523 : memref<1x1x2000xf32, #tpu.memory_space<hbm>> -> memref<2000xf32, #tpu.memory_space<hbm>>
    tpu.wait_dma2 semaphore(%arg8 : memref<!tpu.dma_semaphore, #tpu.memory_space<semaphore_mem>>) src(%dma_wait3A_524 : memref<2000xf32, #tpu.memory_space<hbm>>) dst(%dma_wait3A_522 : memref<2000xf32, #tpu.memory_space<vmem>>)
    %dma_wait3A_525 = arith.constant 3 : i32
    %dma_wait3A_526 = arith.constant 1 : i32
    %dma_wait3A_527 = arith.constant 3 : i32
    %dma_wait3A_528 = arith.constant 0 : i32
    %dma_wait3A_529 = tpu.memref_slice %arg4[%dma_wait3A_526, %dma_wait3A_527, %dma_wait3A_528] : memref<2x4x2000xf32, #tpu.memory_space<vmem>> -> memref<1x1x2000xf32, #tpu.memory_space<vmem>>
    %dma_wait3A_530 = tpu.memref_squeeze %dma_wait3A_529 : memref<1x1x2000xf32, #tpu.memory_space<vmem>> -> memref<2000xf32, #tpu.memory_space<vmem>>
    %dma_wait3A_531 = tpu.memref_slice %arg2[%select_n3A, %dma_wait3A_525, %add3A_458] : memref<16x4x20016xf32, #tpu.memory_space<hbm>> -> memref<1x1x2000xf32, #tpu.memory_space<hbm>>
    %dma_wait3A_532 = tpu.memref_squeeze %dma_wait3A_531 : memref<1x1x2000xf32, #tpu.memory_space<hbm>> -> memref<2000xf32, #tpu.memory_space<hbm>>
    %dma_wait3A_533 = arith.constant 0 : i32
    %dma_wait3A_534 = tpu.memref_slice %arg4[%dma_wait3A_526, %dma_wait3A_527, %dma_wait3A_533] : memref<2x4x2000xf32, #tpu.memory_space<vmem>> -> memref<1x1x2000xf32, #tpu.memory_space<vmem>>
    %dma_wait3A_535 = tpu.memref_squeeze %dma_wait3A_534 : memref<1x1x2000xf32, #tpu.memory_space<vmem>> -> memref<2000xf32, #tpu.memory_space<vmem>>
    %dma_wait3A_536 = tpu.memref_slice %arg2[%select_n3A, %dma_wait3A_525, %add3A_458] : memref<16x4x20016xf32, #tpu.memory_space<hbm>> -> memref<1x1x2000xf32, #tpu.memory_space<hbm>>
    %dma_wait3A_537 = tpu.memref_squeeze %dma_wait3A_536 : memref<1x1x2000xf32, #tpu.memory_space<hbm>> -> memref<2000xf32, #tpu.memory_space<hbm>>
    tpu.wait_dma2 semaphore(%arg8 : memref<!tpu.dma_semaphore, #tpu.memory_space<semaphore_mem>>) src(%dma_wait3A_537 : memref<2000xf32, #tpu.memory_space<hbm>>) dst(%dma_wait3A_535 : memref<2000xf32, #tpu.memory_space<vmem>>)
    %add3A_538 = arith.constant 8000 : i32
    %add3A_539 = arith.addi %mul3A_32, %add3A_538 : i32
    %dma_start3A_540 = arith.constant 0 : i32
    %dma_start3A_541 = arith.constant 0 : i32
    %dma_start3A_542 = arith.constant 0 : i32
    %dma_start3A_543 = arith.constant 0 : i32
    %dma_start3A_544 = tpu.memref_slice %arg4[%dma_start3A_541, %dma_start3A_542, %dma_start3A_543] : memref<2x4x2000xf32, #tpu.memory_space<vmem>> -> memref<1x1x2000xf32, #tpu.memory_space<vmem>>
    %dma_start3A_545 = tpu.memref_squeeze %dma_start3A_544 : memref<1x1x2000xf32, #tpu.memory_space<vmem>> -> memref<2000xf32, #tpu.memory_space<vmem>>
    %dma_start3A_546 = tpu.memref_slice %arg2[%select_n3A, %dma_start3A_540, %add3A_539] : memref<16x4x20016xf32, #tpu.memory_space<hbm>> -> memref<1x1x2000xf32, #tpu.memory_space<hbm>>
    %dma_start3A_547 = tpu.memref_squeeze %dma_start3A_546 : memref<1x1x2000xf32, #tpu.memory_space<hbm>> -> memref<2000xf32, #tpu.memory_space<hbm>>
    %dma_start3A_548 = arith.constant 0 : i32
    %dma_start3A_549 = tpu.memref_slice %arg4[%dma_start3A_541, %dma_start3A_542, %dma_start3A_548] : memref<2x4x2000xf32, #tpu.memory_space<vmem>> -> memref<1x1x2000xf32, #tpu.memory_space<vmem>>
    %dma_start3A_550 = tpu.memref_squeeze %dma_start3A_549 : memref<1x1x2000xf32, #tpu.memory_space<vmem>> -> memref<2000xf32, #tpu.memory_space<vmem>>
    %dma_start3A_551 = tpu.memref_slice %arg2[%select_n3A, %dma_start3A_540, %add3A_539] : memref<16x4x20016xf32, #tpu.memory_space<hbm>> -> memref<1x1x2000xf32, #tpu.memory_space<hbm>>
    %dma_start3A_552 = tpu.memref_squeeze %dma_start3A_551 : memref<1x1x2000xf32, #tpu.memory_space<hbm>> -> memref<2000xf32, #tpu.memory_space<hbm>>
    tpu.enqueue_dma source(%dma_start3A_552 : memref<2000xf32, #tpu.memory_space<hbm>>) target(%dma_start3A_550 : memref<2000xf32, #tpu.memory_space<vmem>>) target_semaphore(%arg7 : memref<!tpu.dma_semaphore, #tpu.memory_space<semaphore_mem>>)
    %add3A_553 = arith.constant 8000 : i32
    %add3A_554 = arith.addi %mul3A_32, %add3A_553 : i32
    %dma_start3A_555 = arith.constant 1 : i32
    %dma_start3A_556 = arith.constant 0 : i32
    %dma_start3A_557 = arith.constant 1 : i32
    %dma_start3A_558 = arith.constant 0 : i32
    %dma_start3A_559 = tpu.memref_slice %arg4[%dma_start3A_556, %dma_start3A_557, %dma_start3A_558] : memref<2x4x2000xf32, #tpu.memory_space<vmem>> -> memref<1x1x2000xf32, #tpu.memory_space<vmem>>
    %dma_start3A_560 = tpu.memref_squeeze %dma_start3A_559 : memref<1x1x2000xf32, #tpu.memory_space<vmem>> -> memref<2000xf32, #tpu.memory_space<vmem>>
    %dma_start3A_561 = tpu.memref_slice %arg2[%select_n3A, %dma_start3A_555, %add3A_554] : memref<16x4x20016xf32, #tpu.memory_space<hbm>> -> memref<1x1x2000xf32, #tpu.memory_space<hbm>>
    %dma_start3A_562 = tpu.memref_squeeze %dma_start3A_561 : memref<1x1x2000xf32, #tpu.memory_space<hbm>> -> memref<2000xf32, #tpu.memory_space<hbm>>
    %dma_start3A_563 = arith.constant 0 : i32
    %dma_start3A_564 = tpu.memref_slice %arg4[%dma_start3A_556, %dma_start3A_557, %dma_start3A_563] : memref<2x4x2000xf32, #tpu.memory_space<vmem>> -> memref<1x1x2000xf32, #tpu.memory_space<vmem>>
    %dma_start3A_565 = tpu.memref_squeeze %dma_start3A_564 : memref<1x1x2000xf32, #tpu.memory_space<vmem>> -> memref<2000xf32, #tpu.memory_space<vmem>>
    %dma_start3A_566 = tpu.memref_slice %arg2[%select_n3A, %dma_start3A_555, %add3A_554] : memref<16x4x20016xf32, #tpu.memory_space<hbm>> -> memref<1x1x2000xf32, #tpu.memory_space<hbm>>
    %dma_start3A_567 = tpu.memref_squeeze %dma_start3A_566 : memref<1x1x2000xf32, #tpu.memory_space<hbm>> -> memref<2000xf32, #tpu.memory_space<hbm>>
    tpu.enqueue_dma source(%dma_start3A_567 : memref<2000xf32, #tpu.memory_space<hbm>>) target(%dma_start3A_565 : memref<2000xf32, #tpu.memory_space<vmem>>) target_semaphore(%arg7 : memref<!tpu.dma_semaphore, #tpu.memory_space<semaphore_mem>>)
    %add3A_568 = arith.constant 8000 : i32
    %add3A_569 = arith.addi %mul3A_32, %add3A_568 : i32
    %dma_start3A_570 = arith.constant 2 : i32
    %dma_start3A_571 = arith.constant 0 : i32
    %dma_start3A_572 = arith.constant 2 : i32
    %dma_start3A_573 = arith.constant 0 : i32
    %dma_start3A_574 = tpu.memref_slice %arg4[%dma_start3A_571, %dma_start3A_572, %dma_start3A_573] : memref<2x4x2000xf32, #tpu.memory_space<vmem>> -> memref<1x1x2000xf32, #tpu.memory_space<vmem>>
    %dma_start3A_575 = tpu.memref_squeeze %dma_start3A_574 : memref<1x1x2000xf32, #tpu.memory_space<vmem>> -> memref<2000xf32, #tpu.memory_space<vmem>>
    %dma_start3A_576 = tpu.memref_slice %arg2[%select_n3A, %dma_start3A_570, %add3A_569] : memref<16x4x20016xf32, #tpu.memory_space<hbm>> -> memref<1x1x2000xf32, #tpu.memory_space<hbm>>
    %dma_start3A_577 = tpu.memref_squeeze %dma_start3A_576 : memref<1x1x2000xf32, #tpu.memory_space<hbm>> -> memref<2000xf32, #tpu.memory_space<hbm>>
    %dma_start3A_578 = arith.constant 0 : i32
    %dma_start3A_579 = tpu.memref_slice %arg4[%dma_start3A_571, %dma_start3A_572, %dma_start3A_578] : memref<2x4x2000xf32, #tpu.memory_space<vmem>> -> memref<1x1x2000xf32, #tpu.memory_space<vmem>>
    %dma_start3A_580 = tpu.memref_squeeze %dma_start3A_579 : memref<1x1x2000xf32, #tpu.memory_space<vmem>> -> memref<2000xf32, #tpu.memory_space<vmem>>
    %dma_start3A_581 = tpu.memref_slice %arg2[%select_n3A, %dma_start3A_570, %add3A_569] : memref<16x4x20016xf32, #tpu.memory_space<hbm>> -> memref<1x1x2000xf32, #tpu.memory_space<hbm>>
    %dma_start3A_582 = tpu.memref_squeeze %dma_start3A_581 : memref<1x1x2000xf32, #tpu.memory_space<hbm>> -> memref<2000xf32, #tpu.memory_space<hbm>>
    tpu.enqueue_dma source(%dma_start3A_582 : memref<2000xf32, #tpu.memory_space<hbm>>) target(%dma_start3A_580 : memref<2000xf32, #tpu.memory_space<vmem>>) target_semaphore(%arg7 : memref<!tpu.dma_semaphore, #tpu.memory_space<semaphore_mem>>)
    %add3A_583 = arith.constant 8000 : i32
    %add3A_584 = arith.addi %mul3A_32, %add3A_583 : i32
    %dma_start3A_585 = arith.constant 3 : i32
    %dma_start3A_586 = arith.constant 0 : i32
    %dma_start3A_587 = arith.constant 3 : i32
    %dma_start3A_588 = arith.constant 0 : i32
    %dma_start3A_589 = tpu.memref_slice %arg4[%dma_start3A_586, %dma_start3A_587, %dma_start3A_588] : memref<2x4x2000xf32, #tpu.memory_space<vmem>> -> memref<1x1x2000xf32, #tpu.memory_space<vmem>>
    %dma_start3A_590 = tpu.memref_squeeze %dma_start3A_589 : memref<1x1x2000xf32, #tpu.memory_space<vmem>> -> memref<2000xf32, #tpu.memory_space<vmem>>
    %dma_start3A_591 = tpu.memref_slice %arg2[%select_n3A, %dma_start3A_585, %add3A_584] : memref<16x4x20016xf32, #tpu.memory_space<hbm>> -> memref<1x1x2000xf32, #tpu.memory_space<hbm>>
    %dma_start3A_592 = tpu.memref_squeeze %dma_start3A_591 : memref<1x1x2000xf32, #tpu.memory_space<hbm>> -> memref<2000xf32, #tpu.memory_space<hbm>>
    %dma_start3A_593 = arith.constant 0 : i32
    %dma_start3A_594 = tpu.memref_slice %arg4[%dma_start3A_586, %dma_start3A_587, %dma_start3A_593] : memref<2x4x2000xf32, #tpu.memory_space<vmem>> -> memref<1x1x2000xf32, #tpu.memory_space<vmem>>
    %dma_start3A_595 = tpu.memref_squeeze %dma_start3A_594 : memref<1x1x2000xf32, #tpu.memory_space<vmem>> -> memref<2000xf32, #tpu.memory_space<vmem>>
    %dma_start3A_596 = tpu.memref_slice %arg2[%select_n3A, %dma_start3A_585, %add3A_584] : memref<16x4x20016xf32, #tpu.memory_space<hbm>> -> memref<1x1x2000xf32, #tpu.memory_space<hbm>>
    %dma_start3A_597 = tpu.memref_squeeze %dma_start3A_596 : memref<1x1x2000xf32, #tpu.memory_space<hbm>> -> memref<2000xf32, #tpu.memory_space<hbm>>
    tpu.enqueue_dma source(%dma_start3A_597 : memref<2000xf32, #tpu.memory_space<hbm>>) target(%dma_start3A_595 : memref<2000xf32, #tpu.memory_space<vmem>>) target_semaphore(%arg7 : memref<!tpu.dma_semaphore, #tpu.memory_space<semaphore_mem>>)
    %parallel_loop3A_598 = arith.constant 0 : i32
    %parallel_loop3A_599 = arith.constant 2000 : i32
    %parallel_loop3A_600 = arith.constant 16 : i32
    scf.for %parallel_loop3A_708 = %parallel_loop3A_598 to %parallel_loop3A_599 step %parallel_loop3A_600  : i32 {
      %parallel_loop3A_709 = arith.constant 1 : i32
      %parallel_loop3A_710 = arith.constant 0 : i32
      %parallel_loop3A_711 = arith.index_cast %parallel_loop3A_709 : i32 to index
      %parallel_loop3A_712 = arith.index_cast %parallel_loop3A_710 : i32 to index
      %parallel_loop3A_713 = arith.index_cast %parallel_loop3A_708 : i32 to index
      %parallel_loop3A_714 = tpu.vector_load %arg4[%parallel_loop3A_711, %parallel_loop3A_712, %parallel_loop3A_713] {strides = array<i32>} : memref<2x4x2000xf32, #tpu.memory_space<vmem>>, vector<16xf32>,
      %parallel_loop3A_715 = arith.constant 1 : i32
      %parallel_loop3A_716 = arith.constant 1 : i32
      %parallel_loop3A_717 = arith.index_cast %parallel_loop3A_715 : i32 to index
      %parallel_loop3A_718 = arith.index_cast %parallel_loop3A_716 : i32 to index
      %parallel_loop3A_719 = arith.index_cast %parallel_loop3A_708 : i32 to index
      %parallel_loop3A_720 = tpu.vector_load %arg4[%parallel_loop3A_717, %parallel_loop3A_718, %parallel_loop3A_719] {strides = array<i32>} : memref<2x4x2000xf32, #tpu.memory_space<vmem>>, vector<16xf32>,
      %parallel_loop3A_721 = arith.constant 1 : i32
      %parallel_loop3A_722 = arith.constant 2 : i32
      %parallel_loop3A_723 = arith.index_cast %parallel_loop3A_721 : i32 to index
      %parallel_loop3A_724 = arith.index_cast %parallel_loop3A_722 : i32 to index
      %parallel_loop3A_725 = arith.index_cast %parallel_loop3A_708 : i32 to index
      %parallel_loop3A_726 = tpu.vector_load %arg4[%parallel_loop3A_723, %parallel_loop3A_724, %parallel_loop3A_725] {strides = array<i32>} : memref<2x4x2000xf32, #tpu.memory_space<vmem>>, vector<16xf32>,
      %parallel_loop3A_727 = arith.constant 1 : i32
      %parallel_loop3A_728 = arith.constant 3 : i32
      %parallel_loop3A_729 = arith.index_cast %parallel_loop3A_727 : i32 to index
      %parallel_loop3A_730 = arith.index_cast %parallel_loop3A_728 : i32 to index
      %parallel_loop3A_731 = arith.index_cast %parallel_loop3A_708 : i32 to index
      %parallel_loop3A_732 = tpu.vector_load %arg4[%parallel_loop3A_729, %parallel_loop3A_730, %parallel_loop3A_731] {strides = array<i32>} : memref<2x4x2000xf32, #tpu.memory_space<vmem>>, vector<16xf32>,
      %parallel_loop3A_733 = arith.maximumf %parallel_loop3A_714, %get3A_94 : vector<16xf32>
      %parallel_loop3A_734 = arith.maximumf %parallel_loop3A_720, %get3A_98 : vector<16xf32>
      %parallel_loop3A_735 = arith.addf %parallel_loop3A_714, %parallel_loop3A_726 : vector<16xf32>
      %parallel_loop3A_736 = arith.minimumf %parallel_loop3A_735, %add3A_107 : vector<16xf32>
      %parallel_loop3A_737 = arith.addf %parallel_loop3A_720, %parallel_loop3A_732 : vector<16xf32>
      %parallel_loop3A_738 = arith.minimumf %parallel_loop3A_737, %add3A_108 : vector<16xf32>
      %parallel_loop3A_739 = arith.subf %parallel_loop3A_736, %parallel_loop3A_733 : vector<16xf32>
      %parallel_loop3A_740 = arith.constant 0.000000e+00 : f32
      %parallel_loop3A_741 = vector.broadcast %parallel_loop3A_740 : f32 to vector<16xf32>
      %parallel_loop3A_742 = arith.maximumf %parallel_loop3A_739, %parallel_loop3A_741 : vector<16xf32>
      %parallel_loop3A_743 = arith.subf %parallel_loop3A_738, %parallel_loop3A_734 : vector<16xf32>
      %parallel_loop3A_744 = arith.constant 0.000000e+00 : f32
      %parallel_loop3A_745 = vector.broadcast %parallel_loop3A_744 : f32 to vector<16xf32>
      %parallel_loop3A_746 = arith.maximumf %parallel_loop3A_743, %parallel_loop3A_745 : vector<16xf32>
      %parallel_loop3A_747 = arith.mulf %parallel_loop3A_742, %parallel_loop3A_746 : vector<16xf32>
      %parallel_loop3A_748 = arith.mulf %parallel_loop3A_726, %parallel_loop3A_732 : vector<16xf32>
      %parallel_loop3A_749 = arith.addf %parallel_loop3A_748, %mul3A_109 : vector<16xf32>
      %parallel_loop3A_750 = arith.subf %parallel_loop3A_749, %parallel_loop3A_747 : vector<16xf32>
      %parallel_loop3A_751 = arith.constant 9.99999997E-7 : f32
      %parallel_loop3A_752 = vector.broadcast %parallel_loop3A_751 : f32 to vector<16xf32>
      %parallel_loop3A_753 = arith.maximumf %parallel_loop3A_750, %parallel_loop3A_752 : vector<16xf32>
      %parallel_loop3A_754 = arith.constant 5.000000e-01 : f32
      %parallel_loop3A_755 = vector.broadcast %parallel_loop3A_754 : f32 to vector<16xf32>
      %parallel_loop3A_756 = arith.mulf %parallel_loop3A_755, %parallel_loop3A_753 : vector<16xf32>
      %parallel_loop3A_757 = arith.cmpf oge, %parallel_loop3A_747, %parallel_loop3A_756 : vector<16xf32>
      %parallel_loop3A_758 = arith.constant 1.000000e+00 : f32
      %parallel_loop3A_759 = arith.constant 0.000000e+00 : f32
      %parallel_loop3A_760 = vector.broadcast %parallel_loop3A_758 : f32 to vector<16xf32>
      %parallel_loop3A_761 = vector.broadcast %parallel_loop3A_759 : f32 to vector<16xf32>
      %parallel_loop3A_762 = arith.select %parallel_loop3A_757, %parallel_loop3A_760, %parallel_loop3A_761 : vector<16xi1>, vector<16xf32>
      %parallel_loop3A_763 = arith.constant 6000 : i32
      %parallel_loop3A_764 = arith.addi %parallel_loop3A_763, %parallel_loop3A_708 : i32
      %parallel_loop3A_765 = arith.index_cast %parallel_loop3A_764 : i32 to index
      %parallel_loop3A_766 = tpu.vector_load %arg6[%parallel_loop3A_765] {strides = array<i32>} : memref<10000xf32, #tpu.memory_space<vmem>>, vector<16xf32>,
      tpu.vector_store %arg6[%parallel_loop3A_765], %parallel_loop3A_762 {strides = array<i32>} : memref<10000xf32, #tpu.memory_space<vmem>>, vector<16xf32>,
    } {sc.loop_unroll_factor = 8 : i64, sc.parallel_access}
    %mul3A_601 = arith.constant 20096 : i32
    %mul3A_602 = arith.muli %select_n3A, %mul3A_601 : i32
    %add3A_603 = arith.addi %mul3A_602, %mul3A_32 : i32
    %add3A_604 = arith.constant 6000 : i32
    %add3A_605 = arith.addi %add3A_603, %add3A_604 : i32
    %dma_start3A_606 = arith.constant 6000 : i32
    %dma_start3A_607 = tpu.memref_slice %arg6[%dma_start3A_606] : memref<10000xf32, #tpu.memory_space<vmem>> -> memref<2000xf32, #tpu.memory_space<vmem>>
    %dma_start3A_608 = tpu.memref_slice %arg3[%add3A_605] : memref<321536xf32, #tpu.memory_space<hbm>> -> memref<2000xf32, #tpu.memory_space<hbm>>
    %dma_start3A_609 = tpu.memref_slice %arg3[%add3A_605] : memref<321536xf32, #tpu.memory_space<hbm>> -> memref<2000xf32, #tpu.memory_space<hbm>>
    %dma_start3A_610 = arith.constant 6000 : i32
    %dma_start3A_611 = tpu.memref_slice %arg6[%dma_start3A_610] : memref<10000xf32, #tpu.memory_space<vmem>> -> memref<2000xf32, #tpu.memory_space<vmem>>
    tpu.enqueue_dma source(%dma_start3A_611 : memref<2000xf32, #tpu.memory_space<vmem>>) target(%dma_start3A_609 : memref<2000xf32, #tpu.memory_space<hbm>>) target_semaphore(%arg9 : memref<!tpu.dma_semaphore, #tpu.memory_space<semaphore_mem>>)
    %dma_wait3A_612 = arith.constant 0 : i32
    %dma_wait3A_613 = arith.constant 0 : i32
    %dma_wait3A_614 = arith.constant 0 : i32
    %dma_wait3A_615 = arith.constant 0 : i32
    %dma_wait3A_616 = tpu.memref_slice %arg4[%dma_wait3A_613, %dma_wait3A_614, %dma_wait3A_615] : memref<2x4x2000xf32, #tpu.memory_space<vmem>> -> memref<1x1x2000xf32, #tpu.memory_space<vmem>>
    %dma_wait3A_617 = tpu.memref_squeeze %dma_wait3A_616 : memref<1x1x2000xf32, #tpu.memory_space<vmem>> -> memref<2000xf32, #tpu.memory_space<vmem>>
    %dma_wait3A_618 = tpu.memref_slice %arg2[%select_n3A, %dma_wait3A_612, %add3A_539] : memref<16x4x20016xf32, #tpu.memory_space<hbm>> -> memref<1x1x2000xf32, #tpu.memory_space<hbm>>
    %dma_wait3A_619 = tpu.memref_squeeze %dma_wait3A_618 : memref<1x1x2000xf32, #tpu.memory_space<hbm>> -> memref<2000xf32, #tpu.memory_space<hbm>>
    %dma_wait3A_620 = arith.constant 0 : i32
    %dma_wait3A_621 = tpu.memref_slice %arg4[%dma_wait3A_613, %dma_wait3A_614, %dma_wait3A_620] : memref<2x4x2000xf32, #tpu.memory_space<vmem>> -> memref<1x1x2000xf32, #tpu.memory_space<vmem>>
    %dma_wait3A_622 = tpu.memref_squeeze %dma_wait3A_621 : memref<1x1x2000xf32, #tpu.memory_space<vmem>> -> memref<2000xf32, #tpu.memory_space<vmem>>
    %dma_wait3A_623 = tpu.memref_slice %arg2[%select_n3A, %dma_wait3A_612, %add3A_539] : memref<16x4x20016xf32, #tpu.memory_space<hbm>> -> memref<1x1x2000xf32, #tpu.memory_space<hbm>>
    %dma_wait3A_624 = tpu.memref_squeeze %dma_wait3A_623 : memref<1x1x2000xf32, #tpu.memory_space<hbm>> -> memref<2000xf32, #tpu.memory_space<hbm>>
    tpu.wait_dma2 semaphore(%arg7 : memref<!tpu.dma_semaphore, #tpu.memory_space<semaphore_mem>>) src(%dma_wait3A_624 : memref<2000xf32, #tpu.memory_space<hbm>>) dst(%dma_wait3A_622 : memref<2000xf32, #tpu.memory_space<vmem>>)
    %dma_wait3A_625 = arith.constant 1 : i32
    %dma_wait3A_626 = arith.constant 0 : i32
    %dma_wait3A_627 = arith.constant 1 : i32
    %dma_wait3A_628 = arith.constant 0 : i32
    %dma_wait3A_629 = tpu.memref_slice %arg4[%dma_wait3A_626, %dma_wait3A_627, %dma_wait3A_628] : memref<2x4x2000xf32, #tpu.memory_space<vmem>> -> memref<1x1x2000xf32, #tpu.memory_space<vmem>>
    %dma_wait3A_630 = tpu.memref_squeeze %dma_wait3A_629 : memref<1x1x2000xf32, #tpu.memory_space<vmem>> -> memref<2000xf32, #tpu.memory_space<vmem>>
    %dma_wait3A_631 = tpu.memref_slice %arg2[%select_n3A, %dma_wait3A_625, %add3A_554] : memref<16x4x20016xf32, #tpu.memory_space<hbm>> -> memref<1x1x2000xf32, #tpu.memory_space<hbm>>
    %dma_wait3A_632 = tpu.memref_squeeze %dma_wait3A_631 : memref<1x1x2000xf32, #tpu.memory_space<hbm>> -> memref<2000xf32, #tpu.memory_space<hbm>>
    %dma_wait3A_633 = arith.constant 0 : i32
    %dma_wait3A_634 = tpu.memref_slice %arg4[%dma_wait3A_626, %dma_wait3A_627, %dma_wait3A_633] : memref<2x4x2000xf32, #tpu.memory_space<vmem>> -> memref<1x1x2000xf32, #tpu.memory_space<vmem>>
    %dma_wait3A_635 = tpu.memref_squeeze %dma_wait3A_634 : memref<1x1x2000xf32, #tpu.memory_space<vmem>> -> memref<2000xf32, #tpu.memory_space<vmem>>
    %dma_wait3A_636 = tpu.memref_slice %arg2[%select_n3A, %dma_wait3A_625, %add3A_554] : memref<16x4x20016xf32, #tpu.memory_space<hbm>> -> memref<1x1x2000xf32, #tpu.memory_space<hbm>>
    %dma_wait3A_637 = tpu.memref_squeeze %dma_wait3A_636 : memref<1x1x2000xf32, #tpu.memory_space<hbm>> -> memref<2000xf32, #tpu.memory_space<hbm>>
    tpu.wait_dma2 semaphore(%arg7 : memref<!tpu.dma_semaphore, #tpu.memory_space<semaphore_mem>>) src(%dma_wait3A_637 : memref<2000xf32, #tpu.memory_space<hbm>>) dst(%dma_wait3A_635 : memref<2000xf32, #tpu.memory_space<vmem>>)
    %dma_wait3A_638 = arith.constant 2 : i32
    %dma_wait3A_639 = arith.constant 0 : i32
    %dma_wait3A_640 = arith.constant 2 : i32
    %dma_wait3A_641 = arith.constant 0 : i32
    %dma_wait3A_642 = tpu.memref_slice %arg4[%dma_wait3A_639, %dma_wait3A_640, %dma_wait3A_641] : memref<2x4x2000xf32, #tpu.memory_space<vmem>> -> memref<1x1x2000xf32, #tpu.memory_space<vmem>>
    %dma_wait3A_643 = tpu.memref_squeeze %dma_wait3A_642 : memref<1x1x2000xf32, #tpu.memory_space<vmem>> -> memref<2000xf32, #tpu.memory_space<vmem>>
    %dma_wait3A_644 = tpu.memref_slice %arg2[%select_n3A, %dma_wait3A_638, %add3A_569] : memref<16x4x20016xf32, #tpu.memory_space<hbm>> -> memref<1x1x2000xf32, #tpu.memory_space<hbm>>
    %dma_wait3A_645 = tpu.memref_squeeze %dma_wait3A_644 : memref<1x1x2000xf32, #tpu.memory_space<hbm>> -> memref<2000xf32, #tpu.memory_space<hbm>>
    %dma_wait3A_646 = arith.constant 0 : i32
    %dma_wait3A_647 = tpu.memref_slice %arg4[%dma_wait3A_639, %dma_wait3A_640, %dma_wait3A_646] : memref<2x4x2000xf32, #tpu.memory_space<vmem>> -> memref<1x1x2000xf32, #tpu.memory_space<vmem>>
    %dma_wait3A_648 = tpu.memref_squeeze %dma_wait3A_647 : memref<1x1x2000xf32, #tpu.memory_space<vmem>> -> memref<2000xf32, #tpu.memory_space<vmem>>
    %dma_wait3A_649 = tpu.memref_slice %arg2[%select_n3A, %dma_wait3A_638, %add3A_569] : memref<16x4x20016xf32, #tpu.memory_space<hbm>> -> memref<1x1x2000xf32, #tpu.memory_space<hbm>>
    %dma_wait3A_650 = tpu.memref_squeeze %dma_wait3A_649 : memref<1x1x2000xf32, #tpu.memory_space<hbm>> -> memref<2000xf32, #tpu.memory_space<hbm>>
    tpu.wait_dma2 semaphore(%arg7 : memref<!tpu.dma_semaphore, #tpu.memory_space<semaphore_mem>>) src(%dma_wait3A_650 : memref<2000xf32, #tpu.memory_space<hbm>>) dst(%dma_wait3A_648 : memref<2000xf32, #tpu.memory_space<vmem>>)
    %dma_wait3A_651 = arith.constant 3 : i32
    %dma_wait3A_652 = arith.constant 0 : i32
    %dma_wait3A_653 = arith.constant 3 : i32
    %dma_wait3A_654 = arith.constant 0 : i32
    %dma_wait3A_655 = tpu.memref_slice %arg4[%dma_wait3A_652, %dma_wait3A_653, %dma_wait3A_654] : memref<2x4x2000xf32, #tpu.memory_space<vmem>> -> memref<1x1x2000xf32, #tpu.memory_space<vmem>>
    %dma_wait3A_656 = tpu.memref_squeeze %dma_wait3A_655 : memref<1x1x2000xf32, #tpu.memory_space<vmem>> -> memref<2000xf32, #tpu.memory_space<vmem>>
    %dma_wait3A_657 = tpu.memref_slice %arg2[%select_n3A, %dma_wait3A_651, %add3A_584] : memref<16x4x20016xf32, #tpu.memory_space<hbm>> -> memref<1x1x2000xf32, #tpu.memory_space<hbm>>
    %dma_wait3A_658 = tpu.memref_squeeze %dma_wait3A_657 : memref<1x1x2000xf32, #tpu.memory_space<hbm>> -> memref<2000xf32, #tpu.memory_space<hbm>>
    %dma_wait3A_659 = arith.constant 0 : i32
    %dma_wait3A_660 = tpu.memref_slice %arg4[%dma_wait3A_652, %dma_wait3A_653, %dma_wait3A_659] : memref<2x4x2000xf32, #tpu.memory_space<vmem>> -> memref<1x1x2000xf32, #tpu.memory_space<vmem>>
    %dma_wait3A_661 = tpu.memref_squeeze %dma_wait3A_660 : memref<1x1x2000xf32, #tpu.memory_space<vmem>> -> memref<2000xf32, #tpu.memory_space<vmem>>
    %dma_wait3A_662 = tpu.memref_slice %arg2[%select_n3A, %dma_wait3A_651, %add3A_584] : memref<16x4x20016xf32, #tpu.memory_space<hbm>> -> memref<1x1x2000xf32, #tpu.memory_space<hbm>>
    %dma_wait3A_663 = tpu.memref_squeeze %dma_wait3A_662 : memref<1x1x2000xf32, #tpu.memory_space<hbm>> -> memref<2000xf32, #tpu.memory_space<hbm>>
    tpu.wait_dma2 semaphore(%arg7 : memref<!tpu.dma_semaphore, #tpu.memory_space<semaphore_mem>>) src(%dma_wait3A_663 : memref<2000xf32, #tpu.memory_space<hbm>>) dst(%dma_wait3A_661 : memref<2000xf32, #tpu.memory_space<vmem>>)
    %parallel_loop3A_664 = arith.constant 0 : i32
    %parallel_loop3A_665 = arith.constant 2000 : i32
    %parallel_loop3A_666 = arith.constant 16 : i32
    scf.for %parallel_loop3A_708 = %parallel_loop3A_664 to %parallel_loop3A_665 step %parallel_loop3A_666  : i32 {
      %parallel_loop3A_709 = arith.constant 0 : i32
      %parallel_loop3A_710 = arith.constant 0 : i32
      %parallel_loop3A_711 = arith.index_cast %parallel_loop3A_709 : i32 to index
      %parallel_loop3A_712 = arith.index_cast %parallel_loop3A_710 : i32 to index
      %parallel_loop3A_713 = arith.index_cast %parallel_loop3A_708 : i32 to index
      %parallel_loop3A_714 = tpu.vector_load %arg4[%parallel_loop3A_711, %parallel_loop3A_712, %parallel_loop3A_713] {strides = array<i32>} : memref<2x4x2000xf32, #tpu.memory_space<vmem>>, vector<16xf32>,
      %parallel_loop3A_715 = arith.constant 0 : i32
      %parallel_loop3A_716 = arith.constant 1 : i32
      %parallel_loop3A_717 = arith.index_cast %parallel_loop3A_715 : i32 to index
      %parallel_loop3A_718 = arith.index_cast %parallel_loop3A_716 : i32 to index
      %parallel_loop3A_719 = arith.index_cast %parallel_loop3A_708 : i32 to index
      %parallel_loop3A_720 = tpu.vector_load %arg4[%parallel_loop3A_717, %parallel_loop3A_718, %parallel_loop3A_719] {strides = array<i32>} : memref<2x4x2000xf32, #tpu.memory_space<vmem>>, vector<16xf32>,
      %parallel_loop3A_721 = arith.constant 0 : i32
      %parallel_loop3A_722 = arith.constant 2 : i32
      %parallel_loop3A_723 = arith.index_cast %parallel_loop3A_721 : i32 to index
      %parallel_loop3A_724 = arith.index_cast %parallel_loop3A_722 : i32 to index
      %parallel_loop3A_725 = arith.index_cast %parallel_loop3A_708 : i32 to index
      %parallel_loop3A_726 = tpu.vector_load %arg4[%parallel_loop3A_723, %parallel_loop3A_724, %parallel_loop3A_725] {strides = array<i32>} : memref<2x4x2000xf32, #tpu.memory_space<vmem>>, vector<16xf32>,
      %parallel_loop3A_727 = arith.constant 0 : i32
      %parallel_loop3A_728 = arith.constant 3 : i32
      %parallel_loop3A_729 = arith.index_cast %parallel_loop3A_727 : i32 to index
      %parallel_loop3A_730 = arith.index_cast %parallel_loop3A_728 : i32 to index
      %parallel_loop3A_731 = arith.index_cast %parallel_loop3A_708 : i32 to index
      %parallel_loop3A_732 = tpu.vector_load %arg4[%parallel_loop3A_729, %parallel_loop3A_730, %parallel_loop3A_731] {strides = array<i32>} : memref<2x4x2000xf32, #tpu.memory_space<vmem>>, vector<16xf32>,
      %parallel_loop3A_733 = arith.maximumf %parallel_loop3A_714, %get3A_94 : vector<16xf32>
      %parallel_loop3A_734 = arith.maximumf %parallel_loop3A_720, %get3A_98 : vector<16xf32>
      %parallel_loop3A_735 = arith.addf %parallel_loop3A_714, %parallel_loop3A_726 : vector<16xf32>
      %parallel_loop3A_736 = arith.minimumf %parallel_loop3A_735, %add3A_107 : vector<16xf32>
      %parallel_loop3A_737 = arith.addf %parallel_loop3A_720, %parallel_loop3A_732 : vector<16xf32>
      %parallel_loop3A_738 = arith.minimumf %parallel_loop3A_737, %add3A_108 : vector<16xf32>
      %parallel_loop3A_739 = arith.subf %parallel_loop3A_736, %parallel_loop3A_733 : vector<16xf32>
      %parallel_loop3A_740 = arith.constant 0.000000e+00 : f32
      %parallel_loop3A_741 = vector.broadcast %parallel_loop3A_740 : f32 to vector<16xf32>
      %parallel_loop3A_742 = arith.maximumf %parallel_loop3A_739, %parallel_loop3A_741 : vector<16xf32>
      %parallel_loop3A_743 = arith.subf %parallel_loop3A_738, %parallel_loop3A_734 : vector<16xf32>
      %parallel_loop3A_744 = arith.constant 0.000000e+00 : f32
      %parallel_loop3A_745 = vector.broadcast %parallel_loop3A_744 : f32 to vector<16xf32>
      %parallel_loop3A_746 = arith.maximumf %parallel_loop3A_743, %parallel_loop3A_745 : vector<16xf32>
      %parallel_loop3A_747 = arith.mulf %parallel_loop3A_742, %parallel_loop3A_746 : vector<16xf32>
      %parallel_loop3A_748 = arith.mulf %parallel_loop3A_726, %parallel_loop3A_732 : vector<16xf32>
      %parallel_loop3A_749 = arith.addf %parallel_loop3A_748, %mul3A_109 : vector<16xf32>
      %parallel_loop3A_750 = arith.subf %parallel_loop3A_749, %parallel_loop3A_747 : vector<16xf32>
      %parallel_loop3A_751 = arith.constant 9.99999997E-7 : f32
      %parallel_loop3A_752 = vector.broadcast %parallel_loop3A_751 : f32 to vector<16xf32>
      %parallel_loop3A_753 = arith.maximumf %parallel_loop3A_750, %parallel_loop3A_752 : vector<16xf32>
      %parallel_loop3A_754 = arith.constant 5.000000e-01 : f32
      %parallel_loop3A_755 = vector.broadcast %parallel_loop3A_754 : f32 to vector<16xf32>
      %parallel_loop3A_756 = arith.mulf %parallel_loop3A_755, %parallel_loop3A_753 : vector<16xf32>
      %parallel_loop3A_757 = arith.cmpf oge, %parallel_loop3A_747, %parallel_loop3A_756 : vector<16xf32>
      %parallel_loop3A_758 = arith.constant 1.000000e+00 : f32
      %parallel_loop3A_759 = arith.constant 0.000000e+00 : f32
      %parallel_loop3A_760 = vector.broadcast %parallel_loop3A_758 : f32 to vector<16xf32>
      %parallel_loop3A_761 = vector.broadcast %parallel_loop3A_759 : f32 to vector<16xf32>
      %parallel_loop3A_762 = arith.select %parallel_loop3A_757, %parallel_loop3A_760, %parallel_loop3A_761 : vector<16xi1>, vector<16xf32>
      %parallel_loop3A_763 = arith.constant 8000 : i32
      %parallel_loop3A_764 = arith.addi %parallel_loop3A_763, %parallel_loop3A_708 : i32
      %parallel_loop3A_765 = arith.index_cast %parallel_loop3A_764 : i32 to index
      %parallel_loop3A_766 = tpu.vector_load %arg6[%parallel_loop3A_765] {strides = array<i32>} : memref<10000xf32, #tpu.memory_space<vmem>>, vector<16xf32>,
      tpu.vector_store %arg6[%parallel_loop3A_765], %parallel_loop3A_762 {strides = array<i32>} : memref<10000xf32, #tpu.memory_space<vmem>>, vector<16xf32>,
    } {sc.loop_unroll_factor = 8 : i64, sc.parallel_access}
    %mul3A_667 = arith.constant 20096 : i32
    %mul3A_668 = arith.muli %select_n3A, %mul3A_667 : i32
    %add3A_669 = arith.addi %mul3A_668, %mul3A_32 : i32
    %add3A_670 = arith.constant 8000 : i32
    %add3A_671 = arith.addi %add3A_669, %add3A_670 : i32
    %dma_start3A_672 = arith.constant 8000 : i32
    %dma_start3A_673 = tpu.memref_slice %arg6[%dma_start3A_672] : memref<10000xf32, #tpu.memory_space<vmem>> -> memref<2000xf32, #tpu.memory_space<vmem>>
    %dma_start3A_674 = tpu.memref_slice %arg3[%add3A_671] : memref<321536xf32, #tpu.memory_space<hbm>> -> memref<2000xf32, #tpu.memory_space<hbm>>
    %dma_start3A_675 = tpu.memref_slice %arg3[%add3A_671] : memref<321536xf32, #tpu.memory_space<hbm>> -> memref<2000xf32, #tpu.memory_space<hbm>>
    %dma_start3A_676 = arith.constant 8000 : i32
    %dma_start3A_677 = tpu.memref_slice %arg6[%dma_start3A_676] : memref<10000xf32, #tpu.memory_space<vmem>> -> memref<2000xf32, #tpu.memory_space<vmem>>
    tpu.enqueue_dma source(%dma_start3A_677 : memref<2000xf32, #tpu.memory_space<vmem>>) target(%dma_start3A_675 : memref<2000xf32, #tpu.memory_space<hbm>>) target_semaphore(%arg9 : memref<!tpu.dma_semaphore, #tpu.memory_space<semaphore_mem>>)
    %dma_wait3A_678 = arith.constant 0 : i32
    %dma_wait3A_679 = tpu.memref_slice %arg6[%dma_wait3A_678] : memref<10000xf32, #tpu.memory_space<vmem>> -> memref<2000xf32, #tpu.memory_space<vmem>>
    %dma_wait3A_680 = tpu.memref_slice %arg3[%add3A_227] : memref<321536xf32, #tpu.memory_space<hbm>> -> memref<2000xf32, #tpu.memory_space<hbm>>
    %dma_wait3A_681 = tpu.memref_slice %arg3[%add3A_227] : memref<321536xf32, #tpu.memory_space<hbm>> -> memref<2000xf32, #tpu.memory_space<hbm>>
    %dma_wait3A_682 = arith.constant 0 : i32
    %dma_wait3A_683 = tpu.memref_slice %arg6[%dma_wait3A_682] : memref<10000xf32, #tpu.memory_space<vmem>> -> memref<2000xf32, #tpu.memory_space<vmem>>
    tpu.wait_dma2 semaphore(%arg9 : memref<!tpu.dma_semaphore, #tpu.memory_space<semaphore_mem>>) src(%dma_wait3A_683 : memref<2000xf32, #tpu.memory_space<vmem>>) dst(%dma_wait3A_681 : memref<2000xf32, #tpu.memory_space<hbm>>)
    %dma_wait3A_684 = arith.constant 2000 : i32
    %dma_wait3A_685 = tpu.memref_slice %arg6[%dma_wait3A_684] : memref<10000xf32, #tpu.memory_space<vmem>> -> memref<2000xf32, #tpu.memory_space<vmem>>
    %dma_wait3A_686 = tpu.memref_slice %arg3[%add3A_353] : memref<321536xf32, #tpu.memory_space<hbm>> -> memref<2000xf32, #tpu.memory_space<hbm>>
    %dma_wait3A_687 = tpu.memref_slice %arg3[%add3A_353] : memref<321536xf32, #tpu.memory_space<hbm>> -> memref<2000xf32, #tpu.memory_space<hbm>>
    %dma_wait3A_688 = arith.constant 2000 : i32
    %dma_wait3A_689 = tpu.memref_slice %arg6[%dma_wait3A_688] : memref<10000xf32, #tpu.memory_space<vmem>> -> memref<2000xf32, #tpu.memory_space<vmem>>
    tpu.wait_dma2 semaphore(%arg9 : memref<!tpu.dma_semaphore, #tpu.memory_space<semaphore_mem>>) src(%dma_wait3A_689 : memref<2000xf32, #tpu.memory_space<vmem>>) dst(%dma_wait3A_687 : memref<2000xf32, #tpu.memory_space<hbm>>)
    %dma_wait3A_690 = arith.constant 4000 : i32
    %dma_wait3A_691 = tpu.memref_slice %arg6[%dma_wait3A_690] : memref<10000xf32, #tpu.memory_space<vmem>> -> memref<2000xf32, #tpu.memory_space<vmem>>
    %dma_wait3A_692 = tpu.memref_slice %arg3[%add3A_479] : memref<321536xf32, #tpu.memory_space<hbm>> -> memref<2000xf32, #tpu.memory_space<hbm>>
    %dma_wait3A_693 = tpu.memref_slice %arg3[%add3A_479] : memref<321536xf32, #tpu.memory_space<hbm>> -> memref<2000xf32, #tpu.memory_space<hbm>>
    %dma_wait3A_694 = arith.constant 4000 : i32
    %dma_wait3A_695 = tpu.memref_slice %arg6[%dma_wait3A_694] : memref<10000xf32, #tpu.memory_space<vmem>> -> memref<2000xf32, #tpu.memory_space<vmem>>
    tpu.wait_dma2 semaphore(%arg9 : memref<!tpu.dma_semaphore, #tpu.memory_space<semaphore_mem>>) src(%dma_wait3A_695 : memref<2000xf32, #tpu.memory_space<vmem>>) dst(%dma_wait3A_693 : memref<2000xf32, #tpu.memory_space<hbm>>)
    %dma_wait3A_696 = arith.constant 6000 : i32
    %dma_wait3A_697 = tpu.memref_slice %arg6[%dma_wait3A_696] : memref<10000xf32, #tpu.memory_space<vmem>> -> memref<2000xf32, #tpu.memory_space<vmem>>
    %dma_wait3A_698 = tpu.memref_slice %arg3[%add3A_605] : memref<321536xf32, #tpu.memory_space<hbm>> -> memref<2000xf32, #tpu.memory_space<hbm>>
    %dma_wait3A_699 = tpu.memref_slice %arg3[%add3A_605] : memref<321536xf32, #tpu.memory_space<hbm>> -> memref<2000xf32, #tpu.memory_space<hbm>>
    %dma_wait3A_700 = arith.constant 6000 : i32
    %dma_wait3A_701 = tpu.memref_slice %arg6[%dma_wait3A_700] : memref<10000xf32, #tpu.memory_space<vmem>> -> memref<2000xf32, #tpu.memory_space<vmem>>
    tpu.wait_dma2 semaphore(%arg9 : memref<!tpu.dma_semaphore, #tpu.memory_space<semaphore_mem>>) src(%dma_wait3A_701 : memref<2000xf32, #tpu.memory_space<vmem>>) dst(%dma_wait3A_699 : memref<2000xf32, #tpu.memory_space<hbm>>)
    %dma_wait3A_702 = arith.constant 8000 : i32
    %dma_wait3A_703 = tpu.memref_slice %arg6[%dma_wait3A_702] : memref<10000xf32, #tpu.memory_space<vmem>> -> memref<2000xf32, #tpu.memory_space<vmem>>
    %dma_wait3A_704 = tpu.memref_slice %arg3[%add3A_671] : memref<321536xf32, #tpu.memory_space<hbm>> -> memref<2000xf32, #tpu.memory_space<hbm>>
    %dma_wait3A_705 = tpu.memref_slice %arg3[%add3A_671] : memref<321536xf32, #tpu.memory_space<hbm>> -> memref<2000xf32, #tpu.memory_space<hbm>>
    %dma_wait3A_706 = arith.constant 8000 : i32
    %dma_wait3A_707 = tpu.memref_slice %arg6[%dma_wait3A_706] : memref<10000xf32, #tpu.memory_space<vmem>> -> memref<2000xf32, #tpu.memory_space<vmem>>
    tpu.wait_dma2 semaphore(%arg9 : memref<!tpu.dma_semaphore, #tpu.memory_space<semaphore_mem>>) src(%dma_wait3A_707 : memref<2000xf32, #tpu.memory_space<vmem>>) dst(%dma_wait3A_705 : memref<2000xf32, #tpu.memory_space<hbm>>)
    return
  }
}

</mosaic_0001>

<sc_bundles>
// kernel: kernel.3.cloned.1.call-start
scs
__scs_entry_jumppad:
0x0: {  	(pc) =	sbr.rel $0x88, $3  }
0x1: {  	(tag) =	ssettag $0x0;
	lr =	simm.s32 $0x1  }
0x2: {  	[smem:$0x3F9F] =	sst lr;
	_ =	strace $0xD0000000  }
0x3: {  	_ = 	snop  }
0x4: {  	_ = 	snop  }
0x5: {  	_ = 	snop  }
0x6: {  	_ = 	snop  }
0x7: {  	_ = 	snop  }
__scs_overlays_trampoline_lowered:
0x8: {  	[smem:$0x3FAE] =	sst s0  }
0x9: {  	[smem:$0x3FAF] =	sst s1  }
0xa: {  	[smem:$0x3FB0] =	sst s2  }
0xb: {  	[smem:$0x3FB1] =	sst s3  }
0xc: {  	[smem:$0x3FB2] =	sst s4  }
0xd: {  	[smem:$0x3FB3] =	sst s5  }
0xe: {  	[smem:$0x3FB4] =	sst s6  }
0xf: {  	[smem:$0x3FB5] =	sst s7  }
0x10: {  	[smem:$0x3FB6] =	sst s8  }
0x11: {  	[smem:$0x3FB7] =	sst s9;
	s0 =	simm.s32 @!p0 $0x0  }
0x12: {  	s1 =	sld [smem:$0x3F9D];
	s0 =	simm.s32 @p0 $0x1  }
0x13: {  	[smem:$0x3FB8] =	sst s0;
	s0 =	simm.s32 @!p1 $0x0  }
0x14: {  	s2 =	sld [smem:$0x3F9C];
	s0 =	simm.s32 @p1 $0x1  }
0x15: {  	[smem:$0x3FB9] =	sst s0;
	s0 =	simm.s32 @!p2 $0x0  }
0x16: {  	s3 =	sld [smem:$0x3FDB];
	s0 =	simm.s32 @p2 $0x1  }
0x17: {  	s4 =	simm.s32 $0x1BF5;
	[smem:$0x3FBB] =	sst s0  }
0x18: {  	s0 =	sld [smem:$0x3F9E];
	_ =	swait.ge [sflag:s4], $0x0  }
0x19: {  	s7 =	sld [smem:$0x3F9F]  }
0x1a: {  	s8 =	sadd.s32 $0xFFFFE003, lr  }
0x1b: {  	s9 =	sadd.s32 $0xFFFFFEF7, lr;
	s5 =	simm.s32 $0xFFFFFFFF;
	p2 =	slt.u32 s8, $0xFFFFF086  }
0x1c: {  	p1 =	slt.u32 s9, $0xF7A;
	s5 =	simm.s32 @!p2 $0x0  }
0x1d: {  	s5 =	simm.s32 @p1 $0x1;
	p0 =	seq.s32 s7, s2  }
0x1e: {  	s7 =	smul.u32 @!p0 $0xF7A, s2;
	p2 =	seq.s32 @!p0 s5, $0x0  }
0x1f: {  	s9 =	smul.u32 $0xF7A, s1;
	s8 =	simm.s32 @!p0 $0x1BF5;
	p2 =	por !p2, p0  }
0x20: {  	[sflag:s8] =	ssyncset.s32 @!p0 $0xFFFFF086;
	s6 =	sadd.s32 @!p0 s3, s7;
	s7 =	simm.s32 @!p0 $0x108  }
0x21: {  	s3 =	sadd.s32 s3, s9;
	s6 =	sadd.s32 @!p0 $0x88, s6;
	s7 =	simm.s32 @p2 $0x1082  }
0x22: {  	[simem:s7], [sflag:s8] =	dma.local @!p0 [hbm:s6], $0xF7A  }
0x23: {  	s9 =	sor.u32 $0xD0000000, s2;
	s6 =	simm.s32 $0x108;
	_ =	swait.ge @!p0 [sflag:s8], $0x0  }
0x24: {  	s3 =	sadd.s32 $0x88, s3;
	s6 =	simm.s32 @!p1 $0x1082;
	[sflag:s4] =	ssyncset.s32 $0xFFFFF086  }
0x25: {  	[simem:s6], [sflag:s4] =	dma.local [hbm:s3], $0xF7A  }
0x26: {  	[smem:$0x3F9F] =	sst s1;
	(tag) =	ssettag s2;
	_ =	strace s9  }
0x27: {  	s1 =	sld [smem:$0x3FAF]  }
0x28: {  	s2 =	sld [smem:$0x3FB0]  }
0x29: {  	s4 =	sld [smem:$0x3FB2]  }
0x2a: {  	p0 =	seq.s32 s5, $0x0;
	s5 =	sld [smem:$0x3FB3]  }
0x2b: {  	s6 =	sld [smem:$0x3FB4]  }
0x2c: {  	s7 =	sld [smem:$0x3FB5]  }
0x2d: {  	s3 =	simm.s32 $0x108;
	s8 =	sld [smem:$0x3FB6]  }
0x2e: {  	s3 =	simm.s32 @!p0 $0x1082;
	s9 =	sld [smem:$0x3FB7]  }
0x2f: {  	lr =	sadd.s32 s0, s3;
	s0 =	sld [smem:$0x3FAE]  }
0x30: {  	s3 =	sld [smem:$0x3FB1]  }
0x31: {  	[smem:$0x3FBA] =	sst s10  }
0x32: {  	s10 =	sld [smem:$0x3FB8];
	_ =	sdelay $0x3  }
0x33: {  	p0 =	seq.s32 s10, $0x1;
	s10 =	sld [smem:$0x3FBA];
	_ =	sdelay $0x3  }
0x34: {  	[smem:$0x3FBA] =	sst s10  }
0x35: {  	s10 =	sld [smem:$0x3FB9];
	_ =	sdelay $0x3  }
0x36: {  	p1 =	seq.s32 s10, $0x1;
	s10 =	sld [smem:$0x3FBA];
	_ =	sdelay $0x3  }
0x37: {  	[smem:$0x3FBA] =	sst s10  }
0x38: {  	s10 =	sld [smem:$0x3FBB]  }
0x39: {  	_ = 	snop;
	(pc) =	sbr.ind lr, $3  }
0x3a: {  	_ = 	snop  }
0x3b: {  	_ = 	snop  }
0x3c: {  	p2 =	seq.s32 s10, $0x1;
	s10 =	sld [smem:$0x3FBA]  }
0x3d: {  	_ =	shalt  }
0x3e: {  	_ =	shalt  }
0x3f: {  	_ =	shalt  }
0x40: {  	_ =	shalt  }
0x41: {  	_ =	shalt  }
0x42: {  	_ =	shalt  }
0x43: {  	_ =	shalt  }
0x44: {  	_ =	shalt  }
0x45: {  	_ =	shalt  }
0x46: {  	_ =	shalt  }
0x47: {  	_ =	shalt  }
0x48: {  	_ =	shalt  }
0x49: {  	_ =	shalt  }
0x4a: {  	_ =	shalt  }
0x4b: {  	_ =	shalt  }
0x4c: {  	_ =	shalt  }
0x4d: {  	_ =	shalt  }
0x4e: {  	_ =	shalt  }
0x4f: {  	_ =	shalt  }
0x50: {  	_ =	shalt  }
0x51: {  	_ =	shalt  }
0x52: {  	_ =	shalt  }
0x53: {  	_ =	shalt  }
0x54: {  	_ =	shalt  }
0x55: {  	_ =	shalt  }
0x56: {  	_ =	shalt  }
0x57: {  	_ =	shalt  }
0x58: {  	_ =	shalt  }
0x59: {  	_ =	shalt  }
0x5a: {  	_ =	shalt  }
0x5b: {  	_ =	shalt  }
0x5c: {  	_ =	shalt  }
0x5d: {  	_ =	shalt  }
0x5e: {  	_ =	shalt  }
0x5f: {  	_ =	shalt  }
0x60: {  	_ =	shalt  }
0x61: {  	_ =	shalt  }
0x62: {  	_ =	shalt  }
0x63: {  	_ =	shalt  }
0x64: {  	_ =	shalt  }
0x65: {  	_ =	shalt  }
0x66: {  	_ =	shalt  }
0x67: {  	_ =	shalt  }
0x68: {  	_ =	shalt  }
0x69: {  	_ =	shalt  }
0x6a: {  	_ =	shalt  }
0x6b: {  	_ =	shalt  }
0x6c: {  	_ =	shalt  }
0x6d: {  	_ =	shalt  }
0x6e: {  	_ =	shalt  }
0x6f: {  	_ =	shalt  }
0x70: {  	_ =	shalt  }
0x71: {  	_ =	shalt  }
0x72: {  	_ =	shalt  }
0x73: {  	_ =	shalt  }
0x74: {  	_ =	shalt  }
0x75: {  	_ =	shalt  }
0x76: {  	_ =	shalt  }
0x77: {  	_ =	shalt  }
0x78: {  	_ =	shalt  }
0x79: {  	_ =	shalt  }
0x7a: {  	_ =	shalt  }
0x7b: {  	_ =	shalt  }
0x7c: {  	_ =	shalt  }
0x7d: {  	_ =	shalt  }
0x7e: {  	_ =	shalt  }
0x7f: {  	_ =	shalt  }
0x80: {  	_ =	shalt  }
0x81: {  	_ =	shalt  }
0x82: {  	_ =	shalt  }
0x83: {  	_ =	shalt  }
0x84: {  	_ =	shalt  }
0x85: {  	_ =	shalt  }
0x86: {  	_ =	shalt  }
0x87: {  	_ =	shalt  }
.Lfunc_end0:
.L_simem_size_0:
called_computation_lowered:
.L_overlay_start_0:
0x88: {  	s2 =	sld [smem:$0x3FD9]  }
0x89: {  	s3 =	sld [smem:$0x3FFE];
	_ =	sdelay $0x1  }
0x8a: {  	s1 =	srdreg.scid  }
0x8b: {  	s0 =	sand.u32 $0x1, s1  }
0x8c: {  	s17 =	sshll.u32 s0, $0xA;
	s2 =	sadd.s32 s3, s2  }
0x8d: {  	s2 =	sadd.s32 s2, s17  }
0x8e: {  	[smem:$0x3FC6] =	sst s2  }
0x8f: {  	_ = 	snop  }
0x90: {  	s2 =	sld [smem:$0x3FD0];
	(tm) =	ssettm $0x1  }
0x91: {  	s18 =	sld [smem:$0x3FFB];
	_ =	sdelay $0x3  }
0x92: {  	_ =	strace s18  }
0x93: {  	s3 =	sld [smem:$0x3FFC];
	_ =	sdelay $0x3  }
0x94: {  	_ =	strace s3  }
0x95: {  	s3 =	sld [smem:$0x3FFD];
	_ =	sdelay $0x3  }
0x96: {  	_ =	strace s3  }
0x97: {  	_ =	strace $0x8FFFFFFF  }
0x98: {  	s19 =	sld [smem:$0x3FDB];
	_ =	sdelay $0x1  }
0x99: {  	s4 =	simm.s32 $_scs_section_size  }
0x9a: {  	s5 =	simm.s32 $_size__tile_overlayer_lowered;
	s6 =	simm.s32 $_tile_overlayer_lowered  }
0x9b: {  	s22 =	simm.s32 $0x1BFF;
	s21 =	sshll.u32 s6, $0x1;
	s3 =	sadd.s32 s4, s19  }
0x9c: {  	s7 =	simm.s32 $0x0;
	s20 =	sshll.u32 s5, $0x1;
	s5 =	sadd.s32 s21, s3  }
0x9d: {  	[timem:s7], [sflag:s22] =	dma.local [hbm:s5], s20  }
0x9e: {  	_ =	swait.ge [sflag:s22], s20  }
0x9f: {  	s4 =	ssub.s32 $0x0, s20;
	[sflag:s22] =	ssyncset.done $0x0  }
0xa0: {  	[sflag:s22] =	ssyncadd.s32 s4;
	_ =	sdelay $0x1  }
0xa1: {  	s23 =	simm.s32 $0x1B8B  }
0xa2: {  	_ =	swait.ge [sflag:s23], $0x1  }
0xa3: {  	[sflag:s23] =	ssyncset.done $0x0  }
0xa4: {  	s25 =	simm.s32 $0x1B8E;
	s24 =	sld [smem:$0x3FFE];
	[sflag:s23] =	ssyncadd.s32 $0xFFFFFFFF  }
0xa5: {  	s26 =	simm.s32 $execute0_lowered;
	[smem:$0x3FD2] =	sst s25  }
0xa6: {  	s5 =	sshll.u32 s26, $0x1;
	_ =	strace $0x80000046;
	[dreg:$0x1] =	wrdreg $0xFFFFFFFF  }
0xa7: {  	s28 =	simm.s32 $_size_execute0_lowered;
	s3 =	sadd.s32 s3, s5;
	[dreg:$0x0] =	wrdreg $0x0  }
0xa8: {  	s5 =	sshll.u32 s28, $0x1;
	[dreg:$0x2] =	wrdreg s3  }
0xa9: {  	[dreg:$0x3] =	wrdreg s5  }
0xaa: {  	[dreg:$0x4] =	wrdreg $0xC0  }
0xab: {  	_ =	task [dreg:s7], $0x5FFFF  }
0xac: {  	[dreg:$0x1] =	wrdreg $0xFFFFFFFF  }
0xad: {  	[dreg:$0x0] =	wrdreg $0x60  }
0xae: {  	[dreg:$0x2] =	wrdreg s24  }
0xaf: {  	[dreg:$0x3] =	wrdreg s2  }
0xb0: {  	[dreg:$0x4] =	wrdreg $0x9  }
0xb1: {  	_ =	task.clear_ibuf [dreg:s7], $0x5FFFF;
	_ =	strace $0x90000046  }
0xb2: {  	s29 =	simm.s32 $0x9;
	_ =	strace $0x80000048  }
0xb3: {  	_ =	swait.ge [sflag:s29], $0x1  }
0xb4: {  	[sflag:s29] =	ssyncadd.s32 $0xFFFFFFFF  }
0xb5: {  	_ =	strace $0x90000048  }
0xb6: {  	_ =	sfence  }
0xb7: {  	s30 =	sld [smem:$0x0];
	_ =	sdelay $0x2  }
0xb8: {  	s31 =	sshll.u32 s1, $0xD;
	s1 =	sshrl.u32 s1, $0x2  }
0xb9: {  	s3 =	sand.u32 $0x4000, s31;
	s1 =	sadd.s32 s1, s30  }
0xba: {  	s0 =	sor.u32 s3, s0;
	s1 =	sshll.u32 s1, $0x11  }
0xbb: {  	s0 =	sor.u32 s1, s0  }
0xbc: {  	s0 =	sadd.s32 $0x8F2B, s0  }
0xbd: {  	[sflag:s0] =	ssyncadd.remote.s32 $0x1  }
0xbe: {  	_ =	sfence.sel $0xFFFF  }
0xbf: {  	[dreg:$0x0] =	wrdreg $0xFFFFFFFF;
	(pc) =	sbr.abs _section_cstart, $3  }
0xc0: {  	[dreg:$0x1] =	wrdreg $0xFFFFFFFF  }
0xc1: {  	_ =	task.clear_ibuf [dreg:s7], $0x2FFFF;
	_ =	strace $0x9FFFFFFF  }
0xc2: {  	(tm) =	ssettm $0x7FFFFFFF  }
0xc3: {  	_ =	shalt  }
tec
execute0_lowered:
.L_overlay_start_1:
0x0: {  	(tag) =	ssettag $0x1  }
0x1: {  	s0 =	srdreg.scid  }
0x2: {  	s2 =	stileid.u32;
	s0 =	sand.u32 $0x1, s0  }
0x3: {  	s1 =	sor.u32 s0, s2  }
0x4: {  	p1 =	seq.s32 s0, $0x1;
	p0 =	seq.s32 s1, $0x0  }
0x5: {  	s5 =	simm.s32 $0x2710;
	p0 =	por !p0, !p1  }
0x6: {  	s0 =	ssub.s32 $0x2, s0;
	s1 =	simm.s32 $0x1;
	p0 =	por !p0, !p0  }
0x7: {  	s16 =	rddreg [dreg:$0x0];
	s7 =	sshrl.u32 s0, $0x1;
	s1 =	simm.s32 @!p0 $0x0  }
0x8: {  	s31 =	simm.s32 $0x1;
	s0 =	ssub.s32 s0, s7;
	s4 =	ssub.s32 s2, s1  }
0x9: {  	s5 =	simm.s32 @!p1 $0x0;
	s30 =	smax.u32 s0, $0x1;
	s6 =	smul.u32 $0x138C0, s4  }
0xa: {  	s0 =	simm.s32 $0x7D0;
	s1 =	simm.s32 $0x0;
	s4 =	smul.u32 $0x4E80, s4  }
0xb: {  	s2 =	sadd.s32 $0x400, s16;
	[smem:$0x7FF] =	sst s1;
	s3 =	sadd.s32 s5, s6  }
0xc: {  	s6 =	sadd.s32 $0x4E20, s6;
	s4 =	sadd.s32 s5, s4;
	s17 =	sshrl.u32 s3, $0x3  }
0xd: {  	s18 =	sadd.s32 $0x4E30, s3;
	s8 =	sadd.s32 $0x9C60, s3;
	s9 =	sadd.s32 $0xEA90, s3  }
0xe: {  	s21 =	sadd.s32 $0x7D0, s3;
	s6 =	sshrl.u32 s6, $0x3;
	s22 =	sadd.s32 $0x5600, s3  }
0xf: {  	s25 =	sadd.s32 $0xA430, s3;
	s26 =	sadd.s32 $0xF260, s3;
	s10 =	sadd.s32 $0x5DD0, s3  }
0x10: {  	s12 =	sadd.s32 $0xAC00, s3;
	s14 =	sadd.s32 $0xFA30, s3;
	s16 =	sadd.s32 $0x1770, s3  }
0x11: {  	s7 =	sadd.s32 s2, s17;
	s8 =	sshrl.u32 s8, $0x3;
	s20 =	sshrl.u32 s9, $0x3  }
0x12: {  	s6 =	sadd.s32 s2, s6;
	s24 =	sshrl.u32 s22, $0x3;
	s11 =	sshrl.u32 s10, $0x3  }
0x13: {  	s13 =	sshrl.u32 s12, $0x3;
	s15 =	sshrl.u32 s14, $0x3;
	s17 =	sshrl.u32 s16, $0x3  }
0x14: {  	s22 =	sadd.s32 $0x10200, s3;
	s12 =	sshrl.u32 s4, $0x3;
	[dreg:$0x3] =	wrdreg s7  }
0x15: {  	s7 =	sshrl.u32 s18, $0x3;
	s19 =	sadd.s32 s2, s8;
	[dreg:$0x7] =	wrdreg s6  }
0x16: {  	s6 =	sadd.s32 s2, s24;
	s8 =	sadd.s32 $0xFA0, s3;
	s18 =	sadd.s32 $0x65A0, s3  }
0x17: {  	s24 =	sadd.s32 $0x1F40, s3;
	s7 =	sadd.s32 s2, s7;
	[dreg:$0x5] =	wrdreg s19  }
0x18: {  	[dreg:$0x9] =	wrdreg s6;
	s6 =	sshrl.u32 s25, $0x3;
	s9 =	sshrl.u32 s8, $0x3  }
0x19: {  	s19 =	sshrl.u32 s18, $0x3;
	s25 =	sshrl.u32 s24, $0x3;
	[dreg:$0x4] =	wrdreg s7  }
0x1a: {  	s7 =	sadd.s32 s2, s20;
	s6 =	sadd.s32 s2, s6;
	s5 =	sadd.s32 s2, s9  }
0x1b: {  	s20 =	sadd.s32 $0xB3D0, s3;
	s16 =	sadd.s32 s2, s19;
	[dreg:$0x6] =	wrdreg s7  }
0x1c: {  	s19 =	sadd.s32 s2, s25;
	s9 =	sadd.s32 $0x7D0, s4;
	[dreg:$0xa] =	wrdreg s6  }
0x1d: {  	s25 =	sadd.s32 $0x1770, s4;
	s7 =	sshrl.u32 s21, $0x3;
	[dreg:$0xc] =	wrdreg s5  }
0x1e: {  	s5 =	sadd.s32 s2, s11;
	s21 =	sshrl.u32 s20, $0x3;
	s10 =	sshrl.u32 s9, $0x3  }
0x1f: {  	s11 =	rddreg [dreg:$0x1];
	s9 =	simm.s32 $0x3;
	s23 =	sadd.s32 s2, s7  }
0x20: {  	s7 =	sshrl.u32 s26, $0x3;
	[dreg:$0xd] =	wrdreg s5;
	s5 =	sadd.s32 s2, s13  }
0x21: {  	s26 =	sadd.s32 $0x6D70, s3;
	s13 =	sadd.s32 $0xFA0, s4;
	s24 =	sadd.s32 s11, s10  }
0x22: {  	s4 =	sadd.s32 $0x1F40, s4;
	s10 =	simm.s32 $0x0;
	[dreg:$0x8] =	wrdreg s23  }
0x23: {  	s7 =	sadd.s32 s2, s7;
	[dreg:$0xe] =	wrdreg s5;
	s5 =	sadd.s32 s2, s15  }
0x24: {  	s15 =	sadd.s32 s2, s17;
	s17 =	sadd.s32 s2, s21;
	s23 =	sshrl.u32 s22, $0x3  }
0x25: {  	s6 =	sshrl.u32 s26, $0x3;
	s14 =	sshrl.u32 s13, $0x3;
	[dreg:$0xb] =	wrdreg s7  }
0x26: {  	s4 =	sshrl.u32 s4, $0x3;
	[dreg:$0xf] =	wrdreg s5;
	s18 =	sadd.s32 s2, s23  }
0x27: {  	s7 =	sadd.s32 $0xBBA0, s3;
	s20 =	sadd.s32 s2, s6;
	s3 =	sadd.s32 $0x109D0, s3  }
0x28: {  	s23 =	sadd.s32 s11, s12;
	s26 =	sadd.s32 s11, s14;
	s29 =	sadd.s32 s11, s4  }
0x29: {  	s6 =	simm.s32 $0x36B0;
	s8 =	sshrl.u32 s7, $0x3;
	s3 =	sshrl.u32 s3, $0x3  }
0x2a: {  	_ =	strace $0x80000047;
	s7 =	simm.s32 $0x2;
	s21 =	sadd.s32 s2, s8  }
0x2b: {  	s22 =	sadd.s32 s2, s3;
	s2 =	sshrl.u32 s25, $0x3;
	s3 =	simm.s32 $0x4  }
0x2c: {  	v0 =	vimm.f32 $0.0e+00;
	s8 =	simm.s32 $0xFA0;
	s28 =	sadd.s32 s11, s2;
	s2 =	simm.s32 $0x1770  }
.LBB2_1:
0x2d: {  	s4 =	rddreg [dreg:$0x3]  }
0x2e: {  	s5 =	rddreg [dreg:$0x4]  }
0x2f: {  	[tilespmem:s1], [sflag:$0x1] =	stream.linear.gather [hbm4b:s4+s1], $0x7D0, $0x38;
	[tilespmem:$0x65D0] =	vst v63  }
0x30: {  	s11 =	rddreg [dreg:$0x5]  }
0x31: {  	[tilespmem:s0], [sflag:$0x1] =	stream.linear.gather [hbm4b:s5+s1], $0x7D0, $0x38;
	[tilespmem:$0x65D0] =	vst v63  }
0x32: {  	s12 =	rddreg [dreg:$0x6]  }
0x33: {  	[tilespmem:s8], [sflag:$0x1] =	stream.linear.gather [hbm4b:s11+s1], $0x7D0, $0x38;
	[tilespmem:$0x65D0] =	vst v63  }
0x34: {  	s13 =	rddreg [dreg:$0x7]  }
0x35: {  	[tilespmem:s2], [sflag:$0x1] =	stream.linear.gather [hbm4b:s12+s1], $0x7D0, $0x38;
	[tilespmem:$0x65D0] =	vst v63  }
0x36: {  	s5 =	simm.s32 $0x10;
	s11 =	simm.s32 $0x4E30;
	s12 =	simm.s32 $0x3E80  }
0x37: {  	[tilespmem:s12], [sflag:$0x4] =	stream.strided.gather [hbm4b:s13+s5], $0x40, s11, s5, $0x38;
	[tilespmem:$0x65D0] =	vst v63  }
0x38: {  	_ =	swait.ge [sflag:s3], $0x40  }
0x39: {  	[sflag:s3] =	ssyncset.done $0x0  }
0x3a: {  	[sflag:s3] =	ssyncadd.s32 $0xFFFFFFC0  }
0x3b: {  	v1 =	vld [tilespmem:$0x3E80]  }
0x3c: {  	v2 =	vld [tilespmem:$0x3E90]  }
0x3d: {  	v5 =	vld [tilespmem:$0x3EA0]  }
0x3e: {  	v6 =	vld [tilespmem:$0x3EB0];
	_ =	swait.ge [sflag:s31], $0x7D0  }
0x3f: {  	[sflag:s31] =	ssyncset.done $0x0  }
0x40: {  	[sflag:s31] =	ssyncadd.s32 $0xFFFFF830  }
0x41: {  	_ =	swait.ge [sflag:s31], $0x7D0  }
0x42: {  	[sflag:s31] =	ssyncset.done $0x0  }
0x43: {  	[sflag:s31] =	ssyncadd.s32 $0xFFFFF830  }
0x44: {  	_ =	swait.ge [sflag:s31], $0x7D0  }
0x45: {  	[sflag:s31] =	ssyncset.done $0x0  }
0x46: {  	[sflag:s31] =	ssyncadd.s32 $0xFFFFF830  }
0x47: {  	_ =	swait.ge [sflag:s31], $0x7D0  }
0x48: {  	[sflag:s31] =	ssyncset.done $0x0  }
0x49: {  	s25 =	simm.s32 $0x1F40;
	s14 =	rddreg [dreg:$0x8];
	[sflag:s31] =	ssyncadd.s32 $0xFFFFF830  }
0x4a: {  	[tilespmem:s25], [sflag:$0x2] =	stream.linear.gather [hbm4b:s14+s1], $0x7D0, $0x38;
	[tilespmem:$0x65D0] =	vst v63  }
0x4b: {  	s11 =	simm.s32 $0x2710;
	s5 =	rddreg [dreg:$0x9]  }
0x4c: {  	[tilespmem:s11], [sflag:$0x2] =	stream.linear.gather [hbm4b:s5+s1], $0x7D0, $0x38;
	[tilespmem:$0x65D0] =	vst v63  }
0x4d: {  	s13 =	simm.s32 $0x2EE0;
	s12 =	rddreg [dreg:$0xa]  }
0x4e: {  	[tilespmem:s13], [sflag:$0x2] =	stream.linear.gather [hbm4b:s12+s1], $0x7D0, $0x38;
	[tilespmem:$0x65D0] =	vst v63  }
0x4f: {  	s14 =	rddreg [dreg:$0xb]  }
0x50: {  	[tilespmem:s6], [sflag:$0x2] =	stream.linear.gather [hbm4b:s14+s1], $0x7D0, $0x38;
	[tilespmem:$0x65D0] =	vst v63  }
0x51: {  	v7 =	vld [tilespmem:s8+$0xFFFFF0D0]  }
0x52: {  	v8 =	vld [tilespmem:s8+$0xFFFFF8A0]  }
0x53: {  	v9 =	vld [tilespmem:s8+$0x70]  }
0x54: {  	v10 =	vld [tilespmem:s8+$0x840]  }
0x55: {  	v11 =	vld [tilespmem:s8+$0xFFFFF830]  }
0x56: {  	v12 =	vld [tilespmem:s8+$0x0]  }
0x57: {  	v13 =	vld [tilespmem:s8+$0x7D0]  }
0x58: {  	v14 =	vld [tilespmem:s8+$0xFFFFF070]  }
0x59: {  	v15 =	vld [tilespmem:s8+$0xFFFFF840]  }
0x5a: {  	v18 =	vld [tilespmem:s8+$0x10]  }
0x5b: {  	v23 =	vld [tilespmem:s8+$0xFFFFF860]  }
0x5c: {  	v60 =	vld [tilespmem:s8+$0xFFFFF0C0]  }
0x5d: {  	v3 =	vadd.f32 v5, v1;
	v31 =	vld [tilespmem:s8+$0x60]  }
0x5e: {  	v4 =	vadd.f32 v6, v2;
	v5 =	vmul.f32 v6, v5;
	v32 =	vld [tilespmem:s8+$0xFFFFF060];
	v16 =	vadd.f32 v9, v7  }
0x5f: {  	v19 =	vld [tilespmem:s8+$0x7E0];
	v17 =	vadd.f32 v10, v8;
	v6 =	vmax.f32 v11, v2;
	v7 =	vmax.f32 v7, v1  }
0x60: {  	v21 =	vld [tilespmem:s8+$0xFFFFF080];
	v8 =	vmax.f32 v8, v2;
	v20 =	vmul.f32 v13, v12;
	v11 =	vadd.f32 v13, v11  }
0x61: {  	v30 =	vld [tilespmem:s8+$0xFFFFF890];
	v13 =	vmax.f32 v14, v1;
	v9 =	vmul.f32 v10, v9;
	v10 =	vmax.f32 v15, v2  }
0x62: {  	v61 =	vld [tilespmem:s8+$0x830];
	v14 =	vadd.f32 v18, v14;
	v27 =	vmax.f32 v23, v2;
	v62 =	vmax.f32 v60, v1  }
0x63: {  	v22 =	vld [tilespmem:s8+$0x7F0];
	v33 =	vadd.f32 v31, v60;
	v35 =	vmax.f32 v32, v1;
	v12 =	vadd.f32 v12, v32  }
0x64: {  	v24 =	vld [tilespmem:s8+$0x30];
	v16 =	vmin.f32 v16, v3;
	v17 =	vmin.f32 v17, v4;
	v14 =	vmin.f32 v14, v3  }
0x65: {  	v28 =	vld [tilespmem:s8+$0x40];
	v12 =	vmin.f32 v12, v3;
	v7 =	vsub.f32 v16, v7;
	v8 =	vsub.f32 v17, v8  }
0x66: {  	v63 =	vmax.f32 v30, v2;
	v16 =	vld [tilespmem:s8+$0xFFFFF850];
	v13 =	vsub.f32 v14, v13;
	v12 =	vsub.f32 v12, v35  }
0x67: {  	v34 =	vadd.f32 v61, v30;
	v17 =	vld [tilespmem:s8+$0x20];
	v7 =	vmax.f32 v7, $0.0e+00;
	v8 =	vmax.f32 v8, $0.0e+00  }
0x68: {  	v57 =	vld [tilespmem:s8+$0xFFFFF880];
	v13 =	vmax.f32 v13, $0.0e+00;
	v12 =	vmax.f32 v12, $0.0e+00;
	v7 =	vmul.f32 v8, v7  }
0x69: {  	v58 =	vld [tilespmem:s8+$0x50];
	v8 =	vadd.f32 v9, v5;
	v9 =	vmin.f32 v11, v4;
	v11 =	vadd.f32 v19, v15  }
0x6a: {  	v59 =	vld [tilespmem:s8+$0x820];
	v15 =	vmul.f32 v19, v18;
	v19 =	vmax.f32 v21, v1;
	v9 =	vsub.f32 v9, v6  }
0x6b: {  	s25 =	simm.s32 $0x1020;
	v18 =	vld [tilespmem:s8+$0xFFFFF090];
	v8 =	vsub.f32 v8, v7;
	v6 =	vmin.f32 v11, v4;
	v11 =	vmax.f32 v16, v2  }
0x6c: {  	v39 =	vld [tilespmem:s25+$0x7D0];
	v14 =	vadd.f32 v17, v21;
	v17 =	vmul.f32 v22, v17;
	v15 =	vadd.f32 v15, v5  }
0x6d: {  	v21 =	vld [tilespmem:s8+$0x800];
	v10 =	vsub.f32 v6, v10;
	v6 =	vadd.f32 v22, v16;
	v9 =	vmax.f32 v9, $0.0e+00  }
0x6e: {  	v55 =	vld [tilespmem:s25+$0x0];
	v8 =	vmax.f32 v8, $9.999999970e-07;
	v14 =	vmin.f32 v14, v3;
	v9 =	vmul.f32 v9, v12  }
0x6f: {  	v16 =	vld [tilespmem:s8+$0xFFFFF0A0];
	v12 =	vadd.f32 v17, v5;
	v8 =	vmul.f32 $5.000000000e-01, v8;
	v26 =	vmin.f32 v6, v4  }
0x70: {  	v22 =	vmax.f32 v18, v1;
	v10 =	vmax.f32 v10, $0.0e+00;
	v11 =	vsub.f32 v26, v11  }
0x71: {  	v25 =	vld [tilespmem:s8+$0xFFFFF870];
	v26 =	vmul.f32 v59, v58;
	vm0 =	vge.f32 v7, v8;
	v7 =	vsub.f32 v14, v19  }
0x72: {  	v45 =	vld [tilespmem:s25+$0xFFFFF870];
	v10 =	vmul.f32 v10, v13;
	v8 =	vadd.f32 v24, v18;
	v18 =	vadd.f32 v21, v23  }
0x73: {  	v48 =	vld [tilespmem:s25+$0x810];
	v19 =	vmul.f32 v21, v24;
	v24 =	vadd.f32 v59, v57;
	v59 =	vmul.f32 v39, v55  }
0x74: {  	v14 =	vld [tilespmem:s8+$0x810];
	v6 =	vsel vm0, $0x3F800000, v0;
	v23 =	vmax.f32 v16, v1;
	v16 =	vadd.f32 v28, v16  }
0x75: {  	v21 =	vld [tilespmem:s8+$0xFFFFF0B0];
	v11 =	vmax.f32 v11, $0.0e+00;
	v8 =	vmin.f32 v8, v3;
	v18 =	vmin.f32 v18, v4  }
0x76: {  	v7 =	vmax.f32 v7, $0.0e+00;
	v24 =	vmin.f32 v24, v4;
	v17 =	vadd.f32 v19, v5  }
0x77: {  	v8 =	vsub.f32 v8, v22;
	v22 =	vmax.f32 v25, v2;
	v18 =	vsub.f32 v18, v27  }
0x78: {  	v16 =	vmin.f32 v16, v3;
	v7 =	vmul.f32 v11, v7;
	v27 =	vadd.f32 v48, v45  }
0x79: {  	v16 =	vsub.f32 v16, v23;
	v23 =	vmax.f32 v57, v2;
	v25 =	vadd.f32 v14, v25  }
0x7a: {  	v14 =	vmul.f32 v14, v28;
	v29 =	vmax.f32 v21, v1;
	v21 =	vadd.f32 v58, v21  }
0x7b: {  	v8 =	vmax.f32 v8, $0.0e+00;
	v18 =	vmax.f32 v18, $0.0e+00;
	v23 =	vsub.f32 v24, v23  }
0x7c: {  	v24 =	vmin.f32 v33, v3;
	v28 =	vmin.f32 v34, v4;
	v12 =	vsub.f32 v12, v7  }
0x7d: {  	v27 =	vmin.f32 v27, v4;
	v16 =	vmax.f32 v16, $0.0e+00;
	v24 =	vsub.f32 v24, v62  }
0x7e: {  	v36 =	vsub.f32 v28, v63;
	v8 =	vmul.f32 v18, v8;
	v18 =	vadd.f32 v20, v5  }
0x7f: {  	v20 =	vadd.f32 v26, v5;
	v25 =	vmin.f32 v25, v4;
	v21 =	vmin.f32 v21, v3  }
0x80: {  	v57 =	vld [tilespmem:s25+$0xFFFFF890];
	v23 =	vmax.f32 v23, $0.0e+00;
	v14 =	vadd.f32 v14, v5;
	v12 =	vmax.f32 v12, $9.999999970e-07  }
0x81: {  	v58 =	vld [tilespmem:s25+$0x830];
	v22 =	vsub.f32 v25, v22;
	v21 =	vsub.f32 v21, v29;
	v25 =	vmul.f32 v61, v31  }
0x82: {  	v13 =	vmax.f32 v24, $0.0e+00;
	v11 =	vmax.f32 v36, $0.0e+00;
	v18 =	vsub.f32 v18, v9  }
0x83: {  	v17 =	vsub.f32 v17, v8;
	v12 =	vmul.f32 $5.000000000e-01, v12;
	v11 =	vmul.f32 v11, v13  }
0x84: {  	v37 =	vld [tilespmem:s25+$0x70];
	v13 =	vsub.f32 v15, v10;
	v22 =	vmax.f32 v22, $0.0e+00;
	v21 =	vmax.f32 v21, $0.0e+00  }
0x85: {  	v19 =	vld [tilespmem:s25+$0xFFFFF0D0];
	v18 =	vmax.f32 v18, $9.999999970e-07;
	v17 =	vmax.f32 v17, $9.999999970e-07;
	vm4 =	vge.f32 v7, v12  }
0x86: {  	v62 =	vadd.f32 v58, v57;
	v16 =	vmul.f32 v22, v16;
	v21 =	vmul.f32 v23, v21  }
0x87: {  	v40 =	vld [tilespmem:s25+$0xFFFFF070];
	v23 =	vadd.f32 v25, v5;
	v13 =	vmax.f32 v13, $9.999999970e-07;
	v18 =	vmul.f32 $5.000000000e-01, v18  }
0x88: {  	v15 =	vld [tilespmem:s25+$0x840];
	v17 =	vmul.f32 $5.000000000e-01, v17;
	v13 =	vmul.f32 $5.000000000e-01, v13;
	v14 =	vsub.f32 v14, v16  }
0x89: {  	v22 =	vld [tilespmem:s25+$0xFFFFF8A0];
	v24 =	vmin.f32 v62, v4;
	v20 =	vsub.f32 v20, v21;
	v23 =	vsub.f32 v23, v11  }
0x8a: {  	v42 =	vld [tilespmem:s25+$0x10];
	vm6 =	vge.f32 v9, v18;
	vm3 =	vge.f32 v8, v17;
	v8 =	vadd.f32 v37, v19  }
0x8b: {  	v38 =	vld [tilespmem:s25+$0xFFFFF830];
	vm5 =	vge.f32 v10, v13;
	v13 =	vmax.f32 v19, v1;
	v17 =	vsel vm6, $0x3F800000, v0  }
0x8c: {  	v41 =	vld [tilespmem:s25+$0xFFFFF840];
	v14 =	vmax.f32 v14, $9.999999970e-07;
	v20 =	vmax.f32 v20, $9.999999970e-07;
	v23 =	vmax.f32 v23, $9.999999970e-07  }
0x8d: {  	v18 =	vld [tilespmem:s25+$0x7E0];
	v8 =	vmin.f32 v8, v3;
	v9 =	vmul.f32 $5.000000000e-01, v14;
	v14 =	vmul.f32 $5.000000000e-01, v20  }
0x8e: {  	v10 =	vld [tilespmem:s25+$0xFFFFF080];
	v7 =	vmul.f32 $5.000000000e-01, v23;
	v12 =	vadd.f32 v15, v22;
	v8 =	vsub.f32 v8, v13  }
0x8f: {  	v19 =	vld [tilespmem:s25+$0xFFFFF860];
	v20 =	vmax.f32 v40, v1;
	v15 =	vmul.f32 v15, v37;
	v23 =	vadd.f32 v42, v40  }
0x90: {  	v13 =	vld [tilespmem:s25+$0xFFFFF090];
	vm2 =	vge.f32 v16, v9;
	vm1 =	vge.f32 v21, v14;
	vm0 =	vge.f32 v11, v7  }
0x91: {  	v9 =	vld [tilespmem:s25+$0xFFFFF850];
	v11 =	vmax.f32 v38, v2;
	v16 =	vmax.f32 v22, v2;
	v12 =	vmin.f32 v12, v4  }
0x92: {  	v7 =	vld [tilespmem:s25+$0x20];
	v21 =	vmax.f32 v41, v2;
	v8 =	vmax.f32 v8, $0.0e+00;
	v44 =	vadd.f32 v18, v41  }
0x93: {  	v14 =	vld [tilespmem:s25+$0x7F0];
	v18 =	vmul.f32 v18, v42;
	v23 =	vmin.f32 v23, v3;
	v12 =	vsub.f32 v12, v16  }
0x94: {  	v22 =	vld [tilespmem:s25+$0x30];
	v16 =	vadd.f32 v39, v38;
	v46 =	vmax.f32 v10, v1;
	v20 =	vsub.f32 v23, v20  }
0x95: {  	v49 =	vld [tilespmem:s25+$0xFFFFF880];
	v51 =	vmax.f32 v19, v2;
	v25 =	vmin.f32 v44, v4;
	v12 =	vmax.f32 v12, $0.0e+00  }
0x96: {  	s4 =	simm.s32 $0x3F00;
	v53 =	vld [tilespmem:s25+$0x60];
	v8 =	vmul.f32 v12, v8;
	v12 =	vadd.f32 v15, v5;
	v15 =	vmin.f32 v16, v4  }
0x97: {  	[tilespmem:s4+$0xFFFFFFC0] =	vst v17;
	v23 =	vld [tilespmem:s25+$0xFFFFF0B0];
	v17 =	vadd.f32 v18, v5;
	v18 =	vsel vm4, $0x3F800000, v0;
	v11 =	vsub.f32 v15, v11  }
0x98: {  	v16 =	vld [tilespmem:s25+$0xFFFFF0A0];
	v47 =	vmax.f32 v9, v2;
	v10 =	vadd.f32 v7, v10;
	v9 =	vadd.f32 v14, v9  }
0x99: {  	v15 =	vld [tilespmem:s25+$0x40];
	v50 =	vmul.f32 v14, v7;
	v7 =	vmax.f32 v13, v1;
	v13 =	vadd.f32 v22, v13  }
0x9a: {  	v21 =	vsub.f32 v25, v21;
	v25 =	vmax.f32 v49, v2;
	v14 =	vld [tilespmem:s25+$0x50];
	v12 =	vsub.f32 v12, v8  }
0x9b: {  	v43 =	vld [tilespmem:s25+$0x800];
	v10 =	vmin.f32 v10, v3;
	v9 =	vmin.f32 v9, v4;
	v13 =	vmin.f32 v13, v3  }
0x9c: {  	v61 =	vmax.f32 v11, $0.0e+00;
	v11 =	vmax.f32 v20, $0.0e+00;
	v20 =	vmax.f32 v21, $0.0e+00  }
0x9d: {  	v52 =	vld [tilespmem:s25+$0x820];
	v21 =	vmul.f32 v58, v53;
	v12 =	vmax.f32 v12, $9.999999970e-07;
	v10 =	vsub.f32 v10, v46  }
0x9e: {  	v7 =	vsub.f32 v13, v7;
	v11 =	vmul.f32 v20, v11;
	v12 =	vmul.f32 $5.000000000e-01, v12  }
0x9f: {  	v13 =	vadd.f32 v15, v16;
	v15 =	vmul.f32 v48, v15;
	v54 =	vadd.f32 v14, v23  }
0xa0: {  	vm15 =	vge.f32 v8, v12;
	v8 =	vsub.f32 v9, v47;
	v9 =	vadd.f32 v43, v19  }
0xa1: {  	v12 =	vld [tilespmem:s25+$0xFFFFF0C0];
	v19 =	vmul.f32 v43, v22;
	v22 =	vmax.f32 v16, v1;
	v13 =	vmin.f32 v13, v3  }
0xa2: {  	v23 =	vmax.f32 v23, v1;
	v13 =	vsub.f32 v13, v22;
	v22 =	vadd.f32 v52, v49  }
0xa3: {  	v28 =	vmul.f32 v52, v14;
	v10 =	vmax.f32 v10, $0.0e+00;
	v7 =	vmax.f32 v7, $0.0e+00  }
0xa4: {  	v16 =	vmax.f32 v45, v2;
	v29 =	vmin.f32 v54, v3;
	v22 =	vmin.f32 v22, v4  }
0xa5: {  	v16 =	vsub.f32 v27, v16;
	v60 =	vsel vm15, $0x3F800000, v0;
	v14 =	vsub.f32 v22, v25;
	v22 =	vld [tilespmem:s25+$0xFFFFF060]  }
0xa6: {  	v27 =	vmax.f32 v57, v2;
	v9 =	vmin.f32 v9, v4;
	v56 =	vadd.f32 v53, v12  }
0xa7: {  	v23 =	vsub.f32 v29, v23;
	v8 =	vmax.f32 v8, $0.0e+00;
	v24 =	vsub.f32 v24, v27  }
0xa8: {  	v9 =	vsub.f32 v9, v51;
	v12 =	vmax.f32 v12, v1;
	v32 =	vmin.f32 v56, v3  }
0xa9: {  	v16 =	vmax.f32 v16, $0.0e+00;
	v13 =	vmax.f32 v13, $0.0e+00;
	v12 =	vsub.f32 v32, v12  }
0xaa: {  	v23 =	vmax.f32 v23, $0.0e+00;
	v9 =	vmax.f32 v9, $0.0e+00;
	v63 =	vadd.f32 v55, v22  }
0xab: {  	v14 =	vmax.f32 v14, $0.0e+00;
	v22 =	vmax.f32 v22, v1;
	v20 =	vmax.f32 v12, $0.0e+00  }
0xac: {  	v12 =	vmul.f32 v8, v10;
	v8 =	vmul.f32 v9, v7;
	v29 =	vmin.f32 v63, v3  }
0xad: {  	v7 =	vmax.f32 v24, $0.0e+00;
	v10 =	vmul.f32 v16, v13;
	v22 =	vsub.f32 v29, v22  }
0xae: {  	[tilespmem:s4+$0x30] =	vst v6;
	v9 =	vmul.f32 v14, v23;
	v16 =	vadd.f32 v59, v5;
	v13 =	vadd.f32 v15, v5  }
0xaf: {  	s13 =	simm.s32 $0x3F80;
	[tilespmem:s4+$0xFFFFFFE0] =	vst v18;
	v7 =	vmul.f32 v7, v20;
	v20 =	vadd.f32 v50, v5;
	v6 =	vmax.f32 v22, $0.0e+00  }
0xb0: {  	[tilespmem:s13+$0x30] =	vst v60;
	v22 =	vadd.f32 v19, v5;
	v19 =	vsel vm3, $0x3F800000, v0;
	v14 =	vmul.f32 v61, v6  }
0xb1: {  	v15 =	vadd.f32 v28, v5;
	v6 =	vsel vm5, $0x3F800000, v0;
	[tilespmem:s4+$0xFFFFFFF0] =	vst v19;
	v19 =	vsub.f32 v20, v12  }
0xb2: {  	s11 =	simm.s32 $0x770;
	s5 =	simm.s32 $0x80;
	[tilespmem:s4+$0xFFFFFFD0] =	vst v6;
	v6 =	vadd.f32 v21, v5;
	v21 =	vsel vm2, $0x3F800000, v0;
	v18 =	vsub.f32 v16, v14  }
0xb3: {  	s12 =	simm.s32 $0x1720;
	s14 =	simm.s32 $0x10A0;
	s25 =	simm.s32 $0x4640;
	v20 =	vsel vm1, $0x3F800000, v0;
	v16 =	vsub.f32 v17, v11;
	v17 =	vsub.f32 v22, v8;
	[tilespmem:s4+$0x0] =	vst v21  }
.LBB2_2:
0xb4: {  	v21 =	vld [tilespmem:s14+$0xFFFFF0D0];
	v18 =	vmax.f32 v18, $9.999999970e-07;
	v13 =	vsub.f32 v13, v10;
	v15 =	vsub.f32 v15, v9;
	[tilespmem:s4+$0x10] =	vst v20  }
0xb5: {  	v16 =	vmax.f32 v16, $9.999999970e-07;
	v6 =	vsub.f32 v6, v7;
	v20 =	vld [tilespmem:s14+$0xFFFFF8A0];
	v19 =	vmax.f32 v19, $9.999999970e-07  }
0xb6: {  	v17 =	vmax.f32 v17, $9.999999970e-07;
	v22 =	vld [tilespmem:s14+$0x70];
	v13 =	vmax.f32 v13, $9.999999970e-07;
	v15 =	vmax.f32 v15, $9.999999970e-07  }
0xb7: {  	s5 =	sadd.s32 $0x80, s5;
	v18 =	vmul.f32 $5.000000000e-01, v18;
	v16 =	vmul.f32 $5.000000000e-01, v16;
	v24 =	vmax.f32 v6, $9.999999970e-07;
	v23 =	vld [tilespmem:s14+$0x840]  }
0xb8: {  	v26 =	vsel vm0, $0x3F800000, v0;
	p0 =	slt.u32 s5, $0x700;
	v19 =	vmul.f32 $5.000000000e-01, v19;
	v17 =	vmul.f32 $5.000000000e-01, v17;
	v25 =	vld [tilespmem:s14+$0xFFFFF830]  }
0xb9: {  	vm6 =	vge.f32 v14, v18;
	v13 =	vmul.f32 $5.000000000e-01, v13;
	v14 =	vmul.f32 $5.000000000e-01, v15;
	v6 =	vld [tilespmem:s14+$0x0];
	[tilespmem:s4+$0x20] =	vst v26;
	s4 =	smov.u32 s13  }
0xba: {  	vm5 =	vge.f32 v11, v16;
	v11 =	vmul.f32 $5.000000000e-01, v24;
	vm4 =	vge.f32 v12, v19;
	v15 =	vld [tilespmem:s14+$0x7D0]  }
0xbb: {  	vm3 =	vge.f32 v8, v17;
	vm2 =	vge.f32 v10, v13;
	vm1 =	vge.f32 v9, v14;
	v12 =	vld [tilespmem:s14+$0xFFFFF070]  }
0xbc: {  	vm0 =	vge.f32 v7, v11;
	v9 =	vadd.f32 v22, v21;
	v8 =	vld [tilespmem:s14+$0xFFFFF840];
	v10 =	vadd.f32 v23, v20  }
0xbd: {  	v14 =	vmax.f32 v21, v1;
	v7 =	vsel vm6, $0x3F800000, v0;
	v11 =	vmax.f32 v25, v2;
	v13 =	vld [tilespmem:s14+$0x10]  }
0xbe: {  	v17 =	vmax.f32 v20, v2;
	v9 =	vmin.f32 v9, v3;
	v16 =	vld [tilespmem:s14+$0x7E0];
	v10 =	vmin.f32 v10, v4;
	[tilespmem:s13+$0xFFFFFFC0] =	vst v7  }
0xbf: {  	v9 =	vsub.f32 v9, v14;
	v7 =	vmul.f32 v15, v6;
	v18 =	vld [tilespmem:s14+$0xFFFFF080];
	v10 =	vsub.f32 v10, v17  }
0xc0: {  	v19 =	vmul.f32 v23, v22;
	v14 =	vadd.f32 v15, v25;
	v15 =	vmax.f32 v12, v1;
	v17 =	vld [tilespmem:s14+$0xFFFFF850]  }
0xc1: {  	v9 =	vmax.f32 v9, $0.0e+00;
	v20 =	vmax.f32 v8, v2;
	v21 =	vld [tilespmem:s14+$0x20];
	v10 =	vmax.f32 v10, $0.0e+00  }
0xc2: {  	v12 =	vadd.f32 v13, v12;
	v22 =	vld [tilespmem:s14+$0x7F0];
	v9 =	vmul.f32 v10, v9;
	v10 =	vadd.f32 v19, v5  }
0xc3: {  	v14 =	vmin.f32 v14, v4;
	v8 =	vadd.f32 v16, v8;
	v13 =	vmul.f32 v16, v13;
	v16 =	vld [tilespmem:s14+$0xFFFFF090]  }
0xc4: {  	v12 =	vmin.f32 v12, v3;
	v19 =	vmax.f32 v18, v1;
	v23 =	vld [tilespmem:s14+$0xFFFFF860];
	v10 =	vsub.f32 v10, v9  }
0xc5: {  	v11 =	vsub.f32 v14, v11;
	v8 =	vmin.f32 v8, v4;
	v14 =	vmax.f32 v17, v2;
	v24 =	vld [tilespmem:s14+$0x30]  }
0xc6: {  	v12 =	vsub.f32 v12, v15;
	v15 =	vadd.f32 v21, v18;
	v18 =	vld [tilespmem:s14+$0x800];
	v10 =	vmax.f32 v10, $9.999999970e-07  }
0xc7: {  	v8 =	vsub.f32 v8, v20;
	v17 =	vadd.f32 v22, v17;
	v20 =	vld [tilespmem:s14+$0xFFFFF0A0];
	v10 =	vmul.f32 $5.000000000e-01, v10  }
0xc8: {  	v21 =	vmul.f32 v22, v21;
	v15 =	vmin.f32 v15, v3;
	v22 =	vmax.f32 v16, v1;
	v25 =	vld [tilespmem:s14+$0xFFFFF870]  }
0xc9: {  	v17 =	vmin.f32 v17, v4;
	v26 =	vmax.f32 v23, v2;
	v27 =	vld [tilespmem:s14+$0x40];
	vm6 =	vge.f32 v9, v10  }
0xca: {  	s13 =	sadd.s32 $0x80, s13;
	v9 =	vsub.f32 v15, v19;
	v10 =	vadd.f32 v24, v16;
	v15 =	vld [tilespmem:s14+$0x810];
	v16 =	vsel vm6, $0x3F800000, v0  }
0xcb: {  	v14 =	vsub.f32 v17, v14;
	v17 =	vadd.f32 v18, v23;
	v18 =	vmul.f32 v18, v24;
	v19 =	vld [tilespmem:s14+$0xFFFFF0B0];
	[tilespmem:s13+$0x30] =	vst v16  }
0xcc: {  	v16 =	vmax.f32 v11, $0.0e+00;
	v10 =	vmin.f32 v10, v3;
	v11 =	vmax.f32 v20, v1;
	v23 =	vld [tilespmem:s14+$0xFFFFF880]  }
0xcd: {  	v17 =	vmin.f32 v17, v4;
	v10 =	vsub.f32 v10, v22;
	v22 =	vmax.f32 v25, v2;
	v24 =	vld [tilespmem:s14+$0x50]  }
0xce: {  	v12 =	vmax.f32 v12, $0.0e+00;
	v17 =	vsub.f32 v17, v26;
	v20 =	vadd.f32 v27, v20;
	v26 =	vld [tilespmem:s14+$0x820]  }
0xcf: {  	v8 =	vmax.f32 v8, $0.0e+00;
	v25 =	vadd.f32 v15, v25;
	v15 =	vmul.f32 v15, v27;
	v27 =	vld [tilespmem:s14+$0xFFFFF0C0]  }
0xd0: {  	v9 =	vmax.f32 v9, $0.0e+00;
	v20 =	vmin.f32 v20, v3;
	v28 =	vmax.f32 v19, v1;
	v29 =	vld [tilespmem:s14+$0xFFFFF890]  }
0xd1: {  	v25 =	vmin.f32 v25, v4;
	v11 =	vsub.f32 v20, v11;
	v20 =	vmax.f32 v23, v2;
	v30 =	vld [tilespmem:s14+$0x60]  }
0xd2: {  	v14 =	vmax.f32 v14, $0.0e+00;
	v22 =	vsub.f32 v25, v22;
	v19 =	vadd.f32 v24, v19;
	v25 =	vld [tilespmem:s14+$0x830]  }
0xd3: {  	v10 =	vmax.f32 v10, $0.0e+00;
	v31 =	vld [tilespmem:s14+$0xFFFFF060];
	v23 =	vadd.f32 v26, v23;
	v24 =	vmul.f32 v26, v24  }
0xd4: {  	v17 =	vmax.f32 v17, $0.0e+00;
	v19 =	vmin.f32 v19, v3;
	v26 =	vmax.f32 v27, v1  }
0xd5: {  	v23 =	vmin.f32 v23, v4;
	v19 =	vsub.f32 v19, v28;
	v28 =	vmax.f32 v29, v2  }
0xd6: {  	v32 =	vmax.f32 v11, $0.0e+00;
	v11 =	vsub.f32 v23, v20;
	v20 =	vadd.f32 v30, v27  }
0xd7: {  	v22 =	vmax.f32 v22, $0.0e+00;
	v23 =	vadd.f32 v25, v29;
	v25 =	vmul.f32 v25, v30  }
0xd8: {  	v27 =	vmax.f32 v31, v1;
	v6 =	vadd.f32 v6, v31;
	v20 =	vmin.f32 v20, v3  }
0xd9: {  	v19 =	vmax.f32 v19, $0.0e+00;
	v23 =	vmin.f32 v23, v4;
	v20 =	vsub.f32 v20, v26  }
0xda: {  	v26 =	vmax.f32 v11, $0.0e+00;
	v6 =	vmin.f32 v6, v3;
	v23 =	vsub.f32 v23, v28  }
0xdb: {  	v11 =	vmul.f32 v8, v12;
	v6 =	vsub.f32 v6, v27;
	v20 =	vmax.f32 v20, $0.0e+00  }
0xdc: {  	v12 =	vmul.f32 v14, v9;
	v8 =	vmul.f32 v17, v10;
	v17 =	vmax.f32 v23, $0.0e+00  }
0xdd: {  	v10 =	vmul.f32 v22, v32;
	v9 =	vmul.f32 v26, v19;
	v6 =	vmax.f32 v6, $0.0e+00  }
0xde: {  	v14 =	vmul.f32 v16, v6;
	v16 =	vadd.f32 v7, v5;
	v7 =	vmul.f32 v17, v20  }
.Ltmp0:
0xdf: {  	v19 =	vadd.f32 v21, v5;
	v17 =	vadd.f32 v13, v5;
	v6 =	vsel vm5, $0x3F800000, v0;
	(pc) =	sbr.rel @p0 .LBB2_2-.Ltmp0, $4  }
0xe0: {  	v20 =	vadd.f32 v18, v5;
	v13 =	vadd.f32 v15, v5;
	v18 =	vsel vm4, $0x3F800000, v0;
	[tilespmem:s4+$0xFFFFFFD0] =	vst v6  }
0xe1: {  	v21 =	vsel vm3, $0x3F800000, v0;
	v15 =	vadd.f32 v24, v5;
	v6 =	vadd.f32 v25, v5;
	[tilespmem:s4+$0xFFFFFFE0] =	vst v18  }
0xe2: {  	v18 =	vsub.f32 v16, v14;
	v16 =	vsub.f32 v17, v11;
	[tilespmem:s4+$0xFFFFFFF0] =	vst v21;
	v21 =	vsel vm2, $0x3F800000, v0  }
0xe3: {  	s14 =	sadd.s32 $0x80, s14;
	v19 =	vsub.f32 v19, v12;
	v17 =	vsub.f32 v20, v8;
	v20 =	vsel vm1, $0x3F800000, v0;
	[tilespmem:s4+$0x0] =	vst v21  }
0xe4: {  	v18 =	vmax.f32 v18, $9.999999970e-07;
	v13 =	vsub.f32 v13, v10;
	v15 =	vsub.f32 v15, v9  }
0xe5: {  	v16 =	vmax.f32 v16, $9.999999970e-07;
	v6 =	vsub.f32 v6, v7;
	v56 =	vsel vm0, $0x3F800000, v0  }
0xe6: {  	v19 =	vmax.f32 v19, $9.999999970e-07;
	v17 =	vmax.f32 v17, $9.999999970e-07;
	v18 =	vmul.f32 $5.000000000e-01, v18  }
0xe7: {  	v16 =	vmul.f32 $5.000000000e-01, v16;
	v13 =	vmax.f32 v13, $9.999999970e-07;
	v15 =	vmax.f32 v15, $9.999999970e-07  }
0xe8: {  	[tilespmem:s4+$0x10] =	vst v20;
	v6 =	vmax.f32 v6, $9.999999970e-07;
	v19 =	vmul.f32 $5.000000000e-01, v19;
	vm10 =	vge.f32 v14, v18  }
0xe9: {  	[tilespmem:s4+$0x20] =	vst v56;
	v57 =	vmul.f32 $5.000000000e-01, v17;
	vm1 =	vge.f32 v11, v16;
	v58 =	vsel vm10, $0x3F800000, v0  }
0xea: {  	v13 =	vmul.f32 $5.000000000e-01, v13;
	vm11 =	vge.f32 v12, v19;
	v59 =	vsel vm1, $0x3F800000, v0;
	[tilespmem:s13+$0xFFFFFFC0] =	vst v58  }
0xeb: {  	v60 =	vmul.f32 $5.000000000e-01, v15;
	vm12 =	vge.f32 v8, v57;
	[tilespmem:s13+$0xFFFFFFD0] =	vst v59;
	v61 =	vsel vm11, $0x3F800000, v0  }
0xec: {  	v6 =	vmul.f32 $5.000000000e-01, v6;
	vm13 =	vge.f32 v10, v13;
	v62 =	vsel vm12, $0x3F800000, v0;
	[tilespmem:s13+$0xFFFFFFE0] =	vst v61  }
0xed: {  	vm14 =	vge.f32 v9, v60;
	[tilespmem:s13+$0xFFFFFFF0] =	vst v62;
	v63 =	vsel vm13, $0x3F800000, v0  }
0xee: {  	vm15 =	vge.f32 v7, v6;
	v6 =	vsel vm14, $0x3F800000, v0;
	[tilespmem:s13+$0x0] =	vst v63  }
0xef: {  	[tilespmem:s13+$0x10] =	vst v6;
	v6 =	vsel vm15, $0x3F800000, v0  }
0xf0: {  	[tilespmem:s13+$0x20] =	vst v6  }
.LBB2_4:
0xf1: {  	v6 =	vld [tilespmem:s12+$0xFFFFF060]  }
0xf2: {  	v7 =	vld [tilespmem:s12+$0xFFFFF830]  }
0xf3: {  	v8 =	vld [tilespmem:s12+$0x0]  }
0xf4: {  	v9 =	vld [tilespmem:s12+$0x7D0];
	_ =	sdelay $0x4  }
0xf5: {  	v10 =	vadd.f32 v8, v6;
	v11 =	vadd.f32 v9, v7  }
0xf6: {  	v6 =	vmax.f32 v6, v1  }
0xf7: {  	v7 =	vmax.f32 v7, v2;
	v10 =	vmin.f32 v10, v3;
	v11 =	vmin.f32 v11, v4  }
0xf8: {  	v6 =	vsub.f32 v10, v6;
	v7 =	vsub.f32 v11, v7  }
0xf9: {  	v8 =	vmul.f32 v9, v8  }
0xfa: {  	v6 =	vmax.f32 v6, $0.0e+00;
	v7 =	vmax.f32 v7, $0.0e+00  }
0xfb: {  	v6 =	vmul.f32 v7, v6;
	v7 =	vadd.f32 v8, v5;
	_ =	sdelay $0x1  }
0xfc: {  	v7 =	vsub.f32 v7, v6  }
0xfd: {  	s11 =	sadd.s32 $0x10, s11  }
0xfe: {  	p0 =	slt.u32 s11, $0x7C0;
	v7 =	vmax.f32 v7, $9.999999970e-07  }
.Ltmp1:
0xff: {  	v7 =	vmul.f32 $5.000000000e-01, v7;
	(pc) =	sbr.rel @p0 .LBB2_4-.Ltmp1, $4  }
0x100: {  	_ = 	snop  }
0x101: {  	vm0 =	vge.f32 v6, v7  }
0x102: {  	v6 =	vsel vm0, $0x3F800000, v0  }
0x103: {  	s12 =	sadd.s32 $0x10, s12;
	[tilespmem:s25+$0x0] =	vst v6;
	s25 =	sadd.s32 $0x10, s25  }
0x104: {  	s4 =	simm.s32 $0x3EC0  }
0x105: {  	[hbm4b:s23+s1] =	stream.linear.scatter [tilespmem:s4], [sflag:$0x3], $0x7D0, $0x38;
	[tilespmem:$0x65D0] =	vst v63  }
0x106: {  	_ =	swait.ge [sflag:s7], $0x7D0  }
0x107: {  	[sflag:s7] =	ssyncset.done $0x0  }
0x108: {  	[sflag:s7] =	ssyncadd.s32 $0xFFFFF830  }
0x109: {  	_ =	swait.ge [sflag:s7], $0x7D0  }
0x10a: {  	[sflag:s7] =	ssyncset.done $0x0  }
0x10b: {  	[sflag:s7] =	ssyncadd.s32 $0xFFFFF830  }
0x10c: {  	_ =	swait.ge [sflag:s7], $0x7D0  }
0x10d: {  	[sflag:s7] =	ssyncset.done $0x0  }
0x10e: {  	[sflag:s7] =	ssyncadd.s32 $0xFFFFF830  }
0x10f: {  	_ =	swait.ge [sflag:s7], $0x7D0  }
0x110: {  	[sflag:s7] =	ssyncset.done $0x0  }
0x111: {  	s5 =	rddreg [dreg:$0xc];
	[sflag:s7] =	ssyncadd.s32 $0xFFFFF830  }
0x112: {  	[tilespmem:s1], [sflag:$0x1] =	stream.linear.gather [hbm4b:s5+s1], $0x7D0, $0x38;
	[tilespmem:$0x65D0] =	vst v63  }
0x113: {  	s11 =	rddreg [dreg:$0xd]  }
0x114: {  	[tilespmem:s0], [sflag:$0x1] =	stream.linear.gather [hbm4b:s11+s1], $0x7D0, $0x38;
	[tilespmem:$0x65D0] =	vst v63  }
0x115: {  	s12 =	rddreg [dreg:$0xe]  }
0x116: {  	[tilespmem:s8], [sflag:$0x1] =	stream.linear.gather [hbm4b:s12+s1], $0x7D0, $0x38;
	[tilespmem:$0x65D0] =	vst v63  }
0x117: {  	s14 =	simm.s32 $0x3720;
	s13 =	rddreg [dreg:$0xf]  }
0x118: {  	[tilespmem:s2], [sflag:$0x1] =	stream.linear.gather [hbm4b:s13+s1], $0x7D0, $0x38;
	[tilespmem:$0x65D0] =	vst v63  }
0x119: {  	v6 =	vld [tilespmem:s14+$0xFFFFE890]  }
0x11a: {  	v7 =	vld [tilespmem:s14+$0xFFFFF060]  }
0x11b: {  	v8 =	vld [tilespmem:s14+$0xFFFFF830]  }
0x11c: {  	v9 =	vld [tilespmem:s14+$0x0]  }
0x11d: {  	v10 =	vld [tilespmem:s14+$0xFFFFEFF0]  }
0x11e: {  	v11 =	vld [tilespmem:s14+$0xFFFFF7C0]  }
0x11f: {  	v12 =	vld [tilespmem:s14+$0xFFFFFF90]  }
0x120: {  	v13 =	vld [tilespmem:s14+$0xFFFFE830]  }
0x121: {  	v14 =	vld [tilespmem:s14+$0xFFFFF000]  }
0x122: {  	v18 =	vld [tilespmem:s14+$0xFFFFF7D0]  }
0x123: {  	v23 =	vld [tilespmem:s14+$0xFFFFF020]  }
0x124: {  	v61 =	vld [tilespmem:s14+$0xFFFFE880]  }
0x125: {  	v30 =	vld [tilespmem:s14+$0xFFFFF050]  }
0x126: {  	v31 =	vld [tilespmem:s14+$0xFFFFF820]  }
0x127: {  	v62 =	vld [tilespmem:s14+$0xFFFFFFF0];
	v15 =	vadd.f32 v8, v6  }
0x128: {  	v32 =	vld [tilespmem:s14+$0xFFFFE820];
	v16 =	vadd.f32 v9, v7;
	v17 =	vmax.f32 v10, v2;
	v6 =	vmax.f32 v6, v1  }
0x129: {  	s25 =	simm.s32 $0x37A0;
	v7 =	vmax.f32 v7, v2;
	v20 =	vmul.f32 v12, v11;
	v10 =	vadd.f32 v12, v10  }
0x12a: {  	v57 =	vld [tilespmem:s25+$0xFFFFF050];
	v12 =	vmax.f32 v13, v1;
	v8 =	vmul.f32 v9, v8;
	v9 =	vmax.f32 v14, v2  }
0x12b: {  	v13 =	vadd.f32 v18, v13;
	v26 =	vmax.f32 v23, v2;
	v63 =	vmax.f32 v61, v1  }
0x12c: {  	v33 =	vmax.f32 v30, v2;
	v34 =	vadd.f32 v31, v61;
	v35 =	vadd.f32 v62, v30  }
0x12d: {  	v19 =	vld [tilespmem:s14+$0xFFFFFFA0];
	v11 =	vadd.f32 v11, v32;
	v15 =	vmin.f32 v15, v3;
	v16 =	vmin.f32 v16, v4  }
0x12e: {  	v21 =	vld [tilespmem:s14+$0xFFFFE840];
	v13 =	vmin.f32 v13, v3;
	v6 =	vsub.f32 v15, v6;
	v7 =	vsub.f32 v16, v7  }
0x12f: {  	v36 =	vmax.f32 v32, v1;
	v61 =	vmax.f32 v57, v2;
	v15 =	vld [tilespmem:s14+$0xFFFFF010];
	v12 =	vsub.f32 v13, v12  }
0x130: {  	v11 =	vmin.f32 v11, v3;
	v16 =	vld [tilespmem:s14+$0xFFFFF7E0];
	v6 =	vmax.f32 v6, $0.0e+00;
	v7 =	vmax.f32 v7, $0.0e+00  }
0x131: {  	v22 =	vld [tilespmem:s14+$0xFFFFFFB0];
	v11 =	vsub.f32 v11, v36;
	v12 =	vmax.f32 v12, $0.0e+00;
	v6 =	vmul.f32 v7, v6  }
0x132: {  	v24 =	vld [tilespmem:s14+$0xFFFFF7F0];
	v7 =	vadd.f32 v8, v5;
	v8 =	vmin.f32 v10, v4;
	v10 =	vadd.f32 v19, v14  }
0x133: {  	v27 =	vld [tilespmem:s14+$0xFFFFF800];
	v11 =	vmax.f32 v11, $0.0e+00;
	v14 =	vmul.f32 v19, v18;
	v19 =	vmax.f32 v21, v1  }
0x134: {  	v18 =	vld [tilespmem:s14+$0xFFFFE850];
	v8 =	vsub.f32 v8, v17;
	v7 =	vsub.f32 v7, v6;
	v10 =	vmin.f32 v10, v4  }
0x135: {  	v59 =	vld [tilespmem:s14+$0xFFFFF040];
	v17 =	vmax.f32 v15, v2;
	v13 =	vadd.f32 v16, v21;
	v14 =	vadd.f32 v14, v5  }
0x136: {  	v21 =	vld [tilespmem:s14+$0xFFFFFFC0];
	v16 =	vmul.f32 v22, v16;
	v9 =	vsub.f32 v10, v9;
	v10 =	vadd.f32 v22, v15  }
0x137: {  	v60 =	vld [tilespmem:s14+$0xFFFFFFE0];
	v8 =	vmax.f32 v8, $0.0e+00;
	v7 =	vmax.f32 v7, $9.999999970e-07;
	v13 =	vmin.f32 v13, v3  }
0x138: {  	v15 =	vld [tilespmem:s14+$0xFFFFE860];
	v8 =	vmul.f32 v8, v11;
	v11 =	vadd.f32 v16, v5;
	v7 =	vmul.f32 $5.000000000e-01, v7  }
0x139: {  	v22 =	vmax.f32 v18, v1;
	v10 =	vmin.f32 v10, v4;
	v9 =	vmax.f32 v9, $0.0e+00  }
0x13a: {  	v10 =	vsub.f32 v10, v17;
	vm0 =	vge.f32 v6, v7;
	v7 =	vsub.f32 v13, v19  }
0x13b: {  	v25 =	vld [tilespmem:s14+$0xFFFFF030];
	v9 =	vmul.f32 v9, v12;
	v13 =	vadd.f32 v24, v18;
	v17 =	vadd.f32 v21, v23  }
0x13c: {  	v28 =	vld [tilespmem:s14+$0xFFFFF810];
	v19 =	vmul.f32 v21, v24;
	v24 =	vadd.f32 v60, v59;
	v6 =	vsel vm0, $0x3F800000, v0  }
0x13d: {  	v18 =	vld [tilespmem:s14+$0xFFFFFFD0];
	v23 =	vmax.f32 v15, v1;
	v15 =	vadd.f32 v27, v15;
	v10 =	vmax.f32 v10, $0.0e+00  }
0x13e: {  	v21 =	vld [tilespmem:s14+$0xFFFFE870];
	v13 =	vmin.f32 v13, v3;
	v17 =	vmin.f32 v17, v4;
	v7 =	vmax.f32 v7, $0.0e+00  }
0x13f: {  	v50 =	vld [tilespmem:s25+$0xFFFFF810];
	v24 =	vmin.f32 v24, v4;
	v16 =	vadd.f32 v19, v5;
	v13 =	vsub.f32 v13, v22  }
0x140: {  	v52 =	vld [tilespmem:s25+$0xFFFFFFE0];
	v22 =	vmax.f32 v25, v2;
	v17 =	vsub.f32 v17, v26;
	v15 =	vmin.f32 v15, v3  }
0x141: {  	v26 =	vmul.f32 v60, v28;
	v7 =	vmul.f32 v10, v7;
	v15 =	vsub.f32 v15, v23  }
0x142: {  	v39 =	vld [tilespmem:s25+$0xFFFFFF90];
	v23 =	vmax.f32 v59, v2;
	v25 =	vadd.f32 v18, v25;
	v18 =	vmul.f32 v18, v27  }
0x143: {  	v55 =	vld [tilespmem:s25+$0xFFFFF7C0];
	v29 =	vmax.f32 v21, v1;
	v21 =	vadd.f32 v28, v21;
	v13 =	vmax.f32 v13, $0.0e+00  }
0x144: {  	v17 =	vmax.f32 v17, $0.0e+00;
	v23 =	vsub.f32 v24, v23;
	v24 =	vmin.f32 v34, v3  }
0x145: {  	v27 =	vmin.f32 v35, v4;
	v11 =	vsub.f32 v11, v7;
	v28 =	vmul.f32 v52, v50  }
0x146: {  	v45 =	vld [tilespmem:s25+$0xFFFFF030];
	v15 =	vmax.f32 v15, $0.0e+00;
	v24 =	vsub.f32 v24, v63;
	v27 =	vsub.f32 v27, v33  }
0x147: {  	v48 =	vld [tilespmem:s25+$0xFFFFFFD0];
	v10 =	vmul.f32 v17, v13;
	v17 =	vadd.f32 v20, v5;
	v20 =	vadd.f32 v26, v5  }
0x148: {  	v26 =	vmul.f32 v39, v55;
	v25 =	vmin.f32 v25, v4;
	v21 =	vmin.f32 v21, v3  }
0x149: {  	v23 =	vmax.f32 v23, $0.0e+00;
	v18 =	vadd.f32 v18, v5;
	v11 =	vmax.f32 v11, $9.999999970e-07  }
0x14a: {  	v22 =	vsub.f32 v25, v22;
	v21 =	vsub.f32 v21, v29;
	v25 =	vmul.f32 v62, v31  }
0x14b: {  	v12 =	vmax.f32 v24, $0.0e+00;
	v13 =	vmax.f32 v27, $0.0e+00;
	v17 =	vsub.f32 v17, v8  }
0x14c: {  	v16 =	vsub.f32 v16, v10;
	v11 =	vmul.f32 $5.000000000e-01, v11;
	v27 =	vadd.f32 v48, v45  }
0x14d: {  	v12 =	vmul.f32 v13, v12;
	v13 =	vsub.f32 v14, v9;
	v22 =	vmax.f32 v22, $0.0e+00  }
0x14e: {  	v37 =	vld [tilespmem:s25+$0xFFFFF830];
	v21 =	vmax.f32 v21, $0.0e+00;
	v17 =	vmax.f32 v17, $9.999999970e-07;
	v16 =	vmax.f32 v16, $9.999999970e-07  }
0x14f: {  	v19 =	vld [tilespmem:s25+$0xFFFFE890];
	vm4 =	vge.f32 v7, v11;
	v15 =	vmul.f32 v22, v15;
	v21 =	vmul.f32 v23, v21  }
0x150: {  	v14 =	vld [tilespmem:s25+$0x0];
	v23 =	vadd.f32 v25, v5;
	v13 =	vmax.f32 v13, $9.999999970e-07;
	v17 =	vmul.f32 $5.000000000e-01, v17  }
0x151: {  	v22 =	vld [tilespmem:s25+$0xFFFFF060];
	v16 =	vmul.f32 $5.000000000e-01, v16;
	v13 =	vmul.f32 $5.000000000e-01, v13;
	v18 =	vsub.f32 v18, v15  }
0x152: {  	v40 =	vld [tilespmem:s25+$0xFFFFE830];
	v27 =	vmin.f32 v27, v4;
	v20 =	vsub.f32 v20, v21;
	v23 =	vsub.f32 v23, v12  }
0x153: {  	v42 =	vld [tilespmem:s25+$0xFFFFF7D0];
	vm6 =	vge.f32 v8, v17;
	vm3 =	vge.f32 v10, v16;
	vm5 =	vge.f32 v9, v13  }
0x154: {  	v13 =	vmax.f32 v19, v1;
	v18 =	vmax.f32 v18, $9.999999970e-07;
	v20 =	vmax.f32 v20, $9.999999970e-07  }
0x155: {  	v38 =	vld [tilespmem:s25+$0xFFFFEFF0];
	v23 =	vmax.f32 v23, $9.999999970e-07;
	v8 =	vmul.f32 $5.000000000e-01, v18;
	v17 =	vmul.f32 $5.000000000e-01, v20  }
0x156: {  	v41 =	vld [tilespmem:s25+$0xFFFFF000];
	v7 =	vmul.f32 $5.000000000e-01, v23;
	v11 =	vadd.f32 v14, v22;
	v16 =	vmax.f32 v22, v2  }
0x157: {  	v10 =	vld [tilespmem:s25+$0xFFFFF010];
	v20 =	vmax.f32 v40, v1;
	vm2 =	vge.f32 v15, v8;
	v8 =	vadd.f32 v37, v19  }
0x158: {  	v18 =	vld [tilespmem:s25+$0xFFFFFFA0];
	v14 =	vmul.f32 v14, v37;
	v23 =	vadd.f32 v42, v40;
	vm1 =	vge.f32 v21, v17  }
0x159: {  	v9 =	vld [tilespmem:s25+$0xFFFFE840];
	vm0 =	vge.f32 v12, v7;
	v11 =	vmin.f32 v11, v4;
	v8 =	vmin.f32 v8, v3  }
0x15a: {  	v7 =	vld [tilespmem:s25+$0xFFFFF7E0];
	v12 =	vmax.f32 v38, v2;
	v11 =	vsub.f32 v11, v16;
	v8 =	vsub.f32 v8, v13  }
0x15b: {  	v15 =	vld [tilespmem:s25+$0xFFFFFFB0];
	v17 =	vsel vm6, $0x3F800000, v0;
	v21 =	vmax.f32 v41, v2;
	v23 =	vmin.f32 v23, v3  }
0x15c: {  	v19 =	vld [tilespmem:s25+$0xFFFFF020];
	v47 =	vmax.f32 v10, v2;
	v11 =	vmax.f32 v11, $0.0e+00;
	v8 =	vmax.f32 v8, $0.0e+00  }
0x15d: {  	v49 =	vld [tilespmem:s25+$0xFFFFF040];
	v44 =	vadd.f32 v18, v41;
	v8 =	vmul.f32 v11, v8;
	v11 =	vadd.f32 v14, v5  }
0x15e: {  	v22 =	vld [tilespmem:s25+$0xFFFFF7F0];
	v16 =	vadd.f32 v39, v38;
	v46 =	vmax.f32 v9, v1;
	v20 =	vsub.f32 v23, v20  }
0x15f: {  	v13 =	vld [tilespmem:s25+$0xFFFFE850];
	v18 =	vmul.f32 v18, v42;
	v25 =	vmin.f32 v44, v4;
	v11 =	vsub.f32 v11, v8  }
0x160: {  	s4 =	simm.s32 $0x4700;
	v53 =	vld [tilespmem:s25+$0xFFFFF820];
	v9 =	vadd.f32 v7, v9;
	v10 =	vadd.f32 v15, v10;
	v15 =	vmul.f32 v15, v7  }
0x161: {  	v23 =	vld [tilespmem:s25+$0xFFFFE870];
	[tilespmem:s4+$0xFFFFFF90] =	vst v17;
	v51 =	vmax.f32 v19, v2;
	v17 =	vadd.f32 v18, v5;
	v11 =	vmax.f32 v11, $9.999999970e-07  }
0x162: {  	v18 =	vsel vm4, $0x3F800000, v0;
	v14 =	vmin.f32 v16, v4;
	v16 =	vld [tilespmem:s25+$0xFFFFE860];
	v11 =	vmul.f32 $5.000000000e-01, v11  }
0x163: {  	v21 =	vsub.f32 v25, v21;
	v12 =	vsub.f32 v14, v12;
	v14 =	vld [tilespmem:s25+$0xFFFFF800];
	v9 =	vmin.f32 v9, v3  }
0x164: {  	v7 =	vmax.f32 v13, v1;
	v13 =	vadd.f32 v22, v13;
	vm15 =	vge.f32 v8, v11;
	v11 =	vld [tilespmem:s25+$0xFFFFE880]  }
0x165: {  	v43 =	vld [tilespmem:s25+$0xFFFFFFC0];
	v25 =	vmax.f32 v49, v2;
	v10 =	vmin.f32 v10, v4;
	v9 =	vsub.f32 v9, v46  }
0x166: {  	v60 =	vmax.f32 v12, $0.0e+00;
	v12 =	vmax.f32 v20, $0.0e+00;
	v13 =	vmin.f32 v13, v3  }
0x167: {  	v20 =	vmax.f32 v21, $0.0e+00;
	v9 =	vmax.f32 v9, $0.0e+00;
	v7 =	vsub.f32 v13, v7  }
0x168: {  	v13 =	vadd.f32 v14, v16;
	v54 =	vmul.f32 v48, v14;
	v14 =	vadd.f32 v50, v23  }
0x169: {  	v23 =	vmax.f32 v23, v1;
	v8 =	vsub.f32 v10, v47;
	v56 =	vadd.f32 v53, v11  }
0x16a: {  	v10 =	vadd.f32 v43, v19;
	v19 =	vmul.f32 v43, v22;
	v14 =	vmin.f32 v14, v3  }
0x16b: {  	v14 =	vsub.f32 v14, v23;
	v23 =	vld [tilespmem:s25+$0xFFFFFFF0];
	v11 =	vmax.f32 v11, v1;
	v32 =	vmin.f32 v56, v3  }
0x16c: {  	v22 =	vmax.f32 v16, v1;
	v16 =	vmax.f32 v45, v2;
	v58 =	vsub.f32 v32, v11;
	v11 =	vld [tilespmem:s25+$0xFFFFE820]  }
0x16d: {  	v7 =	vmax.f32 v7, $0.0e+00;
	v13 =	vmin.f32 v13, v3;
	v16 =	vsub.f32 v27, v16  }
0x16e: {  	v10 =	vmin.f32 v10, v4;
	v13 =	vsub.f32 v13, v22;
	v22 =	vadd.f32 v52, v49  }
0x16f: {  	v59 =	vsel vm15, $0x3F800000, v0;
	v8 =	vmax.f32 v8, $0.0e+00;
	v10 =	vsub.f32 v10, v51  }
0x170: {  	v16 =	vmax.f32 v16, $0.0e+00;
	v22 =	vmin.f32 v22, v4;
	v13 =	vmax.f32 v13, $0.0e+00  }
0x171: {  	v21 =	vmul.f32 v23, v53;
	v23 =	vadd.f32 v23, v57;
	v62 =	vadd.f32 v55, v11  }
0x172: {  	v14 =	vmax.f32 v14, $0.0e+00;
	v22 =	vsub.f32 v22, v25;
	v10 =	vmax.f32 v10, $0.0e+00  }
0x173: {  	v23 =	vmin.f32 v23, v4;
	v11 =	vmax.f32 v11, v1;
	v27 =	vmin.f32 v62, v3  }
0x174: {  	v22 =	vmax.f32 v22, $0.0e+00;
	v23 =	vsub.f32 v23, v61;
	v63 =	vsub.f32 v27, v11  }
0x175: {  	v11 =	vmul.f32 v20, v12;
	v20 =	vmax.f32 v58, $0.0e+00;
	v12 =	vmul.f32 v8, v9  }
0x176: {  	v8 =	vmul.f32 v10, v7;
	v7 =	vmax.f32 v23, $0.0e+00;
	v10 =	vmul.f32 v16, v13  }
0x177: {  	[tilespmem:s4+$0x0] =	vst v6;
	v9 =	vmul.f32 v22, v14;
	v16 =	vadd.f32 v26, v5;
	v22 =	vadd.f32 v19, v5  }
0x178: {  	s12 =	simm.s32 $0x4780;
	[tilespmem:s4+$0xFFFFFFB0] =	vst v18;
	v7 =	vmul.f32 v7, v20;
	v20 =	vadd.f32 v15, v5;
	v6 =	vmax.f32 v63, $0.0e+00  }
0x179: {  	[tilespmem:s12+$0x0] =	vst v59;
	v13 =	vadd.f32 v54, v5;
	v19 =	vsel vm3, $0x3F800000, v0;
	v14 =	vmul.f32 v60, v6  }
0x17a: {  	v15 =	vadd.f32 v28, v5;
	[tilespmem:s4+$0xFFFFFFC0] =	vst v19;
	v6 =	vsel vm5, $0x3F800000, v0;
	v19 =	vsub.f32 v20, v12  }
0x17b: {  	s5 =	simm.s32 $0x3820;
	[tilespmem:s4+$0xFFFFFFA0] =	vst v6;
	v6 =	vadd.f32 v21, v5;
	v21 =	vsel vm2, $0x3F800000, v0;
	v18 =	vsub.f32 v16, v14  }
0x17c: {  	s11 =	simm.s32 $0x4E10;
	s13 =	simm.s32 $0x80;
	s25 =	simm.s32 $0x3E30;
	v20 =	vsel vm1, $0x3F800000, v0;
	v16 =	vsub.f32 v17, v11;
	v17 =	vsub.f32 v22, v8;
	[tilespmem:s4+$0xFFFFFFD0] =	vst v21  }
.LBB2_6:
0x17d: {  	v21 =	vld [tilespmem:s5+$0xFFFFE890];
	v18 =	vmax.f32 v18, $9.999999970e-07;
	v13 =	vsub.f32 v13, v10;
	v15 =	vsub.f32 v15, v9;
	[tilespmem:s4+$0xFFFFFFE0] =	vst v20  }
0x17e: {  	v16 =	vmax.f32 v16, $9.999999970e-07;
	v6 =	vsub.f32 v6, v7;
	v20 =	vld [tilespmem:s5+$0xFFFFF060];
	v19 =	vmax.f32 v19, $9.999999970e-07  }
0x17f: {  	v17 =	vmax.f32 v17, $9.999999970e-07;
	v22 =	vld [tilespmem:s5+$0xFFFFF830];
	v13 =	vmax.f32 v13, $9.999999970e-07;
	v15 =	vmax.f32 v15, $9.999999970e-07  }
0x180: {  	s13 =	sadd.s32 $0x80, s13;
	v18 =	vmul.f32 $5.000000000e-01, v18;
	v16 =	vmul.f32 $5.000000000e-01, v16;
	v24 =	vmax.f32 v6, $9.999999970e-07;
	v23 =	vld [tilespmem:s5+$0x0]  }
0x181: {  	v26 =	vsel vm0, $0x3F800000, v0;
	p0 =	slt.u32 s13, $0x700;
	v19 =	vmul.f32 $5.000000000e-01, v19;
	v17 =	vmul.f32 $5.000000000e-01, v17;
	v25 =	vld [tilespmem:s5+$0xFFFFEFF0]  }
0x182: {  	vm6 =	vge.f32 v14, v18;
	v13 =	vmul.f32 $5.000000000e-01, v13;
	v14 =	vmul.f32 $5.000000000e-01, v15;
	v6 =	vld [tilespmem:s5+$0xFFFFF7C0];
	[tilespmem:s4+$0xFFFFFFF0] =	vst v26;
	s4 =	smov.u32 s12  }
0x183: {  	vm5 =	vge.f32 v11, v16;
	v11 =	vmul.f32 $5.000000000e-01, v24;
	vm4 =	vge.f32 v12, v19;
	v15 =	vld [tilespmem:s5+$0xFFFFFF90]  }
0x184: {  	vm3 =	vge.f32 v8, v17;
	vm2 =	vge.f32 v10, v13;
	vm1 =	vge.f32 v9, v14;
	v12 =	vld [tilespmem:s5+$0xFFFFE830]  }
0x185: {  	vm0 =	vge.f32 v7, v11;
	v9 =	vadd.f32 v22, v21;
	v8 =	vld [tilespmem:s5+$0xFFFFF000];
	v10 =	vadd.f32 v23, v20  }
0x186: {  	v14 =	vmax.f32 v21, v1;
	v7 =	vsel vm6, $0x3F800000, v0;
	v11 =	vmax.f32 v25, v2;
	v13 =	vld [tilespmem:s5+$0xFFFFF7D0]  }
0x187: {  	v17 =	vmax.f32 v20, v2;
	v9 =	vmin.f32 v9, v3;
	v16 =	vld [tilespmem:s5+$0xFFFFFFA0];
	v10 =	vmin.f32 v10, v4;
	[tilespmem:s12+$0xFFFFFF90] =	vst v7  }
0x188: {  	v9 =	vsub.f32 v9, v14;
	v7 =	vmul.f32 v15, v6;
	v18 =	vld [tilespmem:s5+$0xFFFFE840];
	v10 =	vsub.f32 v10, v17  }
0x189: {  	v19 =	vmul.f32 v23, v22;
	v14 =	vadd.f32 v15, v25;
	v15 =	vmax.f32 v12, v1;
	v17 =	vld [tilespmem:s5+$0xFFFFF010]  }
0x18a: {  	v9 =	vmax.f32 v9, $0.0e+00;
	v20 =	vmax.f32 v8, v2;
	v21 =	vld [tilespmem:s5+$0xFFFFF7E0];
	v10 =	vmax.f32 v10, $0.0e+00  }
0x18b: {  	v12 =	vadd.f32 v13, v12;
	v22 =	vld [tilespmem:s5+$0xFFFFFFB0];
	v9 =	vmul.f32 v10, v9;
	v10 =	vadd.f32 v19, v5  }
0x18c: {  	v14 =	vmin.f32 v14, v4;
	v8 =	vadd.f32 v16, v8;
	v13 =	vmul.f32 v16, v13;
	v16 =	vld [tilespmem:s5+$0xFFFFE850]  }
0x18d: {  	v12 =	vmin.f32 v12, v3;
	v19 =	vmax.f32 v18, v1;
	v23 =	vld [tilespmem:s5+$0xFFFFF020];
	v10 =	vsub.f32 v10, v9  }
0x18e: {  	v11 =	vsub.f32 v14, v11;
	v8 =	vmin.f32 v8, v4;
	v14 =	vmax.f32 v17, v2;
	v24 =	vld [tilespmem:s5+$0xFFFFF7F0]  }
0x18f: {  	v12 =	vsub.f32 v12, v15;
	v15 =	vadd.f32 v21, v18;
	v18 =	vld [tilespmem:s5+$0xFFFFFFC0];
	v10 =	vmax.f32 v10, $9.999999970e-07  }
0x190: {  	v8 =	vsub.f32 v8, v20;
	v17 =	vadd.f32 v22, v17;
	v20 =	vld [tilespmem:s5+$0xFFFFE860];
	v10 =	vmul.f32 $5.000000000e-01, v10  }
0x191: {  	v21 =	vmul.f32 v22, v21;
	v15 =	vmin.f32 v15, v3;
	v22 =	vmax.f32 v16, v1;
	v25 =	vld [tilespmem:s5+$0xFFFFF030]  }
0x192: {  	v17 =	vmin.f32 v17, v4;
	v26 =	vmax.f32 v23, v2;
	v27 =	vld [tilespmem:s5+$0xFFFFF800];
	vm6 =	vge.f32 v9, v10  }
0x193: {  	s12 =	sadd.s32 $0x80, s12;
	v9 =	vsub.f32 v15, v19;
	v10 =	vadd.f32 v24, v16;
	v15 =	vld [tilespmem:s5+$0xFFFFFFD0];
	v16 =	vsel vm6, $0x3F800000, v0  }
0x194: {  	s14 =	simm.s32 $0x770;
	v14 =	vsub.f32 v17, v14;
	v17 =	vadd.f32 v18, v23;
	v18 =	vmul.f32 v18, v24;
	v19 =	vld [tilespmem:s5+$0xFFFFE870];
	[tilespmem:s12+$0x0] =	vst v16  }
0x195: {  	v16 =	vmax.f32 v11, $0.0e+00;
	v10 =	vmin.f32 v10, v3;
	v11 =	vmax.f32 v20, v1;
	v23 =	vld [tilespmem:s5+$0xFFFFF040]  }
0x196: {  	v17 =	vmin.f32 v17, v4;
	v10 =	vsub.f32 v10, v22;
	v22 =	vmax.f32 v25, v2;
	v24 =	vld [tilespmem:s5+$0xFFFFF810]  }
0x197: {  	v12 =	vmax.f32 v12, $0.0e+00;
	v17 =	vsub.f32 v17, v26;
	v20 =	vadd.f32 v27, v20;
	v26 =	vld [tilespmem:s5+$0xFFFFFFE0]  }
0x198: {  	v8 =	vmax.f32 v8, $0.0e+00;
	v25 =	vadd.f32 v15, v25;
	v15 =	vmul.f32 v15, v27;
	v27 =	vld [tilespmem:s5+$0xFFFFE880]  }
0x199: {  	v9 =	vmax.f32 v9, $0.0e+00;
	v20 =	vmin.f32 v20, v3;
	v28 =	vmax.f32 v19, v1;
	v29 =	vld [tilespmem:s5+$0xFFFFF050]  }
0x19a: {  	v25 =	vmin.f32 v25, v4;
	v11 =	vsub.f32 v20, v11;
	v20 =	vmax.f32 v23, v2;
	v30 =	vld [tilespmem:s5+$0xFFFFF820]  }
0x19b: {  	v14 =	vmax.f32 v14, $0.0e+00;
	v22 =	vsub.f32 v25, v22;
	v19 =	vadd.f32 v24, v19;
	v25 =	vld [tilespmem:s5+$0xFFFFFFF0]  }
0x19c: {  	v10 =	vmax.f32 v10, $0.0e+00;
	v31 =	vld [tilespmem:s5+$0xFFFFE820];
	v23 =	vadd.f32 v26, v23;
	v24 =	vmul.f32 v26, v24  }
0x19d: {  	v17 =	vmax.f32 v17, $0.0e+00;
	v19 =	vmin.f32 v19, v3;
	v26 =	vmax.f32 v27, v1  }
0x19e: {  	v23 =	vmin.f32 v23, v4;
	v19 =	vsub.f32 v19, v28;
	v28 =	vmax.f32 v29, v2  }
0x19f: {  	v32 =	vmax.f32 v11, $0.0e+00;
	v11 =	vsub.f32 v23, v20;
	v20 =	vadd.f32 v30, v27  }
0x1a0: {  	v22 =	vmax.f32 v22, $0.0e+00;
	v23 =	vadd.f32 v25, v29;
	v25 =	vmul.f32 v25, v30  }
0x1a1: {  	v27 =	vmax.f32 v31, v1;
	v6 =	vadd.f32 v6, v31;
	v20 =	vmin.f32 v20, v3  }
0x1a2: {  	v19 =	vmax.f32 v19, $0.0e+00;
	v23 =	vmin.f32 v23, v4;
	v20 =	vsub.f32 v20, v26  }
0x1a3: {  	v26 =	vmax.f32 v11, $0.0e+00;
	v6 =	vmin.f32 v6, v3;
	v23 =	vsub.f32 v23, v28  }
0x1a4: {  	v11 =	vmul.f32 v8, v12;
	v6 =	vsub.f32 v6, v27;
	v20 =	vmax.f32 v20, $0.0e+00  }
0x1a5: {  	v12 =	vmul.f32 v14, v9;
	v8 =	vmul.f32 v17, v10;
	v17 =	vmax.f32 v23, $0.0e+00  }
0x1a6: {  	v10 =	vmul.f32 v22, v32;
	v9 =	vmul.f32 v26, v19;
	v6 =	vmax.f32 v6, $0.0e+00  }
0x1a7: {  	v14 =	vmul.f32 v16, v6;
	v16 =	vadd.f32 v7, v5;
	v7 =	vmul.f32 v17, v20  }
.Ltmp2:
0x1a8: {  	v19 =	vadd.f32 v21, v5;
	v17 =	vadd.f32 v13, v5;
	v6 =	vsel vm5, $0x3F800000, v0;
	(pc) =	sbr.rel @p0 .LBB2_6-.Ltmp2, $4  }
0x1a9: {  	v20 =	vadd.f32 v18, v5;
	v13 =	vadd.f32 v15, v5;
	v18 =	vsel vm4, $0x3F800000, v0;
	[tilespmem:s4+$0xFFFFFFA0] =	vst v6  }
0x1aa: {  	v21 =	vsel vm3, $0x3F800000, v0;
	v15 =	vadd.f32 v24, v5;
	v6 =	vadd.f32 v25, v5;
	[tilespmem:s4+$0xFFFFFFB0] =	vst v18  }
0x1ab: {  	v18 =	vsub.f32 v16, v14;
	v16 =	vsub.f32 v17, v11;
	[tilespmem:s4+$0xFFFFFFC0] =	vst v21;
	v21 =	vsel vm2, $0x3F800000, v0  }
0x1ac: {  	s5 =	sadd.s32 $0x80, s5;
	v19 =	vsub.f32 v19, v12;
	v17 =	vsub.f32 v20, v8;
	v20 =	vsel vm1, $0x3F800000, v0;
	[tilespmem:s4+$0xFFFFFFD0] =	vst v21  }
0x1ad: {  	v18 =	vmax.f32 v18, $9.999999970e-07;
	v13 =	vsub.f32 v13, v10;
	v15 =	vsub.f32 v15, v9  }
0x1ae: {  	v16 =	vmax.f32 v16, $9.999999970e-07;
	v6 =	vsub.f32 v6, v7;
	v56 =	vsel vm0, $0x3F800000, v0  }
0x1af: {  	v19 =	vmax.f32 v19, $9.999999970e-07;
	v17 =	vmax.f32 v17, $9.999999970e-07;
	v18 =	vmul.f32 $5.000000000e-01, v18  }
0x1b0: {  	v16 =	vmul.f32 $5.000000000e-01, v16;
	v13 =	vmax.f32 v13, $9.999999970e-07;
	v15 =	vmax.f32 v15, $9.999999970e-07  }
0x1b1: {  	[tilespmem:s4+$0xFFFFFFE0] =	vst v20;
	v6 =	vmax.f32 v6, $9.999999970e-07;
	v19 =	vmul.f32 $5.000000000e-01, v19;
	vm10 =	vge.f32 v14, v18  }
0x1b2: {  	[tilespmem:s4+$0xFFFFFFF0] =	vst v56;
	v57 =	vmul.f32 $5.000000000e-01, v17;
	vm1 =	vge.f32 v11, v16;
	v58 =	vsel vm10, $0x3F800000, v0  }
0x1b3: {  	v13 =	vmul.f32 $5.000000000e-01, v13;
	vm11 =	vge.f32 v12, v19;
	v59 =	vsel vm1, $0x3F800000, v0;
	[tilespmem:s12+$0xFFFFFF90] =	vst v58  }
0x1b4: {  	v60 =	vmul.f32 $5.000000000e-01, v15;
	vm12 =	vge.f32 v8, v57;
	[tilespmem:s12+$0xFFFFFFA0] =	vst v59;
	v61 =	vsel vm11, $0x3F800000, v0  }
0x1b5: {  	v6 =	vmul.f32 $5.000000000e-01, v6;
	vm13 =	vge.f32 v10, v13;
	v62 =	vsel vm12, $0x3F800000, v0;
	[tilespmem:s12+$0xFFFFFFB0] =	vst v61  }
0x1b6: {  	vm14 =	vge.f32 v9, v60;
	[tilespmem:s12+$0xFFFFFFC0] =	vst v62;
	v63 =	vsel vm13, $0x3F800000, v0  }
0x1b7: {  	vm15 =	vge.f32 v7, v6;
	v6 =	vsel vm14, $0x3F800000, v0;
	[tilespmem:s12+$0xFFFFFFD0] =	vst v63  }
0x1b8: {  	[tilespmem:s12+$0xFFFFFFE0] =	vst v6;
	v6 =	vsel vm15, $0x3F800000, v0  }
0x1b9: {  	[tilespmem:s12+$0xFFFFFFF0] =	vst v6  }
.LBB2_8:
0x1ba: {  	v6 =	vld [tilespmem:s25+$0xFFFFE890]  }
0x1bb: {  	v7 =	vld [tilespmem:s25+$0xFFFFF060]  }
0x1bc: {  	v8 =	vld [tilespmem:s25+$0xFFFFF830]  }
0x1bd: {  	v9 =	vld [tilespmem:s25+$0x0];
	_ =	sdelay $0x4  }
0x1be: {  	v10 =	vadd.f32 v8, v6;
	v11 =	vadd.f32 v9, v7  }
0x1bf: {  	v6 =	vmax.f32 v6, v1  }
0x1c0: {  	v7 =	vmax.f32 v7, v2;
	v10 =	vmin.f32 v10, v3;
	v11 =	vmin.f32 v11, v4  }
0x1c1: {  	v6 =	vsub.f32 v10, v6;
	v7 =	vsub.f32 v11, v7  }
0x1c2: {  	v8 =	vmul.f32 v9, v8  }
0x1c3: {  	v6 =	vmax.f32 v6, $0.0e+00;
	v7 =	vmax.f32 v7, $0.0e+00  }
0x1c4: {  	v6 =	vmul.f32 v7, v6;
	v7 =	vadd.f32 v8, v5;
	_ =	sdelay $0x1  }
0x1c5: {  	v7 =	vsub.f32 v7, v6  }
0x1c6: {  	s14 =	sadd.s32 $0x10, s14  }
0x1c7: {  	p0 =	slt.u32 s14, $0x7C0;
	v7 =	vmax.f32 v7, $9.999999970e-07  }
.Ltmp3:
0x1c8: {  	v7 =	vmul.f32 $5.000000000e-01, v7;
	(pc) =	sbr.rel @p0 .LBB2_8-.Ltmp3, $4  }
0x1c9: {  	_ = 	snop  }
0x1ca: {  	vm0 =	vge.f32 v6, v7  }
0x1cb: {  	v6 =	vsel vm0, $0x3F800000, v0  }
0x1cc: {  	s25 =	sadd.s32 $0x10, s25;
	[tilespmem:s11+$0x0] =	vst v6;
	s11 =	sadd.s32 $0x10, s11  }
0x1cd: {  	s4 =	simm.s32 $0x4690  }
0x1ce: {  	[hbm4b:s24+s1] =	stream.linear.scatter [tilespmem:s4], [sflag:$0x3], $0x7D0, $0x38;
	[tilespmem:$0x65D0] =	vst v63  }
0x1cf: {  	_ =	swait.ge [sflag:s31], $0x7D0  }
0x1d0: {  	[sflag:s31] =	ssyncset.done $0x0  }
0x1d1: {  	[sflag:s31] =	ssyncadd.s32 $0xFFFFF830  }
0x1d2: {  	_ =	swait.ge [sflag:s31], $0x7D0  }
0x1d3: {  	[sflag:s31] =	ssyncset.done $0x0  }
0x1d4: {  	[sflag:s31] =	ssyncadd.s32 $0xFFFFF830  }
0x1d5: {  	_ =	swait.ge [sflag:s31], $0x7D0  }
0x1d6: {  	[sflag:s31] =	ssyncset.done $0x0  }
0x1d7: {  	[sflag:s31] =	ssyncadd.s32 $0xFFFFF830  }
0x1d8: {  	_ =	swait.ge [sflag:s31], $0x7D0  }
0x1d9: {  	[sflag:s31] =	ssyncset.done $0x0  }
0x1da: {  	s11 =	simm.s32 $0x1F40;
	[sflag:s31] =	ssyncadd.s32 $0xFFFFF830  }
0x1db: {  	[tilespmem:s11], [sflag:$0x2] =	stream.linear.gather [hbm4b:s15+s1], $0x7D0, $0x38;
	[tilespmem:$0x65D0] =	vst v63  }
0x1dc: {  	s12 =	simm.s32 $0x2710  }
0x1dd: {  	[tilespmem:s12], [sflag:$0x2] =	stream.linear.gather [hbm4b:s16+s1], $0x7D0, $0x38;
	[tilespmem:$0x65D0] =	vst v63  }
0x1de: {  	s13 =	simm.s32 $0x2EE0  }
0x1df: {  	[tilespmem:s13], [sflag:$0x2] =	stream.linear.gather [hbm4b:s17+s1], $0x7D0, $0x38;
	[tilespmem:$0x65D0] =	vst v63  }
0x1e0: {  	s14 =	simm.s32 $0xFA0  }
0x1e1: {  	[tilespmem:s6], [sflag:$0x2] =	stream.linear.gather [hbm4b:s18+s1], $0x7D0, $0x38;
	[tilespmem:$0x65D0] =	vst v63  }
0x1e2: {  	v6 =	vld [tilespmem:s14+$0xFFFFF0D0]  }
0x1e3: {  	v7 =	vld [tilespmem:s14+$0xFFFFF8A0]  }
0x1e4: {  	v8 =	vld [tilespmem:s14+$0x70]  }
0x1e5: {  	v9 =	vld [tilespmem:s14+$0x840]  }
0x1e6: {  	v10 =	vld [tilespmem:s14+$0xFFFFF830]  }
0x1e7: {  	v11 =	vld [tilespmem:s14+$0x0]  }
0x1e8: {  	v12 =	vld [tilespmem:s14+$0x7D0]  }
0x1e9: {  	v13 =	vld [tilespmem:s14+$0xFFFFF070]  }
0x1ea: {  	v14 =	vld [tilespmem:s14+$0xFFFFF840]  }
0x1eb: {  	v18 =	vld [tilespmem:s14+$0x10]  }
0x1ec: {  	v23 =	vld [tilespmem:s14+$0xFFFFF860]  }
0x1ed: {  	v61 =	vld [tilespmem:s14+$0xFFFFF0C0]  }
0x1ee: {  	v30 =	vld [tilespmem:s14+$0xFFFFF890]  }
0x1ef: {  	v31 =	vld [tilespmem:s14+$0x60]  }
0x1f0: {  	v62 =	vld [tilespmem:s14+$0x830];
	v15 =	vadd.f32 v8, v6  }
0x1f1: {  	v32 =	vld [tilespmem:s14+$0xFFFFF060];
	v16 =	vadd.f32 v9, v7;
	v17 =	vmax.f32 v10, v2;
	v6 =	vmax.f32 v6, v1  }
0x1f2: {  	s25 =	simm.s32 $0x1020;
	v7 =	vmax.f32 v7, v2;
	v20 =	vmul.f32 v12, v11;
	v10 =	vadd.f32 v12, v10  }
0x1f3: {  	v57 =	vld [tilespmem:s25+$0xFFFFF890];
	v12 =	vmax.f32 v13, v1;
	v8 =	vmul.f32 v9, v8;
	v9 =	vmax.f32 v14, v2  }
0x1f4: {  	v13 =	vadd.f32 v18, v13;
	v26 =	vmax.f32 v23, v2;
	v63 =	vmax.f32 v61, v1  }
0x1f5: {  	v33 =	vmax.f32 v30, v2;
	v34 =	vadd.f32 v31, v61;
	v35 =	vadd.f32 v62, v30  }
0x1f6: {  	v19 =	vld [tilespmem:s14+$0x7E0];
	v11 =	vadd.f32 v11, v32;
	v15 =	vmin.f32 v15, v3;
	v16 =	vmin.f32 v16, v4  }
0x1f7: {  	v21 =	vld [tilespmem:s14+$0xFFFFF080];
	v13 =	vmin.f32 v13, v3;
	v6 =	vsub.f32 v15, v6;
	v7 =	vsub.f32 v16, v7  }
0x1f8: {  	v36 =	vmax.f32 v32, v1;
	v61 =	vmax.f32 v57, v2;
	v15 =	vld [tilespmem:s14+$0xFFFFF850];
	v12 =	vsub.f32 v13, v12  }
0x1f9: {  	v11 =	vmin.f32 v11, v3;
	v16 =	vld [tilespmem:s14+$0x20];
	v6 =	vmax.f32 v6, $0.0e+00;
	v7 =	vmax.f32 v7, $0.0e+00  }
0x1fa: {  	v22 =	vld [tilespmem:s14+$0x7F0];
	v11 =	vsub.f32 v11, v36;
	v12 =	vmax.f32 v12, $0.0e+00;
	v6 =	vmul.f32 v7, v6  }
0x1fb: {  	v24 =	vld [tilespmem:s14+$0x30];
	v7 =	vadd.f32 v8, v5;
	v8 =	vmin.f32 v10, v4;
	v10 =	vadd.f32 v19, v14  }
0x1fc: {  	v27 =	vld [tilespmem:s14+$0x40];
	v11 =	vmax.f32 v11, $0.0e+00;
	v14 =	vmul.f32 v19, v18;
	v19 =	vmax.f32 v21, v1  }
0x1fd: {  	v18 =	vld [tilespmem:s14+$0xFFFFF090];
	v8 =	vsub.f32 v8, v17;
	v7 =	vsub.f32 v7, v6;
	v10 =	vmin.f32 v10, v4  }
0x1fe: {  	v59 =	vld [tilespmem:s14+$0xFFFFF880];
	v17 =	vmax.f32 v15, v2;
	v13 =	vadd.f32 v16, v21;
	v14 =	vadd.f32 v14, v5  }
0x1ff: {  	v21 =	vld [tilespmem:s14+$0x800];
	v16 =	vmul.f32 v22, v16;
	v9 =	vsub.f32 v10, v9;
	v10 =	vadd.f32 v22, v15  }
0x200: {  	v60 =	vld [tilespmem:s14+$0x820];
	v8 =	vmax.f32 v8, $0.0e+00;
	v7 =	vmax.f32 v7, $9.999999970e-07;
	v13 =	vmin.f32 v13, v3  }
0x201: {  	v15 =	vld [tilespmem:s14+$0xFFFFF0A0];
	v8 =	vmul.f32 v8, v11;
	v11 =	vadd.f32 v16, v5;
	v7 =	vmul.f32 $5.000000000e-01, v7  }
0x202: {  	v22 =	vmax.f32 v18, v1;
	v10 =	vmin.f32 v10, v4;
	v9 =	vmax.f32 v9, $0.0e+00  }
0x203: {  	v10 =	vsub.f32 v10, v17;
	vm0 =	vge.f32 v6, v7;
	v7 =	vsub.f32 v13, v19  }
0x204: {  	v25 =	vld [tilespmem:s14+$0xFFFFF870];
	v9 =	vmul.f32 v9, v12;
	v13 =	vadd.f32 v24, v18;
	v17 =	vadd.f32 v21, v23  }
0x205: {  	v28 =	vld [tilespmem:s14+$0x50];
	v19 =	vmul.f32 v21, v24;
	v24 =	vadd.f32 v60, v59;
	v6 =	vsel vm0, $0x3F800000, v0  }
0x206: {  	v18 =	vld [tilespmem:s14+$0x810];
	v23 =	vmax.f32 v15, v1;
	v15 =	vadd.f32 v27, v15;
	v10 =	vmax.f32 v10, $0.0e+00  }
0x207: {  	v21 =	vld [tilespmem:s14+$0xFFFFF0B0];
	v13 =	vmin.f32 v13, v3;
	v17 =	vmin.f32 v17, v4;
	v7 =	vmax.f32 v7, $0.0e+00  }
0x208: {  	v50 =	vld [tilespmem:s25+$0x50];
	v24 =	vmin.f32 v24, v4;
	v16 =	vadd.f32 v19, v5;
	v13 =	vsub.f32 v13, v22  }
0x209: {  	v52 =	vld [tilespmem:s25+$0x820];
	v22 =	vmax.f32 v25, v2;
	v17 =	vsub.f32 v17, v26;
	v15 =	vmin.f32 v15, v3  }
0x20a: {  	v26 =	vmul.f32 v60, v28;
	v7 =	vmul.f32 v10, v7;
	v15 =	vsub.f32 v15, v23  }
0x20b: {  	v39 =	vld [tilespmem:s25+$0x7D0];
	v23 =	vmax.f32 v59, v2;
	v25 =	vadd.f32 v18, v25;
	v18 =	vmul.f32 v18, v27  }
0x20c: {  	v55 =	vld [tilespmem:s25+$0x0];
	v29 =	vmax.f32 v21, v1;
	v21 =	vadd.f32 v28, v21;
	v13 =	vmax.f32 v13, $0.0e+00  }
0x20d: {  	v17 =	vmax.f32 v17, $0.0e+00;
	v23 =	vsub.f32 v24, v23;
	v24 =	vmin.f32 v34, v3  }
0x20e: {  	v27 =	vmin.f32 v35, v4;
	v11 =	vsub.f32 v11, v7;
	v28 =	vmul.f32 v52, v50  }
0x20f: {  	v45 =	vld [tilespmem:s25+$0xFFFFF870];
	v15 =	vmax.f32 v15, $0.0e+00;
	v24 =	vsub.f32 v24, v63;
	v27 =	vsub.f32 v27, v33  }
0x210: {  	v48 =	vld [tilespmem:s25+$0x810];
	v10 =	vmul.f32 v17, v13;
	v17 =	vadd.f32 v20, v5;
	v20 =	vadd.f32 v26, v5  }
0x211: {  	v26 =	vmul.f32 v39, v55;
	v25 =	vmin.f32 v25, v4;
	v21 =	vmin.f32 v21, v3  }
0x212: {  	v23 =	vmax.f32 v23, $0.0e+00;
	v18 =	vadd.f32 v18, v5;
	v11 =	vmax.f32 v11, $9.999999970e-07  }
0x213: {  	v22 =	vsub.f32 v25, v22;
	v21 =	vsub.f32 v21, v29;
	v25 =	vmul.f32 v62, v31  }
0x214: {  	v12 =	vmax.f32 v24, $0.0e+00;
	v13 =	vmax.f32 v27, $0.0e+00;
	v17 =	vsub.f32 v17, v8  }
0x215: {  	v16 =	vsub.f32 v16, v10;
	v11 =	vmul.f32 $5.000000000e-01, v11;
	v27 =	vadd.f32 v48, v45  }
0x216: {  	v12 =	vmul.f32 v13, v12;
	v13 =	vsub.f32 v14, v9;
	v22 =	vmax.f32 v22, $0.0e+00  }
0x217: {  	v37 =	vld [tilespmem:s25+$0x70];
	v21 =	vmax.f32 v21, $0.0e+00;
	v17 =	vmax.f32 v17, $9.999999970e-07;
	v16 =	vmax.f32 v16, $9.999999970e-07  }
0x218: {  	v19 =	vld [tilespmem:s25+$0xFFFFF0D0];
	vm4 =	vge.f32 v7, v11;
	v15 =	vmul.f32 v22, v15;
	v21 =	vmul.f32 v23, v21  }
0x219: {  	v14 =	vld [tilespmem:s25+$0x840];
	v23 =	vadd.f32 v25, v5;
	v13 =	vmax.f32 v13, $9.999999970e-07;
	v17 =	vmul.f32 $5.000000000e-01, v17  }
0x21a: {  	v22 =	vld [tilespmem:s25+$0xFFFFF8A0];
	v16 =	vmul.f32 $5.000000000e-01, v16;
	v13 =	vmul.f32 $5.000000000e-01, v13;
	v18 =	vsub.f32 v18, v15  }
0x21b: {  	v40 =	vld [tilespmem:s25+$0xFFFFF070];
	v27 =	vmin.f32 v27, v4;
	v20 =	vsub.f32 v20, v21;
	v23 =	vsub.f32 v23, v12  }
0x21c: {  	v42 =	vld [tilespmem:s25+$0x10];
	vm6 =	vge.f32 v8, v17;
	vm3 =	vge.f32 v10, v16;
	vm5 =	vge.f32 v9, v13  }
0x21d: {  	v13 =	vmax.f32 v19, v1;
	v18 =	vmax.f32 v18, $9.999999970e-07;
	v20 =	vmax.f32 v20, $9.999999970e-07  }
0x21e: {  	v38 =	vld [tilespmem:s25+$0xFFFFF830];
	v23 =	vmax.f32 v23, $9.999999970e-07;
	v8 =	vmul.f32 $5.000000000e-01, v18;
	v17 =	vmul.f32 $5.000000000e-01, v20  }
0x21f: {  	v41 =	vld [tilespmem:s25+$0xFFFFF840];
	v7 =	vmul.f32 $5.000000000e-01, v23;
	v11 =	vadd.f32 v14, v22;
	v16 =	vmax.f32 v22, v2  }
0x220: {  	v10 =	vld [tilespmem:s25+$0xFFFFF850];
	v20 =	vmax.f32 v40, v1;
	vm2 =	vge.f32 v15, v8;
	v8 =	vadd.f32 v37, v19  }
0x221: {  	v18 =	vld [tilespmem:s25+$0x7E0];
	v14 =	vmul.f32 v14, v37;
	v23 =	vadd.f32 v42, v40;
	vm1 =	vge.f32 v21, v17  }
0x222: {  	v9 =	vld [tilespmem:s25+$0xFFFFF080];
	vm0 =	vge.f32 v12, v7;
	v11 =	vmin.f32 v11, v4;
	v8 =	vmin.f32 v8, v3  }
0x223: {  	v7 =	vld [tilespmem:s25+$0x20];
	v12 =	vmax.f32 v38, v2;
	v11 =	vsub.f32 v11, v16;
	v8 =	vsub.f32 v8, v13  }
0x224: {  	v15 =	vld [tilespmem:s25+$0x7F0];
	v17 =	vsel vm6, $0x3F800000, v0;
	v21 =	vmax.f32 v41, v2;
	v23 =	vmin.f32 v23, v3  }
0x225: {  	v19 =	vld [tilespmem:s25+$0xFFFFF860];
	v47 =	vmax.f32 v10, v2;
	v11 =	vmax.f32 v11, $0.0e+00;
	v8 =	vmax.f32 v8, $0.0e+00  }
0x226: {  	v49 =	vld [tilespmem:s25+$0xFFFFF880];
	v44 =	vadd.f32 v18, v41;
	v8 =	vmul.f32 v11, v8;
	v11 =	vadd.f32 v14, v5  }
0x227: {  	v22 =	vld [tilespmem:s25+$0x30];
	v16 =	vadd.f32 v39, v38;
	v46 =	vmax.f32 v9, v1;
	v20 =	vsub.f32 v23, v20  }
0x228: {  	v13 =	vld [tilespmem:s25+$0xFFFFF090];
	v18 =	vmul.f32 v18, v42;
	v25 =	vmin.f32 v44, v4;
	v11 =	vsub.f32 v11, v8  }
0x229: {  	s4 =	simm.s32 $0x4ED0;
	v53 =	vld [tilespmem:s25+$0x60];
	v9 =	vadd.f32 v7, v9;
	v10 =	vadd.f32 v15, v10;
	v15 =	vmul.f32 v15, v7  }
0x22a: {  	v23 =	vld [tilespmem:s25+$0xFFFFF0B0];
	[tilespmem:s4+$0xFFFFFF90] =	vst v17;
	v51 =	vmax.f32 v19, v2;
	v17 =	vadd.f32 v18, v5;
	v11 =	vmax.f32 v11, $9.999999970e-07  }
0x22b: {  	v18 =	vsel vm4, $0x3F800000, v0;
	v14 =	vmin.f32 v16, v4;
	v16 =	vld [tilespmem:s25+$0xFFFFF0A0];
	v11 =	vmul.f32 $5.000000000e-01, v11  }
0x22c: {  	v21 =	vsub.f32 v25, v21;
	v12 =	vsub.f32 v14, v12;
	v14 =	vld [tilespmem:s25+$0x40];
	v9 =	vmin.f32 v9, v3  }
0x22d: {  	v7 =	vmax.f32 v13, v1;
	v13 =	vadd.f32 v22, v13;
	vm15 =	vge.f32 v8, v11;
	v11 =	vld [tilespmem:s25+$0xFFFFF0C0]  }
0x22e: {  	v43 =	vld [tilespmem:s25+$0x800];
	v25 =	vmax.f32 v49, v2;
	v10 =	vmin.f32 v10, v4;
	v9 =	vsub.f32 v9, v46  }
0x22f: {  	v60 =	vmax.f32 v12, $0.0e+00;
	v12 =	vmax.f32 v20, $0.0e+00;
	v13 =	vmin.f32 v13, v3  }
0x230: {  	v20 =	vmax.f32 v21, $0.0e+00;
	v9 =	vmax.f32 v9, $0.0e+00;
	v7 =	vsub.f32 v13, v7  }
0x231: {  	v13 =	vadd.f32 v14, v16;
	v54 =	vmul.f32 v48, v14;
	v14 =	vadd.f32 v50, v23  }
0x232: {  	v23 =	vmax.f32 v23, v1;
	v8 =	vsub.f32 v10, v47;
	v56 =	vadd.f32 v53, v11  }
0x233: {  	v10 =	vadd.f32 v43, v19;
	v19 =	vmul.f32 v43, v22;
	v14 =	vmin.f32 v14, v3  }
0x234: {  	v14 =	vsub.f32 v14, v23;
	v23 =	vld [tilespmem:s25+$0x830];
	v11 =	vmax.f32 v11, v1;
	v32 =	vmin.f32 v56, v3  }
0x235: {  	v22 =	vmax.f32 v16, v1;
	v16 =	vmax.f32 v45, v2;
	v58 =	vsub.f32 v32, v11;
	v11 =	vld [tilespmem:s25+$0xFFFFF060]  }
0x236: {  	v7 =	vmax.f32 v7, $0.0e+00;
	v13 =	vmin.f32 v13, v3;
	v16 =	vsub.f32 v27, v16  }
0x237: {  	v10 =	vmin.f32 v10, v4;
	v13 =	vsub.f32 v13, v22;
	v22 =	vadd.f32 v52, v49  }
0x238: {  	v59 =	vsel vm15, $0x3F800000, v0;
	v8 =	vmax.f32 v8, $0.0e+00;
	v10 =	vsub.f32 v10, v51  }
0x239: {  	v16 =	vmax.f32 v16, $0.0e+00;
	v22 =	vmin.f32 v22, v4;
	v13 =	vmax.f32 v13, $0.0e+00  }
0x23a: {  	v21 =	vmul.f32 v23, v53;
	v23 =	vadd.f32 v23, v57;
	v62 =	vadd.f32 v55, v11  }
0x23b: {  	v14 =	vmax.f32 v14, $0.0e+00;
	v22 =	vsub.f32 v22, v25;
	v10 =	vmax.f32 v10, $0.0e+00  }
0x23c: {  	v23 =	vmin.f32 v23, v4;
	v11 =	vmax.f32 v11, v1;
	v27 =	vmin.f32 v62, v3  }
0x23d: {  	v22 =	vmax.f32 v22, $0.0e+00;
	v23 =	vsub.f32 v23, v61;
	v63 =	vsub.f32 v27, v11  }
0x23e: {  	v11 =	vmul.f32 v20, v12;
	v20 =	vmax.f32 v58, $0.0e+00;
	v12 =	vmul.f32 v8, v9  }
0x23f: {  	v8 =	vmul.f32 v10, v7;
	v7 =	vmax.f32 v23, $0.0e+00;
	v10 =	vmul.f32 v16, v13  }
0x240: {  	[tilespmem:s4+$0x0] =	vst v6;
	v9 =	vmul.f32 v22, v14;
	v16 =	vadd.f32 v26, v5;
	v22 =	vadd.f32 v19, v5  }
0x241: {  	s12 =	simm.s32 $0x4F50;
	[tilespmem:s4+$0xFFFFFFB0] =	vst v18;
	v7 =	vmul.f32 v7, v20;
	v20 =	vadd.f32 v15, v5;
	v6 =	vmax.f32 v63, $0.0e+00  }
0x242: {  	[tilespmem:s12+$0x0] =	vst v59;
	v13 =	vadd.f32 v54, v5;
	v19 =	vsel vm3, $0x3F800000, v0;
	v14 =	vmul.f32 v60, v6  }
0x243: {  	v15 =	vadd.f32 v28, v5;
	[tilespmem:s4+$0xFFFFFFC0] =	vst v19;
	v6 =	vsel vm5, $0x3F800000, v0;
	v19 =	vsub.f32 v20, v12  }
0x244: {  	[tilespmem:s4+$0xFFFFFFA0] =	vst v6;
	v6 =	vadd.f32 v21, v5;
	v21 =	vsel vm2, $0x3F800000, v0;
	v18 =	vsub.f32 v16, v14  }
0x245: {  	s5 =	simm.s32 $0x10A0;
	s11 =	simm.s32 $0x55E0;
	s13 =	simm.s32 $0x80;
	v20 =	vsel vm1, $0x3F800000, v0;
	v16 =	vsub.f32 v17, v11;
	v17 =	vsub.f32 v22, v8;
	[tilespmem:s4+$0xFFFFFFD0] =	vst v21  }
.LBB2_10:
0x246: {  	v21 =	vld [tilespmem:s5+$0xFFFFF0D0];
	v18 =	vmax.f32 v18, $9.999999970e-07;
	v13 =	vsub.f32 v13, v10;
	v15 =	vsub.f32 v15, v9;
	[tilespmem:s4+$0xFFFFFFE0] =	vst v20  }
0x247: {  	v16 =	vmax.f32 v16, $9.999999970e-07;
	v6 =	vsub.f32 v6, v7;
	v20 =	vld [tilespmem:s5+$0xFFFFF8A0];
	v19 =	vmax.f32 v19, $9.999999970e-07  }
0x248: {  	v17 =	vmax.f32 v17, $9.999999970e-07;
	v22 =	vld [tilespmem:s5+$0x70];
	v13 =	vmax.f32 v13, $9.999999970e-07;
	v15 =	vmax.f32 v15, $9.999999970e-07  }
0x249: {  	s13 =	sadd.s32 $0x80, s13;
	v18 =	vmul.f32 $5.000000000e-01, v18;
	v16 =	vmul.f32 $5.000000000e-01, v16;
	v24 =	vmax.f32 v6, $9.999999970e-07;
	v23 =	vld [tilespmem:s5+$0x840]  }
0x24a: {  	v26 =	vsel vm0, $0x3F800000, v0;
	p0 =	slt.u32 s13, $0x700;
	v19 =	vmul.f32 $5.000000000e-01, v19;
	v17 =	vmul.f32 $5.000000000e-01, v17;
	v25 =	vld [tilespmem:s5+$0xFFFFF830]  }
0x24b: {  	vm6 =	vge.f32 v14, v18;
	v13 =	vmul.f32 $5.000000000e-01, v13;
	v14 =	vmul.f32 $5.000000000e-01, v15;
	v6 =	vld [tilespmem:s5+$0x0];
	[tilespmem:s4+$0xFFFFFFF0] =	vst v26;
	s4 =	smov.u32 s12  }
0x24c: {  	vm5 =	vge.f32 v11, v16;
	v11 =	vmul.f32 $5.000000000e-01, v24;
	vm4 =	vge.f32 v12, v19;
	v15 =	vld [tilespmem:s5+$0x7D0]  }
0x24d: {  	vm3 =	vge.f32 v8, v17;
	vm2 =	vge.f32 v10, v13;
	vm1 =	vge.f32 v9, v14;
	v12 =	vld [tilespmem:s5+$0xFFFFF070]  }
0x24e: {  	vm0 =	vge.f32 v7, v11;
	v9 =	vadd.f32 v22, v21;
	v8 =	vld [tilespmem:s5+$0xFFFFF840];
	v10 =	vadd.f32 v23, v20  }
0x24f: {  	v14 =	vmax.f32 v21, v1;
	v7 =	vsel vm6, $0x3F800000, v0;
	v11 =	vmax.f32 v25, v2;
	v13 =	vld [tilespmem:s5+$0x10]  }
0x250: {  	v17 =	vmax.f32 v20, v2;
	v9 =	vmin.f32 v9, v3;
	v16 =	vld [tilespmem:s5+$0x7E0];
	v10 =	vmin.f32 v10, v4;
	[tilespmem:s12+$0xFFFFFF90] =	vst v7  }
0x251: {  	v9 =	vsub.f32 v9, v14;
	v7 =	vmul.f32 v15, v6;
	v18 =	vld [tilespmem:s5+$0xFFFFF080];
	v10 =	vsub.f32 v10, v17  }
0x252: {  	v19 =	vmul.f32 v23, v22;
	v14 =	vadd.f32 v15, v25;
	v15 =	vmax.f32 v12, v1;
	v17 =	vld [tilespmem:s5+$0xFFFFF850]  }
0x253: {  	v9 =	vmax.f32 v9, $0.0e+00;
	v20 =	vmax.f32 v8, v2;
	v21 =	vld [tilespmem:s5+$0x20];
	v10 =	vmax.f32 v10, $0.0e+00  }
0x254: {  	v12 =	vadd.f32 v13, v12;
	v22 =	vld [tilespmem:s5+$0x7F0];
	v9 =	vmul.f32 v10, v9;
	v10 =	vadd.f32 v19, v5  }
0x255: {  	v14 =	vmin.f32 v14, v4;
	v8 =	vadd.f32 v16, v8;
	v13 =	vmul.f32 v16, v13;
	v16 =	vld [tilespmem:s5+$0xFFFFF090]  }
0x256: {  	v12 =	vmin.f32 v12, v3;
	v19 =	vmax.f32 v18, v1;
	v23 =	vld [tilespmem:s5+$0xFFFFF860];
	v10 =	vsub.f32 v10, v9  }
0x257: {  	v11 =	vsub.f32 v14, v11;
	v8 =	vmin.f32 v8, v4;
	v14 =	vmax.f32 v17, v2;
	v24 =	vld [tilespmem:s5+$0x30]  }
0x258: {  	v12 =	vsub.f32 v12, v15;
	v15 =	vadd.f32 v21, v18;
	v18 =	vld [tilespmem:s5+$0x800];
	v10 =	vmax.f32 v10, $9.999999970e-07  }
0x259: {  	v8 =	vsub.f32 v8, v20;
	v17 =	vadd.f32 v22, v17;
	v20 =	vld [tilespmem:s5+$0xFFFFF0A0];
	v10 =	vmul.f32 $5.000000000e-01, v10  }
0x25a: {  	v21 =	vmul.f32 v22, v21;
	v15 =	vmin.f32 v15, v3;
	v22 =	vmax.f32 v16, v1;
	v25 =	vld [tilespmem:s5+$0xFFFFF870]  }
0x25b: {  	v17 =	vmin.f32 v17, v4;
	v26 =	vmax.f32 v23, v2;
	v27 =	vld [tilespmem:s5+$0x40];
	vm6 =	vge.f32 v9, v10  }
0x25c: {  	s12 =	sadd.s32 $0x80, s12;
	v9 =	vsub.f32 v15, v19;
	v10 =	vadd.f32 v24, v16;
	v15 =	vld [tilespmem:s5+$0x810];
	v16 =	vsel vm6, $0x3F800000, v0  }
0x25d: {  	s14 =	simm.s32 $0x770;
	s25 =	simm.s32 $0x1720;
	v14 =	vsub.f32 v17, v14;
	v17 =	vadd.f32 v18, v23;
	v18 =	vmul.f32 v18, v24;
	v19 =	vld [tilespmem:s5+$0xFFFFF0B0];
	[tilespmem:s12+$0x0] =	vst v16  }
0x25e: {  	v16 =	vmax.f32 v11, $0.0e+00;
	v10 =	vmin.f32 v10, v3;
	v11 =	vmax.f32 v20, v1;
	v23 =	vld [tilespmem:s5+$0xFFFFF880]  }
0x25f: {  	v17 =	vmin.f32 v17, v4;
	v10 =	vsub.f32 v10, v22;
	v22 =	vmax.f32 v25, v2;
	v24 =	vld [tilespmem:s5+$0x50]  }
0x260: {  	v12 =	vmax.f32 v12, $0.0e+00;
	v17 =	vsub.f32 v17, v26;
	v20 =	vadd.f32 v27, v20;
	v26 =	vld [tilespmem:s5+$0x820]  }
0x261: {  	v8 =	vmax.f32 v8, $0.0e+00;
	v25 =	vadd.f32 v15, v25;
	v15 =	vmul.f32 v15, v27;
	v27 =	vld [tilespmem:s5+$0xFFFFF0C0]  }
0x262: {  	v9 =	vmax.f32 v9, $0.0e+00;
	v20 =	vmin.f32 v20, v3;
	v28 =	vmax.f32 v19, v1;
	v29 =	vld [tilespmem:s5+$0xFFFFF890]  }
0x263: {  	v25 =	vmin.f32 v25, v4;
	v11 =	vsub.f32 v20, v11;
	v20 =	vmax.f32 v23, v2;
	v30 =	vld [tilespmem:s5+$0x60]  }
0x264: {  	v14 =	vmax.f32 v14, $0.0e+00;
	v22 =	vsub.f32 v25, v22;
	v19 =	vadd.f32 v24, v19;
	v25 =	vld [tilespmem:s5+$0x830]  }
0x265: {  	v10 =	vmax.f32 v10, $0.0e+00;
	v31 =	vld [tilespmem:s5+$0xFFFFF060];
	v23 =	vadd.f32 v26, v23;
	v24 =	vmul.f32 v26, v24  }
0x266: {  	v17 =	vmax.f32 v17, $0.0e+00;
	v19 =	vmin.f32 v19, v3;
	v26 =	vmax.f32 v27, v1  }
0x267: {  	v23 =	vmin.f32 v23, v4;
	v19 =	vsub.f32 v19, v28;
	v28 =	vmax.f32 v29, v2  }
0x268: {  	v32 =	vmax.f32 v11, $0.0e+00;
	v11 =	vsub.f32 v23, v20;
	v20 =	vadd.f32 v30, v27  }
0x269: {  	v22 =	vmax.f32 v22, $0.0e+00;
	v23 =	vadd.f32 v25, v29;
	v25 =	vmul.f32 v25, v30  }
0x26a: {  	v27 =	vmax.f32 v31, v1;
	v6 =	vadd.f32 v6, v31;
	v20 =	vmin.f32 v20, v3  }
0x26b: {  	v19 =	vmax.f32 v19, $0.0e+00;
	v23 =	vmin.f32 v23, v4;
	v20 =	vsub.f32 v20, v26  }
0x26c: {  	v26 =	vmax.f32 v11, $0.0e+00;
	v6 =	vmin.f32 v6, v3;
	v23 =	vsub.f32 v23, v28  }
0x26d: {  	v11 =	vmul.f32 v8, v12;
	v6 =	vsub.f32 v6, v27;
	v20 =	vmax.f32 v20, $0.0e+00  }
0x26e: {  	v12 =	vmul.f32 v14, v9;
	v8 =	vmul.f32 v17, v10;
	v17 =	vmax.f32 v23, $0.0e+00  }
0x26f: {  	v10 =	vmul.f32 v22, v32;
	v9 =	vmul.f32 v26, v19;
	v6 =	vmax.f32 v6, $0.0e+00  }
0x270: {  	v14 =	vmul.f32 v16, v6;
	v16 =	vadd.f32 v7, v5;
	v7 =	vmul.f32 v17, v20  }
.Ltmp4:
0x271: {  	v19 =	vadd.f32 v21, v5;
	v17 =	vadd.f32 v13, v5;
	v6 =	vsel vm5, $0x3F800000, v0;
	(pc) =	sbr.rel @p0 .LBB2_10-.Ltmp4, $4  }
0x272: {  	v20 =	vadd.f32 v18, v5;
	v13 =	vadd.f32 v15, v5;
	v18 =	vsel vm4, $0x3F800000, v0;
	[tilespmem:s4+$0xFFFFFFA0] =	vst v6  }
0x273: {  	v21 =	vsel vm3, $0x3F800000, v0;
	v15 =	vadd.f32 v24, v5;
	v6 =	vadd.f32 v25, v5;
	[tilespmem:s4+$0xFFFFFFB0] =	vst v18  }
0x274: {  	v18 =	vsub.f32 v16, v14;
	v16 =	vsub.f32 v17, v11;
	[tilespmem:s4+$0xFFFFFFC0] =	vst v21;
	v21 =	vsel vm2, $0x3F800000, v0  }
0x275: {  	s5 =	sadd.s32 $0x80, s5;
	v19 =	vsub.f32 v19, v12;
	v17 =	vsub.f32 v20, v8;
	v20 =	vsel vm1, $0x3F800000, v0;
	[tilespmem:s4+$0xFFFFFFD0] =	vst v21  }
0x276: {  	v18 =	vmax.f32 v18, $9.999999970e-07;
	v13 =	vsub.f32 v13, v10;
	v15 =	vsub.f32 v15, v9  }
0x277: {  	v16 =	vmax.f32 v16, $9.999999970e-07;
	v6 =	vsub.f32 v6, v7;
	v56 =	vsel vm0, $0x3F800000, v0  }
0x278: {  	v19 =	vmax.f32 v19, $9.999999970e-07;
	v17 =	vmax.f32 v17, $9.999999970e-07;
	v18 =	vmul.f32 $5.000000000e-01, v18  }
0x279: {  	v16 =	vmul.f32 $5.000000000e-01, v16;
	v13 =	vmax.f32 v13, $9.999999970e-07;
	v15 =	vmax.f32 v15, $9.999999970e-07  }
0x27a: {  	[tilespmem:s4+$0xFFFFFFE0] =	vst v20;
	v6 =	vmax.f32 v6, $9.999999970e-07;
	v19 =	vmul.f32 $5.000000000e-01, v19;
	vm10 =	vge.f32 v14, v18  }
0x27b: {  	[tilespmem:s4+$0xFFFFFFF0] =	vst v56;
	v57 =	vmul.f32 $5.000000000e-01, v17;
	vm1 =	vge.f32 v11, v16;
	v58 =	vsel vm10, $0x3F800000, v0  }
0x27c: {  	v13 =	vmul.f32 $5.000000000e-01, v13;
	vm11 =	vge.f32 v12, v19;
	v59 =	vsel vm1, $0x3F800000, v0;
	[tilespmem:s12+$0xFFFFFF90] =	vst v58  }
0x27d: {  	v60 =	vmul.f32 $5.000000000e-01, v15;
	vm12 =	vge.f32 v8, v57;
	[tilespmem:s12+$0xFFFFFFA0] =	vst v59;
	v61 =	vsel vm11, $0x3F800000, v0  }
0x27e: {  	v6 =	vmul.f32 $5.000000000e-01, v6;
	vm13 =	vge.f32 v10, v13;
	v62 =	vsel vm12, $0x3F800000, v0;
	[tilespmem:s12+$0xFFFFFFB0] =	vst v61  }
0x27f: {  	vm14 =	vge.f32 v9, v60;
	[tilespmem:s12+$0xFFFFFFC0] =	vst v62;
	v63 =	vsel vm13, $0x3F800000, v0  }
0x280: {  	vm15 =	vge.f32 v7, v6;
	v6 =	vsel vm14, $0x3F800000, v0;
	[tilespmem:s12+$0xFFFFFFD0] =	vst v63  }
0x281: {  	[tilespmem:s12+$0xFFFFFFE0] =	vst v6;
	v6 =	vsel vm15, $0x3F800000, v0  }
0x282: {  	[tilespmem:s12+$0xFFFFFFF0] =	vst v6  }
.LBB2_12:
0x283: {  	v6 =	vld [tilespmem:s25+$0xFFFFF060]  }
0x284: {  	v7 =	vld [tilespmem:s25+$0xFFFFF830]  }
0x285: {  	v8 =	vld [tilespmem:s25+$0x0]  }
0x286: {  	v9 =	vld [tilespmem:s25+$0x7D0];
	_ =	sdelay $0x4  }
0x287: {  	v10 =	vadd.f32 v8, v6;
	v11 =	vadd.f32 v9, v7  }
0x288: {  	v6 =	vmax.f32 v6, v1  }
0x289: {  	v7 =	vmax.f32 v7, v2;
	v10 =	vmin.f32 v10, v3;
	v11 =	vmin.f32 v11, v4  }
0x28a: {  	v6 =	vsub.f32 v10, v6;
	v7 =	vsub.f32 v11, v7  }
0x28b: {  	v8 =	vmul.f32 v9, v8  }
0x28c: {  	v6 =	vmax.f32 v6, $0.0e+00;
	v7 =	vmax.f32 v7, $0.0e+00  }
0x28d: {  	v6 =	vmul.f32 v7, v6;
	v7 =	vadd.f32 v8, v5;
	_ =	sdelay $0x1  }
0x28e: {  	v7 =	vsub.f32 v7, v6  }
0x28f: {  	s14 =	sadd.s32 $0x10, s14  }
0x290: {  	p0 =	slt.u32 s14, $0x7C0;
	v7 =	vmax.f32 v7, $9.999999970e-07  }
.Ltmp5:
0x291: {  	v7 =	vmul.f32 $5.000000000e-01, v7;
	(pc) =	sbr.rel @p0 .LBB2_12-.Ltmp5, $4  }
0x292: {  	_ = 	snop  }
0x293: {  	vm0 =	vge.f32 v6, v7  }
0x294: {  	v6 =	vsel vm0, $0x3F800000, v0  }
0x295: {  	s25 =	sadd.s32 $0x10, s25;
	[tilespmem:s11+$0x0] =	vst v6;
	s11 =	sadd.s32 $0x10, s11  }
0x296: {  	s4 =	simm.s32 $0x4E60  }
0x297: {  	[hbm4b:s26+s1] =	stream.linear.scatter [tilespmem:s4], [sflag:$0x3], $0x7D0, $0x38;
	[tilespmem:$0x65D0] =	vst v63  }
0x298: {  	_ =	swait.ge [sflag:s7], $0x7D0  }
0x299: {  	[sflag:s7] =	ssyncset.done $0x0  }
0x29a: {  	[sflag:s7] =	ssyncadd.s32 $0xFFFFF830  }
0x29b: {  	_ =	swait.ge [sflag:s7], $0x7D0  }
0x29c: {  	[sflag:s7] =	ssyncset.done $0x0  }
0x29d: {  	[sflag:s7] =	ssyncadd.s32 $0xFFFFF830  }
0x29e: {  	_ =	swait.ge [sflag:s7], $0x7D0  }
0x29f: {  	[sflag:s7] =	ssyncset.done $0x0  }
0x2a0: {  	[sflag:s7] =	ssyncadd.s32 $0xFFFFF830  }
0x2a1: {  	_ =	swait.ge [sflag:s7], $0x7D0  }
0x2a2: {  	[sflag:s7] =	ssyncset.done $0x0  }
0x2a3: {  	[sflag:s7] =	ssyncadd.s32 $0xFFFFF830  }
0x2a4: {  	[tilespmem:s1], [sflag:$0x1] =	stream.linear.gather [hbm4b:s19+s1], $0x7D0, $0x38;
	[tilespmem:$0x65D0] =	vst v63  }
0x2a5: {  	_ = 	snop  }
0x2a6: {  	[tilespmem:s0], [sflag:$0x1] =	stream.linear.gather [hbm4b:s20+s1], $0x7D0, $0x38;
	[tilespmem:$0x65D0] =	vst v63  }
0x2a7: {  	_ = 	snop  }
0x2a8: {  	[tilespmem:s8], [sflag:$0x1] =	stream.linear.gather [hbm4b:s21+s1], $0x7D0, $0x38;
	[tilespmem:$0x65D0] =	vst v63  }
0x2a9: {  	s14 =	simm.s32 $0x3720  }
0x2aa: {  	[tilespmem:s2], [sflag:$0x1] =	stream.linear.gather [hbm4b:s22+s1], $0x7D0, $0x38;
	[tilespmem:$0x65D0] =	vst v63  }
0x2ab: {  	v6 =	vld [tilespmem:s14+$0xFFFFE890]  }
0x2ac: {  	v7 =	vld [tilespmem:s14+$0xFFFFF060]  }
0x2ad: {  	v8 =	vld [tilespmem:s14+$0xFFFFF830]  }
0x2ae: {  	v9 =	vld [tilespmem:s14+$0x0]  }
0x2af: {  	v10 =	vld [tilespmem:s14+$0xFFFFEFF0]  }
0x2b0: {  	v11 =	vld [tilespmem:s14+$0xFFFFF7C0]  }
0x2b1: {  	v12 =	vld [tilespmem:s14+$0xFFFFFF90]  }
0x2b2: {  	v13 =	vld [tilespmem:s14+$0xFFFFE830]  }
0x2b3: {  	v14 =	vld [tilespmem:s14+$0xFFFFF000]  }
0x2b4: {  	v18 =	vld [tilespmem:s14+$0xFFFFF7D0]  }
0x2b5: {  	v23 =	vld [tilespmem:s14+$0xFFFFF020]  }
0x2b6: {  	v61 =	vld [tilespmem:s14+$0xFFFFE880]  }
0x2b7: {  	v30 =	vld [tilespmem:s14+$0xFFFFF050]  }
0x2b8: {  	v31 =	vld [tilespmem:s14+$0xFFFFF820]  }
0x2b9: {  	v62 =	vld [tilespmem:s14+$0xFFFFFFF0];
	v15 =	vadd.f32 v8, v6  }
0x2ba: {  	v32 =	vld [tilespmem:s14+$0xFFFFE820];
	v16 =	vadd.f32 v9, v7;
	v17 =	vmax.f32 v10, v2;
	v6 =	vmax.f32 v6, v1  }
0x2bb: {  	s25 =	simm.s32 $0x37A0;
	v7 =	vmax.f32 v7, v2;
	v20 =	vmul.f32 v12, v11;
	v10 =	vadd.f32 v12, v10  }
0x2bc: {  	v57 =	vld [tilespmem:s25+$0xFFFFF050];
	v12 =	vmax.f32 v13, v1;
	v8 =	vmul.f32 v9, v8;
	v9 =	vmax.f32 v14, v2  }
0x2bd: {  	v13 =	vadd.f32 v18, v13;
	v26 =	vmax.f32 v23, v2;
	v63 =	vmax.f32 v61, v1  }
0x2be: {  	v33 =	vmax.f32 v30, v2;
	v34 =	vadd.f32 v31, v61;
	v35 =	vadd.f32 v62, v30  }
0x2bf: {  	v19 =	vld [tilespmem:s14+$0xFFFFFFA0];
	v11 =	vadd.f32 v11, v32;
	v15 =	vmin.f32 v15, v3;
	v16 =	vmin.f32 v16, v4  }
0x2c0: {  	v21 =	vld [tilespmem:s14+$0xFFFFE840];
	v13 =	vmin.f32 v13, v3;
	v6 =	vsub.f32 v15, v6;
	v7 =	vsub.f32 v16, v7  }
0x2c1: {  	v36 =	vmax.f32 v32, v1;
	v61 =	vmax.f32 v57, v2;
	v15 =	vld [tilespmem:s14+$0xFFFFF010];
	v12 =	vsub.f32 v13, v12  }
0x2c2: {  	v11 =	vmin.f32 v11, v3;
	v16 =	vld [tilespmem:s14+$0xFFFFF7E0];
	v6 =	vmax.f32 v6, $0.0e+00;
	v7 =	vmax.f32 v7, $0.0e+00  }
0x2c3: {  	v22 =	vld [tilespmem:s14+$0xFFFFFFB0];
	v11 =	vsub.f32 v11, v36;
	v12 =	vmax.f32 v12, $0.0e+00;
	v6 =	vmul.f32 v7, v6  }
0x2c4: {  	v24 =	vld [tilespmem:s14+$0xFFFFF7F0];
	v7 =	vadd.f32 v8, v5;
	v8 =	vmin.f32 v10, v4;
	v10 =	vadd.f32 v19, v14  }
0x2c5: {  	v27 =	vld [tilespmem:s14+$0xFFFFF800];
	v11 =	vmax.f32 v11, $0.0e+00;
	v14 =	vmul.f32 v19, v18;
	v19 =	vmax.f32 v21, v1  }
0x2c6: {  	v18 =	vld [tilespmem:s14+$0xFFFFE850];
	v8 =	vsub.f32 v8, v17;
	v7 =	vsub.f32 v7, v6;
	v10 =	vmin.f32 v10, v4  }
0x2c7: {  	v59 =	vld [tilespmem:s14+$0xFFFFF040];
	v17 =	vmax.f32 v15, v2;
	v13 =	vadd.f32 v16, v21;
	v14 =	vadd.f32 v14, v5  }
0x2c8: {  	v21 =	vld [tilespmem:s14+$0xFFFFFFC0];
	v16 =	vmul.f32 v22, v16;
	v9 =	vsub.f32 v10, v9;
	v10 =	vadd.f32 v22, v15  }
0x2c9: {  	v60 =	vld [tilespmem:s14+$0xFFFFFFE0];
	v8 =	vmax.f32 v8, $0.0e+00;
	v7 =	vmax.f32 v7, $9.999999970e-07;
	v13 =	vmin.f32 v13, v3  }
0x2ca: {  	v15 =	vld [tilespmem:s14+$0xFFFFE860];
	v8 =	vmul.f32 v8, v11;
	v11 =	vadd.f32 v16, v5;
	v7 =	vmul.f32 $5.000000000e-01, v7  }
0x2cb: {  	v22 =	vmax.f32 v18, v1;
	v10 =	vmin.f32 v10, v4;
	v9 =	vmax.f32 v9, $0.0e+00  }
0x2cc: {  	v10 =	vsub.f32 v10, v17;
	vm0 =	vge.f32 v6, v7;
	v7 =	vsub.f32 v13, v19  }
0x2cd: {  	v25 =	vld [tilespmem:s14+$0xFFFFF030];
	v9 =	vmul.f32 v9, v12;
	v13 =	vadd.f32 v24, v18;
	v17 =	vadd.f32 v21, v23  }
0x2ce: {  	v28 =	vld [tilespmem:s14+$0xFFFFF810];
	v19 =	vmul.f32 v21, v24;
	v24 =	vadd.f32 v60, v59;
	v6 =	vsel vm0, $0x3F800000, v0  }
0x2cf: {  	v18 =	vld [tilespmem:s14+$0xFFFFFFD0];
	v23 =	vmax.f32 v15, v1;
	v15 =	vadd.f32 v27, v15;
	v10 =	vmax.f32 v10, $0.0e+00  }
0x2d0: {  	v21 =	vld [tilespmem:s14+$0xFFFFE870];
	v13 =	vmin.f32 v13, v3;
	v17 =	vmin.f32 v17, v4;
	v7 =	vmax.f32 v7, $0.0e+00  }
0x2d1: {  	v50 =	vld [tilespmem:s25+$0xFFFFF810];
	v24 =	vmin.f32 v24, v4;
	v16 =	vadd.f32 v19, v5;
	v13 =	vsub.f32 v13, v22  }
0x2d2: {  	v52 =	vld [tilespmem:s25+$0xFFFFFFE0];
	v22 =	vmax.f32 v25, v2;
	v17 =	vsub.f32 v17, v26;
	v15 =	vmin.f32 v15, v3  }
0x2d3: {  	v26 =	vmul.f32 v60, v28;
	v7 =	vmul.f32 v10, v7;
	v15 =	vsub.f32 v15, v23  }
0x2d4: {  	v39 =	vld [tilespmem:s25+$0xFFFFFF90];
	v23 =	vmax.f32 v59, v2;
	v25 =	vadd.f32 v18, v25;
	v18 =	vmul.f32 v18, v27  }
0x2d5: {  	v55 =	vld [tilespmem:s25+$0xFFFFF7C0];
	v29 =	vmax.f32 v21, v1;
	v21 =	vadd.f32 v28, v21;
	v13 =	vmax.f32 v13, $0.0e+00  }
0x2d6: {  	v17 =	vmax.f32 v17, $0.0e+00;
	v23 =	vsub.f32 v24, v23;
	v24 =	vmin.f32 v34, v3  }
0x2d7: {  	v27 =	vmin.f32 v35, v4;
	v11 =	vsub.f32 v11, v7;
	v28 =	vmul.f32 v52, v50  }
0x2d8: {  	v45 =	vld [tilespmem:s25+$0xFFFFF030];
	v15 =	vmax.f32 v15, $0.0e+00;
	v24 =	vsub.f32 v24, v63;
	v27 =	vsub.f32 v27, v33  }
0x2d9: {  	v48 =	vld [tilespmem:s25+$0xFFFFFFD0];
	v10 =	vmul.f32 v17, v13;
	v17 =	vadd.f32 v20, v5;
	v20 =	vadd.f32 v26, v5  }
0x2da: {  	v26 =	vmul.f32 v39, v55;
	v25 =	vmin.f32 v25, v4;
	v21 =	vmin.f32 v21, v3  }
0x2db: {  	v23 =	vmax.f32 v23, $0.0e+00;
	v18 =	vadd.f32 v18, v5;
	v11 =	vmax.f32 v11, $9.999999970e-07  }
0x2dc: {  	v22 =	vsub.f32 v25, v22;
	v21 =	vsub.f32 v21, v29;
	v25 =	vmul.f32 v62, v31  }
0x2dd: {  	v12 =	vmax.f32 v24, $0.0e+00;
	v13 =	vmax.f32 v27, $0.0e+00;
	v17 =	vsub.f32 v17, v8  }
0x2de: {  	v16 =	vsub.f32 v16, v10;
	v11 =	vmul.f32 $5.000000000e-01, v11;
	v27 =	vadd.f32 v48, v45  }
0x2df: {  	v12 =	vmul.f32 v13, v12;
	v13 =	vsub.f32 v14, v9;
	v22 =	vmax.f32 v22, $0.0e+00  }
0x2e0: {  	v37 =	vld [tilespmem:s25+$0xFFFFF830];
	v21 =	vmax.f32 v21, $0.0e+00;
	v17 =	vmax.f32 v17, $9.999999970e-07;
	v16 =	vmax.f32 v16, $9.999999970e-07  }
0x2e1: {  	v19 =	vld [tilespmem:s25+$0xFFFFE890];
	vm4 =	vge.f32 v7, v11;
	v15 =	vmul.f32 v22, v15;
	v21 =	vmul.f32 v23, v21  }
0x2e2: {  	v14 =	vld [tilespmem:s25+$0x0];
	v23 =	vadd.f32 v25, v5;
	v13 =	vmax.f32 v13, $9.999999970e-07;
	v17 =	vmul.f32 $5.000000000e-01, v17  }
0x2e3: {  	v22 =	vld [tilespmem:s25+$0xFFFFF060];
	v16 =	vmul.f32 $5.000000000e-01, v16;
	v13 =	vmul.f32 $5.000000000e-01, v13;
	v18 =	vsub.f32 v18, v15  }
0x2e4: {  	v40 =	vld [tilespmem:s25+$0xFFFFE830];
	v27 =	vmin.f32 v27, v4;
	v20 =	vsub.f32 v20, v21;
	v23 =	vsub.f32 v23, v12  }
0x2e5: {  	v42 =	vld [tilespmem:s25+$0xFFFFF7D0];
	vm6 =	vge.f32 v8, v17;
	vm3 =	vge.f32 v10, v16;
	vm5 =	vge.f32 v9, v13  }
0x2e6: {  	v13 =	vmax.f32 v19, v1;
	v18 =	vmax.f32 v18, $9.999999970e-07;
	v20 =	vmax.f32 v20, $9.999999970e-07  }
0x2e7: {  	v38 =	vld [tilespmem:s25+$0xFFFFEFF0];
	v23 =	vmax.f32 v23, $9.999999970e-07;
	v8 =	vmul.f32 $5.000000000e-01, v18;
	v17 =	vmul.f32 $5.000000000e-01, v20  }
0x2e8: {  	v41 =	vld [tilespmem:s25+$0xFFFFF000];
	v7 =	vmul.f32 $5.000000000e-01, v23;
	v11 =	vadd.f32 v14, v22;
	v16 =	vmax.f32 v22, v2  }
0x2e9: {  	v10 =	vld [tilespmem:s25+$0xFFFFF010];
	v20 =	vmax.f32 v40, v1;
	vm2 =	vge.f32 v15, v8;
	v8 =	vadd.f32 v37, v19  }
0x2ea: {  	v18 =	vld [tilespmem:s25+$0xFFFFFFA0];
	v14 =	vmul.f32 v14, v37;
	v23 =	vadd.f32 v42, v40;
	vm1 =	vge.f32 v21, v17  }
0x2eb: {  	v9 =	vld [tilespmem:s25+$0xFFFFE840];
	vm0 =	vge.f32 v12, v7;
	v11 =	vmin.f32 v11, v4;
	v8 =	vmin.f32 v8, v3  }
0x2ec: {  	v7 =	vld [tilespmem:s25+$0xFFFFF7E0];
	v12 =	vmax.f32 v38, v2;
	v11 =	vsub.f32 v11, v16;
	v8 =	vsub.f32 v8, v13  }
0x2ed: {  	v15 =	vld [tilespmem:s25+$0xFFFFFFB0];
	v17 =	vsel vm6, $0x3F800000, v0;
	v21 =	vmax.f32 v41, v2;
	v23 =	vmin.f32 v23, v3  }
0x2ee: {  	v19 =	vld [tilespmem:s25+$0xFFFFF020];
	v47 =	vmax.f32 v10, v2;
	v11 =	vmax.f32 v11, $0.0e+00;
	v8 =	vmax.f32 v8, $0.0e+00  }
0x2ef: {  	v49 =	vld [tilespmem:s25+$0xFFFFF040];
	v44 =	vadd.f32 v18, v41;
	v8 =	vmul.f32 v11, v8;
	v11 =	vadd.f32 v14, v5  }
0x2f0: {  	v22 =	vld [tilespmem:s25+$0xFFFFF7F0];
	v16 =	vadd.f32 v39, v38;
	v46 =	vmax.f32 v9, v1;
	v20 =	vsub.f32 v23, v20  }
0x2f1: {  	v13 =	vld [tilespmem:s25+$0xFFFFE850];
	v18 =	vmul.f32 v18, v42;
	v25 =	vmin.f32 v44, v4;
	v11 =	vsub.f32 v11, v8  }
0x2f2: {  	s4 =	simm.s32 $0x56A0;
	v53 =	vld [tilespmem:s25+$0xFFFFF820];
	v9 =	vadd.f32 v7, v9;
	v10 =	vadd.f32 v15, v10;
	v15 =	vmul.f32 v15, v7  }
0x2f3: {  	v23 =	vld [tilespmem:s25+$0xFFFFE870];
	[tilespmem:s4+$0xFFFFFF90] =	vst v17;
	v51 =	vmax.f32 v19, v2;
	v17 =	vadd.f32 v18, v5;
	v11 =	vmax.f32 v11, $9.999999970e-07  }
0x2f4: {  	v18 =	vsel vm4, $0x3F800000, v0;
	v14 =	vmin.f32 v16, v4;
	v16 =	vld [tilespmem:s25+$0xFFFFE860];
	v11 =	vmul.f32 $5.000000000e-01, v11  }
0x2f5: {  	v21 =	vsub.f32 v25, v21;
	v12 =	vsub.f32 v14, v12;
	v14 =	vld [tilespmem:s25+$0xFFFFF800];
	v9 =	vmin.f32 v9, v3  }
0x2f6: {  	v7 =	vmax.f32 v13, v1;
	v13 =	vadd.f32 v22, v13;
	vm15 =	vge.f32 v8, v11;
	v11 =	vld [tilespmem:s25+$0xFFFFE880]  }
0x2f7: {  	v43 =	vld [tilespmem:s25+$0xFFFFFFC0];
	v25 =	vmax.f32 v49, v2;
	v10 =	vmin.f32 v10, v4;
	v9 =	vsub.f32 v9, v46  }
0x2f8: {  	v60 =	vmax.f32 v12, $0.0e+00;
	v12 =	vmax.f32 v20, $0.0e+00;
	v13 =	vmin.f32 v13, v3  }
0x2f9: {  	v20 =	vmax.f32 v21, $0.0e+00;
	v9 =	vmax.f32 v9, $0.0e+00;
	v7 =	vsub.f32 v13, v7  }
0x2fa: {  	v13 =	vadd.f32 v14, v16;
	v54 =	vmul.f32 v48, v14;
	v14 =	vadd.f32 v50, v23  }
0x2fb: {  	v23 =	vmax.f32 v23, v1;
	v8 =	vsub.f32 v10, v47;
	v56 =	vadd.f32 v53, v11  }
0x2fc: {  	v10 =	vadd.f32 v43, v19;
	v19 =	vmul.f32 v43, v22;
	v14 =	vmin.f32 v14, v3  }
0x2fd: {  	v14 =	vsub.f32 v14, v23;
	v23 =	vld [tilespmem:s25+$0xFFFFFFF0];
	v11 =	vmax.f32 v11, v1;
	v32 =	vmin.f32 v56, v3  }
0x2fe: {  	v22 =	vmax.f32 v16, v1;
	v16 =	vmax.f32 v45, v2;
	v58 =	vsub.f32 v32, v11;
	v11 =	vld [tilespmem:s25+$0xFFFFE820]  }
0x2ff: {  	v7 =	vmax.f32 v7, $0.0e+00;
	v13 =	vmin.f32 v13, v3;
	v16 =	vsub.f32 v27, v16  }
0x300: {  	v10 =	vmin.f32 v10, v4;
	v13 =	vsub.f32 v13, v22;
	v22 =	vadd.f32 v52, v49  }
0x301: {  	v59 =	vsel vm15, $0x3F800000, v0;
	v8 =	vmax.f32 v8, $0.0e+00;
	v10 =	vsub.f32 v10, v51  }
0x302: {  	v16 =	vmax.f32 v16, $0.0e+00;
	v22 =	vmin.f32 v22, v4;
	v13 =	vmax.f32 v13, $0.0e+00  }
0x303: {  	v21 =	vmul.f32 v23, v53;
	v23 =	vadd.f32 v23, v57;
	v62 =	vadd.f32 v55, v11  }
0x304: {  	v14 =	vmax.f32 v14, $0.0e+00;
	v22 =	vsub.f32 v22, v25;
	v10 =	vmax.f32 v10, $0.0e+00  }
0x305: {  	v23 =	vmin.f32 v23, v4;
	v11 =	vmax.f32 v11, v1;
	v27 =	vmin.f32 v62, v3  }
0x306: {  	v22 =	vmax.f32 v22, $0.0e+00;
	v23 =	vsub.f32 v23, v61;
	v63 =	vsub.f32 v27, v11  }
0x307: {  	v11 =	vmul.f32 v20, v12;
	v20 =	vmax.f32 v58, $0.0e+00;
	v12 =	vmul.f32 v8, v9  }
0x308: {  	v8 =	vmul.f32 v10, v7;
	v7 =	vmax.f32 v23, $0.0e+00;
	v10 =	vmul.f32 v16, v13  }
0x309: {  	[tilespmem:s4+$0x0] =	vst v6;
	v9 =	vmul.f32 v22, v14;
	v16 =	vadd.f32 v26, v5;
	v22 =	vadd.f32 v19, v5  }
0x30a: {  	s12 =	simm.s32 $0x5720;
	[tilespmem:s4+$0xFFFFFFB0] =	vst v18;
	v7 =	vmul.f32 v7, v20;
	v20 =	vadd.f32 v15, v5;
	v6 =	vmax.f32 v63, $0.0e+00  }
0x30b: {  	[tilespmem:s12+$0x0] =	vst v59;
	v13 =	vadd.f32 v54, v5;
	v19 =	vsel vm3, $0x3F800000, v0;
	v14 =	vmul.f32 v60, v6  }
0x30c: {  	v15 =	vadd.f32 v28, v5;
	[tilespmem:s4+$0xFFFFFFC0] =	vst v19;
	v6 =	vsel vm5, $0x3F800000, v0;
	v19 =	vsub.f32 v20, v12  }
0x30d: {  	[tilespmem:s4+$0xFFFFFFA0] =	vst v6;
	v6 =	vadd.f32 v21, v5;
	v21 =	vsel vm2, $0x3F800000, v0;
	v18 =	vsub.f32 v16, v14  }
0x30e: {  	s11 =	simm.s32 $0x5DB0;
	s13 =	simm.s32 $0x80;
	s5 =	simm.s32 $0x3820;
	v20 =	vsel vm1, $0x3F800000, v0;
	v16 =	vsub.f32 v17, v11;
	v17 =	vsub.f32 v22, v8;
	[tilespmem:s4+$0xFFFFFFD0] =	vst v21  }
.LBB2_14:
0x30f: {  	v21 =	vld [tilespmem:s5+$0xFFFFE890];
	v18 =	vmax.f32 v18, $9.999999970e-07;
	v13 =	vsub.f32 v13, v10;
	v15 =	vsub.f32 v15, v9;
	[tilespmem:s4+$0xFFFFFFE0] =	vst v20  }
0x310: {  	v16 =	vmax.f32 v16, $9.999999970e-07;
	v6 =	vsub.f32 v6, v7;
	v20 =	vld [tilespmem:s5+$0xFFFFF060];
	v19 =	vmax.f32 v19, $9.999999970e-07  }
0x311: {  	v17 =	vmax.f32 v17, $9.999999970e-07;
	v22 =	vld [tilespmem:s5+$0xFFFFF830];
	v13 =	vmax.f32 v13, $9.999999970e-07;
	v15 =	vmax.f32 v15, $9.999999970e-07  }
0x312: {  	s13 =	sadd.s32 $0x80, s13;
	v18 =	vmul.f32 $5.000000000e-01, v18;
	v16 =	vmul.f32 $5.000000000e-01, v16;
	v24 =	vmax.f32 v6, $9.999999970e-07;
	v23 =	vld [tilespmem:s5+$0x0]  }
0x313: {  	v26 =	vsel vm0, $0x3F800000, v0;
	p0 =	slt.u32 s13, $0x700;
	v19 =	vmul.f32 $5.000000000e-01, v19;
	v17 =	vmul.f32 $5.000000000e-01, v17;
	v25 =	vld [tilespmem:s5+$0xFFFFEFF0]  }
0x314: {  	vm6 =	vge.f32 v14, v18;
	v13 =	vmul.f32 $5.000000000e-01, v13;
	v14 =	vmul.f32 $5.000000000e-01, v15;
	v6 =	vld [tilespmem:s5+$0xFFFFF7C0];
	[tilespmem:s4+$0xFFFFFFF0] =	vst v26;
	s4 =	smov.u32 s12  }
0x315: {  	vm5 =	vge.f32 v11, v16;
	v11 =	vmul.f32 $5.000000000e-01, v24;
	vm4 =	vge.f32 v12, v19;
	v15 =	vld [tilespmem:s5+$0xFFFFFF90]  }
0x316: {  	vm3 =	vge.f32 v8, v17;
	vm2 =	vge.f32 v10, v13;
	vm1 =	vge.f32 v9, v14;
	v12 =	vld [tilespmem:s5+$0xFFFFE830]  }
0x317: {  	vm0 =	vge.f32 v7, v11;
	v9 =	vadd.f32 v22, v21;
	v8 =	vld [tilespmem:s5+$0xFFFFF000];
	v10 =	vadd.f32 v23, v20  }
0x318: {  	v14 =	vmax.f32 v21, v1;
	v7 =	vsel vm6, $0x3F800000, v0;
	v11 =	vmax.f32 v25, v2;
	v13 =	vld [tilespmem:s5+$0xFFFFF7D0]  }
0x319: {  	v17 =	vmax.f32 v20, v2;
	v9 =	vmin.f32 v9, v3;
	v16 =	vld [tilespmem:s5+$0xFFFFFFA0];
	v10 =	vmin.f32 v10, v4;
	[tilespmem:s12+$0xFFFFFF90] =	vst v7  }
0x31a: {  	v9 =	vsub.f32 v9, v14;
	v7 =	vmul.f32 v15, v6;
	v18 =	vld [tilespmem:s5+$0xFFFFE840];
	v10 =	vsub.f32 v10, v17  }
0x31b: {  	v19 =	vmul.f32 v23, v22;
	v14 =	vadd.f32 v15, v25;
	v15 =	vmax.f32 v12, v1;
	v17 =	vld [tilespmem:s5+$0xFFFFF010]  }
0x31c: {  	v9 =	vmax.f32 v9, $0.0e+00;
	v20 =	vmax.f32 v8, v2;
	v21 =	vld [tilespmem:s5+$0xFFFFF7E0];
	v10 =	vmax.f32 v10, $0.0e+00  }
0x31d: {  	v12 =	vadd.f32 v13, v12;
	v22 =	vld [tilespmem:s5+$0xFFFFFFB0];
	v9 =	vmul.f32 v10, v9;
	v10 =	vadd.f32 v19, v5  }
0x31e: {  	v14 =	vmin.f32 v14, v4;
	v8 =	vadd.f32 v16, v8;
	v13 =	vmul.f32 v16, v13;
	v16 =	vld [tilespmem:s5+$0xFFFFE850]  }
0x31f: {  	v12 =	vmin.f32 v12, v3;
	v19 =	vmax.f32 v18, v1;
	v23 =	vld [tilespmem:s5+$0xFFFFF020];
	v10 =	vsub.f32 v10, v9  }
0x320: {  	v11 =	vsub.f32 v14, v11;
	v8 =	vmin.f32 v8, v4;
	v14 =	vmax.f32 v17, v2;
	v24 =	vld [tilespmem:s5+$0xFFFFF7F0]  }
0x321: {  	v12 =	vsub.f32 v12, v15;
	v15 =	vadd.f32 v21, v18;
	v18 =	vld [tilespmem:s5+$0xFFFFFFC0];
	v10 =	vmax.f32 v10, $9.999999970e-07  }
0x322: {  	v8 =	vsub.f32 v8, v20;
	v17 =	vadd.f32 v22, v17;
	v20 =	vld [tilespmem:s5+$0xFFFFE860];
	v10 =	vmul.f32 $5.000000000e-01, v10  }
0x323: {  	v21 =	vmul.f32 v22, v21;
	v15 =	vmin.f32 v15, v3;
	v22 =	vmax.f32 v16, v1;
	v25 =	vld [tilespmem:s5+$0xFFFFF030]  }
0x324: {  	v17 =	vmin.f32 v17, v4;
	v26 =	vmax.f32 v23, v2;
	v27 =	vld [tilespmem:s5+$0xFFFFF800];
	vm6 =	vge.f32 v9, v10  }
0x325: {  	s12 =	sadd.s32 $0x80, s12;
	v9 =	vsub.f32 v15, v19;
	v10 =	vadd.f32 v24, v16;
	v15 =	vld [tilespmem:s5+$0xFFFFFFD0];
	v16 =	vsel vm6, $0x3F800000, v0  }
0x326: {  	s14 =	simm.s32 $0x770;
	s25 =	simm.s32 $0x3E30;
	v14 =	vsub.f32 v17, v14;
	v17 =	vadd.f32 v18, v23;
	v18 =	vmul.f32 v18, v24;
	v19 =	vld [tilespmem:s5+$0xFFFFE870];
	[tilespmem:s12+$0x0] =	vst v16  }
0x327: {  	v16 =	vmax.f32 v11, $0.0e+00;
	v10 =	vmin.f32 v10, v3;
	v11 =	vmax.f32 v20, v1;
	v23 =	vld [tilespmem:s5+$0xFFFFF040]  }
0x328: {  	v17 =	vmin.f32 v17, v4;
	v10 =	vsub.f32 v10, v22;
	v22 =	vmax.f32 v25, v2;
	v24 =	vld [tilespmem:s5+$0xFFFFF810]  }
0x329: {  	v12 =	vmax.f32 v12, $0.0e+00;
	v17 =	vsub.f32 v17, v26;
	v20 =	vadd.f32 v27, v20;
	v26 =	vld [tilespmem:s5+$0xFFFFFFE0]  }
0x32a: {  	v8 =	vmax.f32 v8, $0.0e+00;
	v25 =	vadd.f32 v15, v25;
	v15 =	vmul.f32 v15, v27;
	v27 =	vld [tilespmem:s5+$0xFFFFE880]  }
0x32b: {  	v9 =	vmax.f32 v9, $0.0e+00;
	v20 =	vmin.f32 v20, v3;
	v28 =	vmax.f32 v19, v1;
	v29 =	vld [tilespmem:s5+$0xFFFFF050]  }
0x32c: {  	v25 =	vmin.f32 v25, v4;
	v11 =	vsub.f32 v20, v11;
	v20 =	vmax.f32 v23, v2;
	v30 =	vld [tilespmem:s5+$0xFFFFF820]  }
0x32d: {  	v14 =	vmax.f32 v14, $0.0e+00;
	v22 =	vsub.f32 v25, v22;
	v19 =	vadd.f32 v24, v19;
	v25 =	vld [tilespmem:s5+$0xFFFFFFF0]  }
0x32e: {  	v10 =	vmax.f32 v10, $0.0e+00;
	v31 =	vld [tilespmem:s5+$0xFFFFE820];
	v23 =	vadd.f32 v26, v23;
	v24 =	vmul.f32 v26, v24  }
0x32f: {  	v17 =	vmax.f32 v17, $0.0e+00;
	v19 =	vmin.f32 v19, v3;
	v26 =	vmax.f32 v27, v1  }
0x330: {  	v23 =	vmin.f32 v23, v4;
	v19 =	vsub.f32 v19, v28;
	v28 =	vmax.f32 v29, v2  }
0x331: {  	v32 =	vmax.f32 v11, $0.0e+00;
	v11 =	vsub.f32 v23, v20;
	v20 =	vadd.f32 v30, v27  }
0x332: {  	v22 =	vmax.f32 v22, $0.0e+00;
	v23 =	vadd.f32 v25, v29;
	v25 =	vmul.f32 v25, v30  }
0x333: {  	v27 =	vmax.f32 v31, v1;
	v6 =	vadd.f32 v6, v31;
	v20 =	vmin.f32 v20, v3  }
0x334: {  	v19 =	vmax.f32 v19, $0.0e+00;
	v23 =	vmin.f32 v23, v4;
	v20 =	vsub.f32 v20, v26  }
0x335: {  	v26 =	vmax.f32 v11, $0.0e+00;
	v6 =	vmin.f32 v6, v3;
	v23 =	vsub.f32 v23, v28  }
0x336: {  	v11 =	vmul.f32 v8, v12;
	v6 =	vsub.f32 v6, v27;
	v20 =	vmax.f32 v20, $0.0e+00  }
0x337: {  	v12 =	vmul.f32 v14, v9;
	v8 =	vmul.f32 v17, v10;
	v17 =	vmax.f32 v23, $0.0e+00  }
0x338: {  	v10 =	vmul.f32 v22, v32;
	v9 =	vmul.f32 v26, v19;
	v6 =	vmax.f32 v6, $0.0e+00  }
0x339: {  	v14 =	vmul.f32 v16, v6;
	v16 =	vadd.f32 v7, v5;
	v7 =	vmul.f32 v17, v20  }
.Ltmp6:
0x33a: {  	v19 =	vadd.f32 v21, v5;
	v17 =	vadd.f32 v13, v5;
	v6 =	vsel vm5, $0x3F800000, v0;
	(pc) =	sbr.rel @p0 .LBB2_14-.Ltmp6, $4  }
0x33b: {  	v20 =	vadd.f32 v18, v5;
	v13 =	vadd.f32 v15, v5;
	v18 =	vsel vm4, $0x3F800000, v0;
	[tilespmem:s4+$0xFFFFFFA0] =	vst v6  }
0x33c: {  	v21 =	vsel vm3, $0x3F800000, v0;
	v15 =	vadd.f32 v24, v5;
	v6 =	vadd.f32 v25, v5;
	[tilespmem:s4+$0xFFFFFFB0] =	vst v18  }
0x33d: {  	v18 =	vsub.f32 v16, v14;
	v16 =	vsub.f32 v17, v11;
	[tilespmem:s4+$0xFFFFFFC0] =	vst v21;
	v21 =	vsel vm2, $0x3F800000, v0  }
0x33e: {  	s5 =	sadd.s32 $0x80, s5;
	v19 =	vsub.f32 v19, v12;
	v17 =	vsub.f32 v20, v8;
	v20 =	vsel vm1, $0x3F800000, v0;
	[tilespmem:s4+$0xFFFFFFD0] =	vst v21  }
0x33f: {  	v18 =	vmax.f32 v18, $9.999999970e-07;
	v13 =	vsub.f32 v13, v10;
	v15 =	vsub.f32 v15, v9  }
0x340: {  	v16 =	vmax.f32 v16, $9.999999970e-07;
	v6 =	vsub.f32 v6, v7;
	v56 =	vsel vm0, $0x3F800000, v0  }
0x341: {  	v19 =	vmax.f32 v19, $9.999999970e-07;
	v17 =	vmax.f32 v17, $9.999999970e-07;
	v18 =	vmul.f32 $5.000000000e-01, v18  }
0x342: {  	v16 =	vmul.f32 $5.000000000e-01, v16;
	v13 =	vmax.f32 v13, $9.999999970e-07;
	v15 =	vmax.f32 v15, $9.999999970e-07  }
0x343: {  	[tilespmem:s4+$0xFFFFFFE0] =	vst v20;
	v6 =	vmax.f32 v6, $9.999999970e-07;
	v19 =	vmul.f32 $5.000000000e-01, v19;
	vm10 =	vge.f32 v14, v18  }
0x344: {  	[tilespmem:s4+$0xFFFFFFF0] =	vst v56;
	v57 =	vmul.f32 $5.000000000e-01, v17;
	vm1 =	vge.f32 v11, v16;
	v58 =	vsel vm10, $0x3F800000, v0  }
0x345: {  	v13 =	vmul.f32 $5.000000000e-01, v13;
	vm11 =	vge.f32 v12, v19;
	v59 =	vsel vm1, $0x3F800000, v0;
	[tilespmem:s12+$0xFFFFFF90] =	vst v58  }
0x346: {  	v60 =	vmul.f32 $5.000000000e-01, v15;
	vm12 =	vge.f32 v8, v57;
	[tilespmem:s12+$0xFFFFFFA0] =	vst v59;
	v61 =	vsel vm11, $0x3F800000, v0  }
0x347: {  	v6 =	vmul.f32 $5.000000000e-01, v6;
	vm13 =	vge.f32 v10, v13;
	v62 =	vsel vm12, $0x3F800000, v0;
	[tilespmem:s12+$0xFFFFFFB0] =	vst v61  }
0x348: {  	vm14 =	vge.f32 v9, v60;
	[tilespmem:s12+$0xFFFFFFC0] =	vst v62;
	v63 =	vsel vm13, $0x3F800000, v0  }
0x349: {  	vm15 =	vge.f32 v7, v6;
	v6 =	vsel vm14, $0x3F800000, v0;
	[tilespmem:s12+$0xFFFFFFD0] =	vst v63  }
0x34a: {  	[tilespmem:s12+$0xFFFFFFE0] =	vst v6;
	v6 =	vsel vm15, $0x3F800000, v0  }
0x34b: {  	[tilespmem:s12+$0xFFFFFFF0] =	vst v6  }
.LBB2_16:
0x34c: {  	v6 =	vld [tilespmem:s25+$0xFFFFE890]  }
0x34d: {  	v7 =	vld [tilespmem:s25+$0xFFFFF060]  }
0x34e: {  	v8 =	vld [tilespmem:s25+$0xFFFFF830]  }
0x34f: {  	v9 =	vld [tilespmem:s25+$0x0];
	_ =	sdelay $0x4  }
0x350: {  	v10 =	vadd.f32 v8, v6;
	v11 =	vadd.f32 v9, v7  }
0x351: {  	v6 =	vmax.f32 v6, v1  }
0x352: {  	v7 =	vmax.f32 v7, v2;
	v10 =	vmin.f32 v10, v3;
	v11 =	vmin.f32 v11, v4  }
0x353: {  	v6 =	vsub.f32 v10, v6;
	v7 =	vsub.f32 v11, v7  }
0x354: {  	v8 =	vmul.f32 v9, v8  }
0x355: {  	v6 =	vmax.f32 v6, $0.0e+00;
	v7 =	vmax.f32 v7, $0.0e+00  }
0x356: {  	v6 =	vmul.f32 v7, v6;
	v7 =	vadd.f32 v8, v5;
	_ =	sdelay $0x1  }
0x357: {  	v7 =	vsub.f32 v7, v6  }
0x358: {  	s14 =	sadd.s32 $0x10, s14  }
0x359: {  	p0 =	slt.u32 s14, $0x7C0;
	v7 =	vmax.f32 v7, $9.999999970e-07  }
.Ltmp7:
0x35a: {  	v7 =	vmul.f32 $5.000000000e-01, v7;
	(pc) =	sbr.rel @p0 .LBB2_16-.Ltmp7, $4  }
0x35b: {  	_ = 	snop  }
0x35c: {  	vm0 =	vge.f32 v6, v7  }
0x35d: {  	v6 =	vsel vm0, $0x3F800000, v0  }
0x35e: {  	s25 =	sadd.s32 $0x10, s25;
	[tilespmem:s11+$0x0] =	vst v6;
	s11 =	sadd.s32 $0x10, s11  }
0x35f: {  	s4 =	simm.s32 $0x5630  }
0x360: {  	[hbm4b:s28+s1] =	stream.linear.scatter [tilespmem:s4], [sflag:$0x3], $0x7D0, $0x38;
	[tilespmem:$0x65D0] =	vst v63  }
0x361: {  	_ =	swait.ge [sflag:s31], $0x7D0  }
0x362: {  	[sflag:s31] =	ssyncset.done $0x0  }
0x363: {  	[sflag:s31] =	ssyncadd.s32 $0xFFFFF830  }
0x364: {  	_ =	swait.ge [sflag:s31], $0x7D0  }
0x365: {  	[sflag:s31] =	ssyncset.done $0x0  }
0x366: {  	[sflag:s31] =	ssyncadd.s32 $0xFFFFF830  }
0x367: {  	_ =	swait.ge [sflag:s31], $0x7D0  }
0x368: {  	[sflag:s31] =	ssyncset.done $0x0  }
0x369: {  	[sflag:s31] =	ssyncadd.s32 $0xFFFFF830  }
0x36a: {  	_ =	swait.ge [sflag:s31], $0x7D0  }
0x36b: {  	[sflag:s31] =	ssyncset.done $0x0  }
0x36c: {  	s14 =	simm.s32 $0xFA0;
	[sflag:s31] =	ssyncadd.s32 $0xFFFFF830  }
0x36d: {  	v6 =	vld [tilespmem:s14+$0xFFFFF0D0]  }
0x36e: {  	v7 =	vld [tilespmem:s14+$0xFFFFF8A0]  }
0x36f: {  	v8 =	vld [tilespmem:s14+$0x70]  }
0x370: {  	v9 =	vld [tilespmem:s14+$0x840]  }
0x371: {  	v10 =	vld [tilespmem:s14+$0xFFFFF830]  }
0x372: {  	v11 =	vld [tilespmem:s14+$0x0]  }
0x373: {  	v12 =	vld [tilespmem:s14+$0x7D0]  }
0x374: {  	v13 =	vld [tilespmem:s14+$0xFFFFF070]  }
0x375: {  	v14 =	vld [tilespmem:s14+$0xFFFFF840]  }
0x376: {  	v18 =	vld [tilespmem:s14+$0x10]  }
0x377: {  	v23 =	vld [tilespmem:s14+$0xFFFFF860]  }
0x378: {  	v61 =	vld [tilespmem:s14+$0xFFFFF0C0]  }
0x379: {  	v30 =	vld [tilespmem:s14+$0xFFFFF890]  }
0x37a: {  	v31 =	vld [tilespmem:s14+$0x60]  }
0x37b: {  	v62 =	vld [tilespmem:s14+$0x830];
	v15 =	vadd.f32 v8, v6  }
0x37c: {  	v32 =	vld [tilespmem:s14+$0xFFFFF060];
	v16 =	vadd.f32 v9, v7;
	v17 =	vmax.f32 v10, v2;
	v6 =	vmax.f32 v6, v1  }
0x37d: {  	s25 =	simm.s32 $0x1020;
	v7 =	vmax.f32 v7, v2;
	v20 =	vmul.f32 v12, v11;
	v10 =	vadd.f32 v12, v10  }
0x37e: {  	v57 =	vld [tilespmem:s25+$0xFFFFF890];
	v12 =	vmax.f32 v13, v1;
	v8 =	vmul.f32 v9, v8;
	v9 =	vmax.f32 v14, v2  }
0x37f: {  	v13 =	vadd.f32 v18, v13;
	v26 =	vmax.f32 v23, v2;
	v63 =	vmax.f32 v61, v1  }
0x380: {  	v33 =	vmax.f32 v30, v2;
	v34 =	vadd.f32 v31, v61;
	v35 =	vadd.f32 v62, v30  }
0x381: {  	v19 =	vld [tilespmem:s14+$0x7E0];
	v11 =	vadd.f32 v11, v32;
	v15 =	vmin.f32 v15, v3;
	v16 =	vmin.f32 v16, v4  }
0x382: {  	v21 =	vld [tilespmem:s14+$0xFFFFF080];
	v13 =	vmin.f32 v13, v3;
	v6 =	vsub.f32 v15, v6;
	v7 =	vsub.f32 v16, v7  }
0x383: {  	v36 =	vmax.f32 v32, v1;
	v61 =	vmax.f32 v57, v2;
	v15 =	vld [tilespmem:s14+$0xFFFFF850];
	v12 =	vsub.f32 v13, v12  }
0x384: {  	v11 =	vmin.f32 v11, v3;
	v16 =	vld [tilespmem:s14+$0x20];
	v6 =	vmax.f32 v6, $0.0e+00;
	v7 =	vmax.f32 v7, $0.0e+00  }
0x385: {  	v22 =	vld [tilespmem:s14+$0x7F0];
	v11 =	vsub.f32 v11, v36;
	v12 =	vmax.f32 v12, $0.0e+00;
	v6 =	vmul.f32 v7, v6  }
0x386: {  	v24 =	vld [tilespmem:s14+$0x30];
	v7 =	vadd.f32 v8, v5;
	v8 =	vmin.f32 v10, v4;
	v10 =	vadd.f32 v19, v14  }
0x387: {  	v27 =	vld [tilespmem:s14+$0x40];
	v11 =	vmax.f32 v11, $0.0e+00;
	v14 =	vmul.f32 v19, v18;
	v19 =	vmax.f32 v21, v1  }
0x388: {  	v18 =	vld [tilespmem:s14+$0xFFFFF090];
	v8 =	vsub.f32 v8, v17;
	v7 =	vsub.f32 v7, v6;
	v10 =	vmin.f32 v10, v4  }
0x389: {  	v59 =	vld [tilespmem:s14+$0xFFFFF880];
	v17 =	vmax.f32 v15, v2;
	v13 =	vadd.f32 v16, v21;
	v14 =	vadd.f32 v14, v5  }
0x38a: {  	v21 =	vld [tilespmem:s14+$0x800];
	v16 =	vmul.f32 v22, v16;
	v9 =	vsub.f32 v10, v9;
	v10 =	vadd.f32 v22, v15  }
0x38b: {  	v60 =	vld [tilespmem:s14+$0x820];
	v8 =	vmax.f32 v8, $0.0e+00;
	v7 =	vmax.f32 v7, $9.999999970e-07;
	v13 =	vmin.f32 v13, v3  }
0x38c: {  	v15 =	vld [tilespmem:s14+$0xFFFFF0A0];
	v8 =	vmul.f32 v8, v11;
	v11 =	vadd.f32 v16, v5;
	v7 =	vmul.f32 $5.000000000e-01, v7  }
0x38d: {  	v22 =	vmax.f32 v18, v1;
	v10 =	vmin.f32 v10, v4;
	v9 =	vmax.f32 v9, $0.0e+00  }
0x38e: {  	v10 =	vsub.f32 v10, v17;
	vm0 =	vge.f32 v6, v7;
	v7 =	vsub.f32 v13, v19  }
0x38f: {  	v25 =	vld [tilespmem:s14+$0xFFFFF870];
	v9 =	vmul.f32 v9, v12;
	v13 =	vadd.f32 v24, v18;
	v17 =	vadd.f32 v21, v23  }
0x390: {  	v28 =	vld [tilespmem:s14+$0x50];
	v19 =	vmul.f32 v21, v24;
	v24 =	vadd.f32 v60, v59;
	v6 =	vsel vm0, $0x3F800000, v0  }
0x391: {  	v18 =	vld [tilespmem:s14+$0x810];
	v23 =	vmax.f32 v15, v1;
	v15 =	vadd.f32 v27, v15;
	v10 =	vmax.f32 v10, $0.0e+00  }
0x392: {  	v21 =	vld [tilespmem:s14+$0xFFFFF0B0];
	v13 =	vmin.f32 v13, v3;
	v17 =	vmin.f32 v17, v4;
	v7 =	vmax.f32 v7, $0.0e+00  }
0x393: {  	v50 =	vld [tilespmem:s25+$0x50];
	v24 =	vmin.f32 v24, v4;
	v16 =	vadd.f32 v19, v5;
	v13 =	vsub.f32 v13, v22  }
0x394: {  	v52 =	vld [tilespmem:s25+$0x820];
	v22 =	vmax.f32 v25, v2;
	v17 =	vsub.f32 v17, v26;
	v15 =	vmin.f32 v15, v3  }
0x395: {  	v26 =	vmul.f32 v60, v28;
	v7 =	vmul.f32 v10, v7;
	v15 =	vsub.f32 v15, v23  }
0x396: {  	v39 =	vld [tilespmem:s25+$0x7D0];
	v23 =	vmax.f32 v59, v2;
	v25 =	vadd.f32 v18, v25;
	v18 =	vmul.f32 v18, v27  }
0x397: {  	v55 =	vld [tilespmem:s25+$0x0];
	v29 =	vmax.f32 v21, v1;
	v21 =	vadd.f32 v28, v21;
	v13 =	vmax.f32 v13, $0.0e+00  }
0x398: {  	v17 =	vmax.f32 v17, $0.0e+00;
	v23 =	vsub.f32 v24, v23;
	v24 =	vmin.f32 v34, v3  }
0x399: {  	v27 =	vmin.f32 v35, v4;
	v11 =	vsub.f32 v11, v7;
	v28 =	vmul.f32 v52, v50  }
0x39a: {  	v45 =	vld [tilespmem:s25+$0xFFFFF870];
	v15 =	vmax.f32 v15, $0.0e+00;
	v24 =	vsub.f32 v24, v63;
	v27 =	vsub.f32 v27, v33  }
0x39b: {  	v48 =	vld [tilespmem:s25+$0x810];
	v10 =	vmul.f32 v17, v13;
	v17 =	vadd.f32 v20, v5;
	v20 =	vadd.f32 v26, v5  }
0x39c: {  	v26 =	vmul.f32 v39, v55;
	v25 =	vmin.f32 v25, v4;
	v21 =	vmin.f32 v21, v3  }
0x39d: {  	v23 =	vmax.f32 v23, $0.0e+00;
	v18 =	vadd.f32 v18, v5;
	v11 =	vmax.f32 v11, $9.999999970e-07  }
0x39e: {  	v22 =	vsub.f32 v25, v22;
	v21 =	vsub.f32 v21, v29;
	v25 =	vmul.f32 v62, v31  }
0x39f: {  	v12 =	vmax.f32 v24, $0.0e+00;
	v13 =	vmax.f32 v27, $0.0e+00;
	v17 =	vsub.f32 v17, v8  }
0x3a0: {  	v16 =	vsub.f32 v16, v10;
	v11 =	vmul.f32 $5.000000000e-01, v11;
	v27 =	vadd.f32 v48, v45  }
0x3a1: {  	v12 =	vmul.f32 v13, v12;
	v13 =	vsub.f32 v14, v9;
	v22 =	vmax.f32 v22, $0.0e+00  }
0x3a2: {  	v37 =	vld [tilespmem:s25+$0x70];
	v21 =	vmax.f32 v21, $0.0e+00;
	v17 =	vmax.f32 v17, $9.999999970e-07;
	v16 =	vmax.f32 v16, $9.999999970e-07  }
0x3a3: {  	v19 =	vld [tilespmem:s25+$0xFFFFF0D0];
	vm4 =	vge.f32 v7, v11;
	v15 =	vmul.f32 v22, v15;
	v21 =	vmul.f32 v23, v21  }
0x3a4: {  	v14 =	vld [tilespmem:s25+$0x840];
	v23 =	vadd.f32 v25, v5;
	v13 =	vmax.f32 v13, $9.999999970e-07;
	v17 =	vmul.f32 $5.000000000e-01, v17  }
0x3a5: {  	v22 =	vld [tilespmem:s25+$0xFFFFF8A0];
	v16 =	vmul.f32 $5.000000000e-01, v16;
	v13 =	vmul.f32 $5.000000000e-01, v13;
	v18 =	vsub.f32 v18, v15  }
0x3a6: {  	v40 =	vld [tilespmem:s25+$0xFFFFF070];
	v27 =	vmin.f32 v27, v4;
	v20 =	vsub.f32 v20, v21;
	v23 =	vsub.f32 v23, v12  }
0x3a7: {  	v42 =	vld [tilespmem:s25+$0x10];
	vm6 =	vge.f32 v8, v17;
	vm3 =	vge.f32 v10, v16;
	vm5 =	vge.f32 v9, v13  }
0x3a8: {  	v13 =	vmax.f32 v19, v1;
	v18 =	vmax.f32 v18, $9.999999970e-07;
	v20 =	vmax.f32 v20, $9.999999970e-07  }
0x3a9: {  	v38 =	vld [tilespmem:s25+$0xFFFFF830];
	v23 =	vmax.f32 v23, $9.999999970e-07;
	v8 =	vmul.f32 $5.000000000e-01, v18;
	v17 =	vmul.f32 $5.000000000e-01, v20  }
0x3aa: {  	v41 =	vld [tilespmem:s25+$0xFFFFF840];
	v7 =	vmul.f32 $5.000000000e-01, v23;
	v11 =	vadd.f32 v14, v22;
	v16 =	vmax.f32 v22, v2  }
0x3ab: {  	v10 =	vld [tilespmem:s25+$0xFFFFF850];
	v20 =	vmax.f32 v40, v1;
	vm2 =	vge.f32 v15, v8;
	v8 =	vadd.f32 v37, v19  }
0x3ac: {  	v18 =	vld [tilespmem:s25+$0x7E0];
	v14 =	vmul.f32 v14, v37;
	v23 =	vadd.f32 v42, v40;
	vm1 =	vge.f32 v21, v17  }
0x3ad: {  	v9 =	vld [tilespmem:s25+$0xFFFFF080];
	vm0 =	vge.f32 v12, v7;
	v11 =	vmin.f32 v11, v4;
	v8 =	vmin.f32 v8, v3  }
0x3ae: {  	v7 =	vld [tilespmem:s25+$0x20];
	v12 =	vmax.f32 v38, v2;
	v11 =	vsub.f32 v11, v16;
	v8 =	vsub.f32 v8, v13  }
0x3af: {  	v15 =	vld [tilespmem:s25+$0x7F0];
	v17 =	vsel vm6, $0x3F800000, v0;
	v21 =	vmax.f32 v41, v2;
	v23 =	vmin.f32 v23, v3  }
0x3b0: {  	v19 =	vld [tilespmem:s25+$0xFFFFF860];
	v47 =	vmax.f32 v10, v2;
	v11 =	vmax.f32 v11, $0.0e+00;
	v8 =	vmax.f32 v8, $0.0e+00  }
0x3b1: {  	v49 =	vld [tilespmem:s25+$0xFFFFF880];
	v44 =	vadd.f32 v18, v41;
	v8 =	vmul.f32 v11, v8;
	v11 =	vadd.f32 v14, v5  }
0x3b2: {  	v22 =	vld [tilespmem:s25+$0x30];
	v16 =	vadd.f32 v39, v38;
	v46 =	vmax.f32 v9, v1;
	v20 =	vsub.f32 v23, v20  }
0x3b3: {  	v13 =	vld [tilespmem:s25+$0xFFFFF090];
	v18 =	vmul.f32 v18, v42;
	v25 =	vmin.f32 v44, v4;
	v11 =	vsub.f32 v11, v8  }
0x3b4: {  	s4 =	simm.s32 $0x5E70;
	v53 =	vld [tilespmem:s25+$0x60];
	v9 =	vadd.f32 v7, v9;
	v10 =	vadd.f32 v15, v10;
	v15 =	vmul.f32 v15, v7  }
0x3b5: {  	v23 =	vld [tilespmem:s25+$0xFFFFF0B0];
	[tilespmem:s4+$0xFFFFFF90] =	vst v17;
	v51 =	vmax.f32 v19, v2;
	v17 =	vadd.f32 v18, v5;
	v11 =	vmax.f32 v11, $9.999999970e-07  }
0x3b6: {  	v18 =	vsel vm4, $0x3F800000, v0;
	v14 =	vmin.f32 v16, v4;
	v16 =	vld [tilespmem:s25+$0xFFFFF0A0];
	v11 =	vmul.f32 $5.000000000e-01, v11  }
0x3b7: {  	v21 =	vsub.f32 v25, v21;
	v12 =	vsub.f32 v14, v12;
	v14 =	vld [tilespmem:s25+$0x40];
	v9 =	vmin.f32 v9, v3  }
0x3b8: {  	v7 =	vmax.f32 v13, v1;
	v13 =	vadd.f32 v22, v13;
	vm15 =	vge.f32 v8, v11;
	v11 =	vld [tilespmem:s25+$0xFFFFF0C0]  }
0x3b9: {  	v43 =	vld [tilespmem:s25+$0x800];
	v25 =	vmax.f32 v49, v2;
	v10 =	vmin.f32 v10, v4;
	v9 =	vsub.f32 v9, v46  }
0x3ba: {  	v60 =	vmax.f32 v12, $0.0e+00;
	v12 =	vmax.f32 v20, $0.0e+00;
	v13 =	vmin.f32 v13, v3  }
0x3bb: {  	v20 =	vmax.f32 v21, $0.0e+00;
	v9 =	vmax.f32 v9, $0.0e+00;
	v7 =	vsub.f32 v13, v7  }
0x3bc: {  	v13 =	vadd.f32 v14, v16;
	v54 =	vmul.f32 v48, v14;
	v14 =	vadd.f32 v50, v23  }
0x3bd: {  	v23 =	vmax.f32 v23, v1;
	v8 =	vsub.f32 v10, v47;
	v56 =	vadd.f32 v53, v11  }
0x3be: {  	v10 =	vadd.f32 v43, v19;
	v19 =	vmul.f32 v43, v22;
	v14 =	vmin.f32 v14, v3  }
0x3bf: {  	v14 =	vsub.f32 v14, v23;
	v23 =	vld [tilespmem:s25+$0x830];
	v11 =	vmax.f32 v11, v1;
	v32 =	vmin.f32 v56, v3  }
0x3c0: {  	v22 =	vmax.f32 v16, v1;
	v16 =	vmax.f32 v45, v2;
	v58 =	vsub.f32 v32, v11;
	v11 =	vld [tilespmem:s25+$0xFFFFF060]  }
0x3c1: {  	v7 =	vmax.f32 v7, $0.0e+00;
	v13 =	vmin.f32 v13, v3;
	v16 =	vsub.f32 v27, v16  }
0x3c2: {  	v10 =	vmin.f32 v10, v4;
	v13 =	vsub.f32 v13, v22;
	v22 =	vadd.f32 v52, v49  }
0x3c3: {  	v59 =	vsel vm15, $0x3F800000, v0;
	v8 =	vmax.f32 v8, $0.0e+00;
	v10 =	vsub.f32 v10, v51  }
0x3c4: {  	v16 =	vmax.f32 v16, $0.0e+00;
	v22 =	vmin.f32 v22, v4;
	v13 =	vmax.f32 v13, $0.0e+00  }
0x3c5: {  	v21 =	vmul.f32 v23, v53;
	v23 =	vadd.f32 v23, v57;
	v62 =	vadd.f32 v55, v11  }
0x3c6: {  	v14 =	vmax.f32 v14, $0.0e+00;
	v22 =	vsub.f32 v22, v25;
	v10 =	vmax.f32 v10, $0.0e+00  }
0x3c7: {  	v23 =	vmin.f32 v23, v4;
	v11 =	vmax.f32 v11, v1;
	v27 =	vmin.f32 v62, v3  }
0x3c8: {  	v22 =	vmax.f32 v22, $0.0e+00;
	v23 =	vsub.f32 v23, v61;
	v63 =	vsub.f32 v27, v11  }
0x3c9: {  	v11 =	vmul.f32 v20, v12;
	v20 =	vmax.f32 v58, $0.0e+00;
	v12 =	vmul.f32 v8, v9  }
0x3ca: {  	v8 =	vmul.f32 v10, v7;
	v7 =	vmax.f32 v23, $0.0e+00;
	v10 =	vmul.f32 v16, v13  }
0x3cb: {  	[tilespmem:s4+$0x0] =	vst v6;
	v9 =	vmul.f32 v22, v14;
	v16 =	vadd.f32 v26, v5;
	v22 =	vadd.f32 v19, v5  }
0x3cc: {  	s12 =	simm.s32 $0x5EF0;
	[tilespmem:s4+$0xFFFFFFB0] =	vst v18;
	v7 =	vmul.f32 v7, v20;
	v20 =	vadd.f32 v15, v5;
	v6 =	vmax.f32 v63, $0.0e+00  }
0x3cd: {  	[tilespmem:s12+$0x0] =	vst v59;
	v13 =	vadd.f32 v54, v5;
	v19 =	vsel vm3, $0x3F800000, v0;
	v14 =	vmul.f32 v60, v6  }
0x3ce: {  	v15 =	vadd.f32 v28, v5;
	[tilespmem:s4+$0xFFFFFFC0] =	vst v19;
	v6 =	vsel vm5, $0x3F800000, v0;
	v19 =	vsub.f32 v20, v12  }
0x3cf: {  	[tilespmem:s4+$0xFFFFFFA0] =	vst v6;
	v6 =	vadd.f32 v21, v5;
	v21 =	vsel vm2, $0x3F800000, v0;
	v18 =	vsub.f32 v16, v14  }
0x3d0: {  	s11 =	simm.s32 $0x6580;
	s13 =	simm.s32 $0x80;
	s5 =	simm.s32 $0x10A0;
	v20 =	vsel vm1, $0x3F800000, v0;
	v16 =	vsub.f32 v17, v11;
	v17 =	vsub.f32 v22, v8;
	[tilespmem:s4+$0xFFFFFFD0] =	vst v21  }
.LBB2_18:
0x3d1: {  	v21 =	vld [tilespmem:s5+$0xFFFFF0D0];
	v18 =	vmax.f32 v18, $9.999999970e-07;
	v13 =	vsub.f32 v13, v10;
	v15 =	vsub.f32 v15, v9;
	[tilespmem:s4+$0xFFFFFFE0] =	vst v20  }
0x3d2: {  	v16 =	vmax.f32 v16, $9.999999970e-07;
	v6 =	vsub.f32 v6, v7;
	v20 =	vld [tilespmem:s5+$0xFFFFF8A0];
	v19 =	vmax.f32 v19, $9.999999970e-07  }
0x3d3: {  	v17 =	vmax.f32 v17, $9.999999970e-07;
	v22 =	vld [tilespmem:s5+$0x70];
	v13 =	vmax.f32 v13, $9.999999970e-07;
	v15 =	vmax.f32 v15, $9.999999970e-07  }
0x3d4: {  	s13 =	sadd.s32 $0x80, s13;
	v18 =	vmul.f32 $5.000000000e-01, v18;
	v16 =	vmul.f32 $5.000000000e-01, v16;
	v24 =	vmax.f32 v6, $9.999999970e-07;
	v23 =	vld [tilespmem:s5+$0x840]  }
0x3d5: {  	v26 =	vsel vm0, $0x3F800000, v0;
	p0 =	slt.u32 s13, $0x700;
	v19 =	vmul.f32 $5.000000000e-01, v19;
	v17 =	vmul.f32 $5.000000000e-01, v17;
	v25 =	vld [tilespmem:s5+$0xFFFFF830]  }
0x3d6: {  	vm6 =	vge.f32 v14, v18;
	v13 =	vmul.f32 $5.000000000e-01, v13;
	v14 =	vmul.f32 $5.000000000e-01, v15;
	v6 =	vld [tilespmem:s5+$0x0];
	[tilespmem:s4+$0xFFFFFFF0] =	vst v26;
	s4 =	smov.u32 s12  }
0x3d7: {  	vm5 =	vge.f32 v11, v16;
	v11 =	vmul.f32 $5.000000000e-01, v24;
	vm4 =	vge.f32 v12, v19;
	v15 =	vld [tilespmem:s5+$0x7D0]  }
0x3d8: {  	vm3 =	vge.f32 v8, v17;
	vm2 =	vge.f32 v10, v13;
	vm1 =	vge.f32 v9, v14;
	v12 =	vld [tilespmem:s5+$0xFFFFF070]  }
0x3d9: {  	vm0 =	vge.f32 v7, v11;
	v9 =	vadd.f32 v22, v21;
	v8 =	vld [tilespmem:s5+$0xFFFFF840];
	v10 =	vadd.f32 v23, v20  }
0x3da: {  	v14 =	vmax.f32 v21, v1;
	v7 =	vsel vm6, $0x3F800000, v0;
	v11 =	vmax.f32 v25, v2;
	v13 =	vld [tilespmem:s5+$0x10]  }
0x3db: {  	v17 =	vmax.f32 v20, v2;
	v9 =	vmin.f32 v9, v3;
	v16 =	vld [tilespmem:s5+$0x7E0];
	v10 =	vmin.f32 v10, v4;
	[tilespmem:s12+$0xFFFFFF90] =	vst v7  }
0x3dc: {  	v9 =	vsub.f32 v9, v14;
	v7 =	vmul.f32 v15, v6;
	v18 =	vld [tilespmem:s5+$0xFFFFF080];
	v10 =	vsub.f32 v10, v17  }
0x3dd: {  	v19 =	vmul.f32 v23, v22;
	v14 =	vadd.f32 v15, v25;
	v15 =	vmax.f32 v12, v1;
	v17 =	vld [tilespmem:s5+$0xFFFFF850]  }
0x3de: {  	v9 =	vmax.f32 v9, $0.0e+00;
	v20 =	vmax.f32 v8, v2;
	v21 =	vld [tilespmem:s5+$0x20];
	v10 =	vmax.f32 v10, $0.0e+00  }
0x3df: {  	v12 =	vadd.f32 v13, v12;
	v22 =	vld [tilespmem:s5+$0x7F0];
	v9 =	vmul.f32 v10, v9;
	v10 =	vadd.f32 v19, v5  }
0x3e0: {  	v14 =	vmin.f32 v14, v4;
	v8 =	vadd.f32 v16, v8;
	v13 =	vmul.f32 v16, v13;
	v16 =	vld [tilespmem:s5+$0xFFFFF090]  }
0x3e1: {  	v12 =	vmin.f32 v12, v3;
	v19 =	vmax.f32 v18, v1;
	v23 =	vld [tilespmem:s5+$0xFFFFF860];
	v10 =	vsub.f32 v10, v9  }
0x3e2: {  	v11 =	vsub.f32 v14, v11;
	v8 =	vmin.f32 v8, v4;
	v14 =	vmax.f32 v17, v2;
	v24 =	vld [tilespmem:s5+$0x30]  }
0x3e3: {  	v12 =	vsub.f32 v12, v15;
	v15 =	vadd.f32 v21, v18;
	v18 =	vld [tilespmem:s5+$0x800];
	v10 =	vmax.f32 v10, $9.999999970e-07  }
0x3e4: {  	v8 =	vsub.f32 v8, v20;
	v17 =	vadd.f32 v22, v17;
	v20 =	vld [tilespmem:s5+$0xFFFFF0A0];
	v10 =	vmul.f32 $5.000000000e-01, v10  }
0x3e5: {  	v21 =	vmul.f32 v22, v21;
	v15 =	vmin.f32 v15, v3;
	v22 =	vmax.f32 v16, v1;
	v25 =	vld [tilespmem:s5+$0xFFFFF870]  }
0x3e6: {  	v17 =	vmin.f32 v17, v4;
	v26 =	vmax.f32 v23, v2;
	v27 =	vld [tilespmem:s5+$0x40];
	vm6 =	vge.f32 v9, v10  }
0x3e7: {  	s12 =	sadd.s32 $0x80, s12;
	v9 =	vsub.f32 v15, v19;
	v10 =	vadd.f32 v24, v16;
	v15 =	vld [tilespmem:s5+$0x810];
	v16 =	vsel vm6, $0x3F800000, v0  }
0x3e8: {  	s14 =	simm.s32 $0x770;
	s25 =	simm.s32 $0x1720;
	v14 =	vsub.f32 v17, v14;
	v17 =	vadd.f32 v18, v23;
	v18 =	vmul.f32 v18, v24;
	v19 =	vld [tilespmem:s5+$0xFFFFF0B0];
	[tilespmem:s12+$0x0] =	vst v16  }
0x3e9: {  	v16 =	vmax.f32 v11, $0.0e+00;
	v10 =	vmin.f32 v10, v3;
	v11 =	vmax.f32 v20, v1;
	v23 =	vld [tilespmem:s5+$0xFFFFF880]  }
0x3ea: {  	v17 =	vmin.f32 v17, v4;
	v10 =	vsub.f32 v10, v22;
	v22 =	vmax.f32 v25, v2;
	v24 =	vld [tilespmem:s5+$0x50]  }
0x3eb: {  	v12 =	vmax.f32 v12, $0.0e+00;
	v17 =	vsub.f32 v17, v26;
	v20 =	vadd.f32 v27, v20;
	v26 =	vld [tilespmem:s5+$0x820]  }
0x3ec: {  	v8 =	vmax.f32 v8, $0.0e+00;
	v25 =	vadd.f32 v15, v25;
	v15 =	vmul.f32 v15, v27;
	v27 =	vld [tilespmem:s5+$0xFFFFF0C0]  }
0x3ed: {  	v9 =	vmax.f32 v9, $0.0e+00;
	v20 =	vmin.f32 v20, v3;
	v28 =	vmax.f32 v19, v1;
	v29 =	vld [tilespmem:s5+$0xFFFFF890]  }
0x3ee: {  	v25 =	vmin.f32 v25, v4;
	v11 =	vsub.f32 v20, v11;
	v20 =	vmax.f32 v23, v2;
	v30 =	vld [tilespmem:s5+$0x60]  }
0x3ef: {  	v14 =	vmax.f32 v14, $0.0e+00;
	v22 =	vsub.f32 v25, v22;
	v19 =	vadd.f32 v24, v19;
	v25 =	vld [tilespmem:s5+$0x830]  }
0x3f0: {  	v10 =	vmax.f32 v10, $0.0e+00;
	v31 =	vld [tilespmem:s5+$0xFFFFF060];
	v23 =	vadd.f32 v26, v23;
	v24 =	vmul.f32 v26, v24  }
0x3f1: {  	v17 =	vmax.f32 v17, $0.0e+00;
	v19 =	vmin.f32 v19, v3;
	v26 =	vmax.f32 v27, v1  }
0x3f2: {  	v23 =	vmin.f32 v23, v4;
	v19 =	vsub.f32 v19, v28;
	v28 =	vmax.f32 v29, v2  }
0x3f3: {  	v32 =	vmax.f32 v11, $0.0e+00;
	v11 =	vsub.f32 v23, v20;
	v20 =	vadd.f32 v30, v27  }
0x3f4: {  	v22 =	vmax.f32 v22, $0.0e+00;
	v23 =	vadd.f32 v25, v29;
	v25 =	vmul.f32 v25, v30  }
0x3f5: {  	v27 =	vmax.f32 v31, v1;
	v6 =	vadd.f32 v6, v31;
	v20 =	vmin.f32 v20, v3  }
0x3f6: {  	v19 =	vmax.f32 v19, $0.0e+00;
	v23 =	vmin.f32 v23, v4;
	v20 =	vsub.f32 v20, v26  }
0x3f7: {  	v26 =	vmax.f32 v11, $0.0e+00;
	v6 =	vmin.f32 v6, v3;
	v23 =	vsub.f32 v23, v28  }
0x3f8: {  	v11 =	vmul.f32 v8, v12;
	v6 =	vsub.f32 v6, v27;
	v20 =	vmax.f32 v20, $0.0e+00  }
0x3f9: {  	v12 =	vmul.f32 v14, v9;
	v8 =	vmul.f32 v17, v10;
	v17 =	vmax.f32 v23, $0.0e+00  }
0x3fa: {  	v10 =	vmul.f32 v22, v32;
	v9 =	vmul.f32 v26, v19;
	v6 =	vmax.f32 v6, $0.0e+00  }
0x3fb: {  	v14 =	vmul.f32 v16, v6;
	v16 =	vadd.f32 v7, v5;
	v7 =	vmul.f32 v17, v20  }
.Ltmp8:
0x3fc: {  	v19 =	vadd.f32 v21, v5;
	v17 =	vadd.f32 v13, v5;
	v6 =	vsel vm5, $0x3F800000, v0;
	(pc) =	sbr.rel @p0 .LBB2_18-.Ltmp8, $4  }
0x3fd: {  	v20 =	vadd.f32 v18, v5;
	v13 =	vadd.f32 v15, v5;
	v18 =	vsel vm4, $0x3F800000, v0;
	[tilespmem:s4+$0xFFFFFFA0] =	vst v6  }
0x3fe: {  	v21 =	vsel vm3, $0x3F800000, v0;
	v15 =	vadd.f32 v24, v5;
	v6 =	vadd.f32 v25, v5;
	[tilespmem:s4+$0xFFFFFFB0] =	vst v18  }
0x3ff: {  	v18 =	vsub.f32 v16, v14;
	v16 =	vsub.f32 v17, v11;
	[tilespmem:s4+$0xFFFFFFC0] =	vst v21;
	v21 =	vsel vm2, $0x3F800000, v0  }
0x400: {  	s5 =	sadd.s32 $0x80, s5;
	v19 =	vsub.f32 v19, v12;
	v17 =	vsub.f32 v20, v8;
	v20 =	vsel vm1, $0x3F800000, v0;
	[tilespmem:s4+$0xFFFFFFD0] =	vst v21  }
0x401: {  	v18 =	vmax.f32 v18, $9.999999970e-07;
	v13 =	vsub.f32 v13, v10;
	v15 =	vsub.f32 v15, v9  }
0x402: {  	v16 =	vmax.f32 v16, $9.999999970e-07;
	v6 =	vsub.f32 v6, v7;
	v56 =	vsel vm0, $0x3F800000, v0  }
0x403: {  	v19 =	vmax.f32 v19, $9.999999970e-07;
	v17 =	vmax.f32 v17, $9.999999970e-07;
	v18 =	vmul.f32 $5.000000000e-01, v18  }
0x404: {  	v16 =	vmul.f32 $5.000000000e-01, v16;
	v13 =	vmax.f32 v13, $9.999999970e-07;
	v15 =	vmax.f32 v15, $9.999999970e-07  }
0x405: {  	[tilespmem:s4+$0xFFFFFFE0] =	vst v20;
	v6 =	vmax.f32 v6, $9.999999970e-07;
	v19 =	vmul.f32 $5.000000000e-01, v19;
	vm10 =	vge.f32 v14, v18  }
0x406: {  	[tilespmem:s4+$0xFFFFFFF0] =	vst v56;
	v57 =	vmul.f32 $5.000000000e-01, v17;
	vm1 =	vge.f32 v11, v16;
	v58 =	vsel vm10, $0x3F800000, v0  }
0x407: {  	v13 =	vmul.f32 $5.000000000e-01, v13;
	vm11 =	vge.f32 v12, v19;
	v59 =	vsel vm1, $0x3F800000, v0;
	[tilespmem:s12+$0xFFFFFF90] =	vst v58  }
0x408: {  	v60 =	vmul.f32 $5.000000000e-01, v15;
	vm12 =	vge.f32 v8, v57;
	[tilespmem:s12+$0xFFFFFFA0] =	vst v59;
	v61 =	vsel vm11, $0x3F800000, v0  }
0x409: {  	v6 =	vmul.f32 $5.000000000e-01, v6;
	vm13 =	vge.f32 v10, v13;
	v62 =	vsel vm12, $0x3F800000, v0;
	[tilespmem:s12+$0xFFFFFFB0] =	vst v61  }
0x40a: {  	vm14 =	vge.f32 v9, v60;
	[tilespmem:s12+$0xFFFFFFC0] =	vst v62;
	v63 =	vsel vm13, $0x3F800000, v0  }
0x40b: {  	vm15 =	vge.f32 v7, v6;
	v6 =	vsel vm14, $0x3F800000, v0;
	[tilespmem:s12+$0xFFFFFFD0] =	vst v63  }
0x40c: {  	[tilespmem:s12+$0xFFFFFFE0] =	vst v6;
	v6 =	vsel vm15, $0x3F800000, v0  }
0x40d: {  	[tilespmem:s12+$0xFFFFFFF0] =	vst v6  }
.LBB2_20:
0x40e: {  	v6 =	vld [tilespmem:s25+$0xFFFFF060]  }
0x40f: {  	v7 =	vld [tilespmem:s25+$0xFFFFF830]  }
0x410: {  	v8 =	vld [tilespmem:s25+$0x0]  }
0x411: {  	v9 =	vld [tilespmem:s25+$0x7D0];
	_ =	sdelay $0x4  }
0x412: {  	v10 =	vadd.f32 v8, v6;
	v11 =	vadd.f32 v9, v7  }
0x413: {  	v6 =	vmax.f32 v6, v1  }
0x414: {  	v7 =	vmax.f32 v7, v2;
	v10 =	vmin.f32 v10, v3;
	v11 =	vmin.f32 v11, v4  }
0x415: {  	v6 =	vsub.f32 v10, v6;
	v7 =	vsub.f32 v11, v7  }
0x416: {  	v8 =	vmul.f32 v9, v8  }
0x417: {  	v6 =	vmax.f32 v6, $0.0e+00;
	v7 =	vmax.f32 v7, $0.0e+00  }
0x418: {  	v6 =	vmul.f32 v7, v6;
	v7 =	vadd.f32 v8, v5;
	_ =	sdelay $0x1  }
0x419: {  	v7 =	vsub.f32 v7, v6  }
0x41a: {  	s14 =	sadd.s32 $0x10, s14  }
0x41b: {  	p0 =	slt.u32 s14, $0x7C0;
	v7 =	vmax.f32 v7, $9.999999970e-07  }
.Ltmp9:
0x41c: {  	v7 =	vmul.f32 $5.000000000e-01, v7;
	(pc) =	sbr.rel @p0 .LBB2_20-.Ltmp9, $4  }
0x41d: {  	_ = 	snop  }
0x41e: {  	vm0 =	vge.f32 v6, v7  }
0x41f: {  	v6 =	vsel vm0, $0x3F800000, v0  }
0x420: {  	s25 =	sadd.s32 $0x10, s25;
	[tilespmem:s11+$0x0] =	vst v6;
	s11 =	sadd.s32 $0x10, s11  }
0x421: {  	s4 =	simm.s32 $0x5E00  }
0x422: {  	[hbm4b:s29+s1] =	stream.linear.scatter [tilespmem:s4], [sflag:$0x3], $0x7D0, $0x38;
	[tilespmem:$0x65D0] =	vst v63  }
0x423: {  	_ =	swait.ge [sflag:s9], $0x7D0  }
0x424: {  	[sflag:s9] =	ssyncset.done $0x0  }
0x425: {  	[sflag:s9] =	ssyncadd.s32 $0xFFFFF830  }
0x426: {  	_ =	swait.ge [sflag:s9], $0x7D0  }
0x427: {  	[sflag:s9] =	ssyncset.done $0x0  }
0x428: {  	[sflag:s9] =	ssyncadd.s32 $0xFFFFF830  }
0x429: {  	_ =	swait.ge [sflag:s9], $0x7D0  }
0x42a: {  	[sflag:s9] =	ssyncset.done $0x0  }
0x42b: {  	s10 =	sadd.s32 $0x1, s10;
	[sflag:s9] =	ssyncadd.s32 $0xFFFFF830  }
0x42c: {  	p0 =	sne.s32 s10, s30;
	_ =	swait.ge [sflag:s9], $0x7D0  }
.Ltmp10:
0x42d: {  	[sflag:s9] =	ssyncset.done $0x0;
	(pc) =	sbr.rel @p0 .LBB2_1-.Ltmp10, $4  }
0x42e: {  	[sflag:s9] =	ssyncadd.s32 $0xFFFFF830  }
0x42f: {  	_ =	swait.ge [sflag:s9], $0x7D0  }
0x430: {  	[sflag:s9] =	ssyncset.done $0x0  }
0x431: {  	[sflag:s9] =	ssyncadd.s32 $0xFFFFF830  }
0x432: {  	_ =	sfence.sel $0x180000  }
0x433: {  	[bflag:$0x0] =	sbarrier.arrive $0xFFFF  }
0x434: {  	_ =	strace $0x90000047  }
0x435: {  	s0 =	stileid.u32;
	[bflag:$0x2] =	sbarrier.arrive $0xFFFF  }
0x436: {  	p0 =	sne.s32 s0, $0x0;
	s0 =	rddreg [dreg:$0x2]  }
0x437: {  	s0 =	sadd.s32 @!p0 $0x100000, s0  }
0x438: {  	[sflag:s0] =	ssyncadd.tile.s32 @!p0 $0x1;
	_ =	shalt  }
.Lfunc_end2:
_tile_overlayer_lowered:
.L_overlay_start_2:
0x439: {  	(tag) =	ssettag $0x2  }
0x43a: {  	s0 =	rddreg [dreg:$0x0];
	s2 =	stileid.u32  }
0x43b: {  	s1 =	rddreg [dreg:$0x1];
	p0 =	sne.s32 s2, $0x0  }
0x43c: {  	s3 =	rddreg [dreg:$0x2];
	[bflag:$0x3] =	sbarrier.arrive $0xFFFF;
	s2 =	simm.s32 @!p0 $0x1C04  }
0x43d: {  	[timem:s3], [sflag:s2] =	dma.local @!p0 [hbm:s0], s1  }
0x43e: {  	s0 =	simm.s32 @!p0 $0x4  }
0x43f: {  	_ =	swait.ge @!p0 [sflag:s0], s1  }
0x440: {  	s1 =	ssub.s32 @!p0 $0x0, s1;
	[sflag:s0] =	ssyncset.done @!p0 $0x0  }
0x441: {  	[sflag:s0] =	ssyncadd.s32 @!p0 s1  }
0x442: {  	[bflag:$0x3] =	sbarrier.arrive $0xFFFF  }
0x443: {  	_ =	shalt  }

</sc_bundles>
